<compile_context>
chip_gen: v7x
topology: tpu7x:2x2x1
jax: 0.10.2.dev20260603
libtpu: 0.0.44.dev20260713+nightly
codegen_flags: <defaults>
</compile_context>

<pallas_src>
import functools

import jax
import jax.numpy as jnp
from jax import lax
from jax.experimental import pallas as pl
from jax.experimental.pallas import tpu as pltpu
from jax.experimental.pallas import tpu_sc as plsc

NQ = 256
DX = 1024
D = 512
NE = 100000
BLK = 2048
NB = 50
NBLK = 49
NEP = NBLK * BLK
NCHUNK = NBLK * 128
TOPK = 16
BETA = 8.0
NEG = -3.0e38

_HI = jax.lax.Precision.HIGHEST


def _phase_a_body(x_ref, emb_ref, proj_ref, sc_ref, m_ref, xp_s, xn_s):
    i = pl.program_id(0)

    @pl.when(i == 0)
    def _():
        xp = lax.dot_general(x_ref[...], proj_ref[...],
                             (((1,), (1,)), ((), ())),
                             preferred_element_type=jnp.float32,
                             precision=_HI)
        xp_s[...] = xp
        xnsq = jnp.sum(xp * xp, axis=1, keepdims=True)
        xn_s[...] = jnp.broadcast_to(jnp.sqrt(xnsq), (NQ, 128))

    blk = emb_ref[...]
    xp = xp_s[...]
    s = lax.dot_general(xp, blk, (((1,), (1,)), ((), ())),
                        preferred_element_type=jnp.float32, precision=_HI)
    sq = blk * blk
    ensq = lax.dot_general(jnp.ones((8, D), jnp.float32), sq,
                           (((1,), (1,)), ((), ())),
                           preferred_element_type=jnp.float32,
                           precision=_HI)[0:1, :]
    en = jnp.sqrt(ensq)
    xn = xn_s[:, 0:1]
    scores = s / (xn * en + 1e-8)
    col = BLK * i + lax.broadcasted_iota(jnp.int32, (NQ, BLK), 1)
    scores = jnp.where(col < NE, scores, NEG)
    sc_ref[...] = scores
    m_ref[...] = jnp.max(scores.reshape(NQ, 16, 128), axis=1)[None]


def _phase_a(xq, embeddings, proj):
    return pl.pallas_call(
        _phase_a_body,
        grid=(NBLK,),
        in_specs=[
            pl.BlockSpec((NQ, DX), lambda i: (0, 0)),
            pl.BlockSpec((BLK, D), lambda i: (i, 0)),
            pl.BlockSpec((D, DX), lambda i: (0, 0)),
        ],
        out_specs=[
            pl.BlockSpec((NQ, BLK), lambda i: (0, i)),
            pl.BlockSpec((1, NQ, 128), lambda i: (i, 0, 0)),
        ],
        out_shape=[
            jax.ShapeDtypeStruct((NQ, NEP), jnp.float32),
            jax.ShapeDtypeStruct((NBLK, NQ, 128), jnp.float32),
        ],
        scratch_shapes=[
            pltpu.VMEM((NQ, D), jnp.float32),
            pltpu.VMEM((NQ, 128), jnp.float32),
        ],
        compiler_params=pltpu.CompilerParams(
            dimension_semantics=("arbitrary",)),
    )(xq, embeddings, proj)


def _phase_b_body(m_ref, ccol_ref, sidx_ref):
    mv = m_ref[...]
    b_iota = lax.broadcasted_iota(jnp.int32, (NBLK, NQ, 128), 0)
    l_iota = lax.broadcasted_iota(jnp.int32, (NBLK, NQ, 128), 2)
    cbase = b_iota * BLK + l_iota
    big = jnp.int32(2 ** 30)
    sels = []
    for _ in range(TOPK):
        m1 = jnp.max(mv, axis=0)
        mm = jnp.max(m1, axis=1, keepdims=True)
        eq = mv == mm[None, :, :]
        t = jnp.min(jnp.where(eq, cbase, big), axis=0)
        sel = jnp.min(t, axis=1, keepdims=True)
        sels.append(sel)
        mv = jnp.where(cbase == sel[None, :, :], NEG, mv)
    selmat = jnp.concatenate(sels, axis=1)
    j_iota = lax.broadcasted_iota(jnp.int32, (NQ, TOPK, 16), 2)
    ccol = selmat[:, :, None] + 128 * j_iota
    q_iota = lax.broadcasted_iota(jnp.int32, (NQ, TOPK, 16), 0)
    ccol_ref[...] = ccol
    sidx_ref[...] = ccol + q_iota * NEP


def _phase_b(m):
    return pl.pallas_call(
        _phase_b_body,
        out_shape=[
            jax.ShapeDtypeStruct((NQ, TOPK, 16), jnp.int32),
            jax.ShapeDtypeStruct((NQ, TOPK, 16), jnp.int32),
        ],
    )(m)


def _phase_d_body(cand_ref, col_ref, w_ref, id_ref):
    cv = cand_ref[...]
    cols = col_ref[...]
    big = jnp.int32(2 ** 30)
    vals, ids = [], []
    for _ in range(TOPK):
        m = jnp.max(cv, axis=1, keepdims=True)
        sel = jnp.min(jnp.where(cv == m, cols, big), axis=1, keepdims=True)
        vals.append(m)
        ids.append(sel)
        cv = jnp.where(cols == sel, NEG, cv)
    v = jnp.concatenate(vals, axis=1)
    ind = jnp.concatenate(ids, axis=1)
    z = BETA * v
    z = z - jnp.max(z, axis=1, keepdims=True)
    e = jnp.exp(z)
    w = e / jnp.sum(e, axis=1, keepdims=True)
    w_ref[...] = jnp.broadcast_to(w[:, :, None], (NQ, TOPK, 16))
    id_ref[...] = ind


def _phase_d(cand, ccol):
    return pl.pallas_call(
        _phase_d_body,
        out_shape=[
            jax.ShapeDtypeStruct((NQ, TOPK, 16), jnp.float32),
            jax.ShapeDtypeStruct((NQ, TOPK), jnp.int32),
        ],
    )(cand, ccol)



_NC = 2
_NS = 16
_NW = _NC * _NS

_C_PER_W = (NQ * 256) // _NW
_E_PER_W = (NQ * TOPK) // _NW
_QB = NQ // _NW


def _phase_c_body(table, idx_hbm, out_hbm, idx_v, vals_v, sem):
    wid = lax.axis_index("s") * _NC + lax.axis_index("c")
    base = wid * _C_PER_W
    pltpu.sync_copy(idx_hbm.at[pl.ds(base, _C_PER_W)], idx_v)
    copies = []
    for t in range(_C_PER_W // 128):
        copies.append(pltpu.async_copy(
            table.at[idx_v.at[pl.ds(t * 128, 128)]],
            vals_v.at[pl.ds(t * 128, 128), :], sem))
    for cp in copies:
        cp.wait()
    pltpu.sync_copy(vals_v, out_hbm.at[pl.ds(base, _C_PER_W), :])


def _phase_c(scores_flat, sidx_flat):
    mesh = plsc.VectorSubcoreMesh(core_axis_name="c", subcore_axis_name="s")
    kfn = functools.partial(
        pl.kernel,
        mesh=mesh,
        out_type=jax.ShapeDtypeStruct((NQ * 256, 1), jnp.float32),
        scratch_types=[
            pltpu.VMEM((_C_PER_W,), jnp.int32),
            pltpu.VMEM((_C_PER_W, 1), jnp.float32),
            pltpu.SemaphoreType.DMA,
        ],
        compiler_params=pltpu.CompilerParams(use_tc_tiling_on_sc=False),
    )(_phase_c_body)
    return kfn(scores_flat, sidx_flat)


def _phase_e_body(table, idx_hbm, w_hbm, out_hbm, idx_v, w_v, rows_v, acc_v,
                  sem):
    wid = lax.axis_index("s") * _NC + lax.axis_index("c")
    base = wid * _E_PER_W
    pltpu.sync_copy(idx_hbm.at[pl.ds(base, _E_PER_W)], idx_v)
    pltpu.sync_copy(w_hbm.at[pl.ds(base, _E_PER_W), :], w_v)
    pltpu.async_copy(table.at[idx_v], rows_v, sem).wait()

    def q_body(q, _):
        def v_body(v, __):
            acc = w_v[q * TOPK, :] * rows_v[q * TOPK, pl.ds(v * 16, 16)]
            for k in range(1, TOPK):
                acc = acc + (w_v[q * TOPK + k, :]
                             * rows_v[q * TOPK + k, pl.ds(v * 16, 16)])
            acc_v[q, pl.ds(v * 16, 16)] = acc
            return __

        return lax.fori_loop(0, D // 16, v_body, _)

    lax.fori_loop(0, _QB, q_body, None)
    pltpu.sync_copy(acc_v, out_hbm.at[pl.ds(wid * _QB, _QB), :])


def _phase_e(embeddings, ids_flat, w_flat):
    mesh = plsc.VectorSubcoreMesh(core_axis_name="c", subcore_axis_name="s")
    kfn = functools.partial(
        pl.kernel,
        mesh=mesh,
        out_type=jax.ShapeDtypeStruct((NQ, D), jnp.float32),
        scratch_types=[
            pltpu.VMEM((_E_PER_W,), jnp.int32),
            pltpu.VMEM((_E_PER_W, 16), jnp.float32),
            pltpu.VMEM((_E_PER_W, D), jnp.float32),
            pltpu.VMEM((_QB, D), jnp.float32),
            pltpu.SemaphoreType.DMA,
        ],
    )(_phase_e_body)
    return kfn(embeddings, ids_flat, w_flat)


def kernel(x, embeddings, proj):
    xq = x.reshape(NQ, DX)
    scores, m = _phase_a(xq, embeddings, proj)
    ccol, sidx = _phase_b(m)
    cand = _phase_c(scores.reshape(NQ * NEP, 1), sidx.reshape(NQ * 256))
    w_exp, ids = _phase_d(cand.reshape(NQ, 256), ccol.reshape(NQ, 256))
    out = _phase_e(embeddings, ids.reshape(NQ * TOPK),
                   w_exp.reshape(NQ * TOPK, 16))
    return out.reshape(32, 8, D)

# --- scband reference (transcript-rebuilt; emitter-appended) ---
"""Pipeline reference for scband-frozen-hopfield-33612414058958 (READ-ONLY COPY).

The authoritative reference and input builder live on the scoring server;
editing this copy changes nothing except your own understanding.
"""

import jax, jax.numpy as jnp
import numpy as np


def setup_inputs(seed: int = 0) -> dict:
    key = jax.random.key(seed)
    k1, k2, k3 = jax.random.split(key, 3)
    x = jax.random.normal(k1, (32, 8, 1024), dtype=jnp.float32)
    embeddings = jax.random.normal(k2, (100000, 512), dtype=jnp.float32)
    std = float(np.sqrt(1024 / 512))
    proj = std * jax.random.normal(k3, (512, 1024), dtype=jnp.float32)
    return {"x": x, "embeddings": embeddings, "proj": proj}


def reference(x, embeddings, proj):
    beta = 8.0
    top_k = 16
    # x -> projected queries: matmul(x, proj.T)
    xp = jnp.matmul(x, proj.T)  # [32, 8, 512]
    # precomputed buffer: embeddings_norm = embeddings.norm(dim=-1) (center=False)
    emb_norm = jnp.linalg.norm(embeddings, axis=-1)  # [100000]
    xn = jnp.linalg.norm(xp, axis=-1, keepdims=True)  # [32, 8, 1]
    sims = jnp.matmul(xp, embeddings.T) / (xn * emb_norm[None, :] + 1e-08)  # [32, 8, 100000]
    # top_k = 16 <= 100 -> gather path
    topk_values, topk_idx = jax.lax.top_k(sims, top_k)  # [32, 8, 16]
    softm = jax.nn.softmax(beta * topk_values, axis=-1)  # [32, 8, 16]
    topk_embeds = embeddings[topk_idx]  # [32, 8, 16, 512]
    out = jnp.sum(topk_embeds * softm[..., None], axis=-2)  # [32, 8, 512]
    return out

if __name__ == "__main__":
    import jax
    _d = setup_inputs()
    print(jax.jit(kernel)(*tuple(_d.values())))

</pallas_src>

<mosaic_0001>
#map = affine_map<(d0, d1) -> (0, 0)>
#map1 = affine_map<(d0, d1) -> (0)>
module attributes {stable_mosaic.version = 14 : i64} {
  func.func @_phase_c_body(%arg0: i32, %arg1: i32, %arg2: memref<25690112x1xf32, #tpu.memory_space<hbm>>, %arg3: memref<65536xi32, #tpu.memory_space<hbm>>, %arg4: memref<65536x1xf32, #tpu.memory_space<hbm>>, %arg5: memref<2048xi32, #tpu.memory_space<vmem>>, %arg6: memref<2048x1xf32, #tpu.memory_space<vmem>>, %arg7: memref<!tpu.dma_semaphore, #tpu.memory_space<semaphore_mem>>) attributes {dimension_semantics = [#tpu.dimension_semantics<core_parallel>, #tpu.dimension_semantics<subcore_parallel>], iteration_bounds = array<i64: 2, 16>, scalar_prefetch = 0 : i64, scratch_operands = 3 : i64, tpu.core_type = #tpu.core_type<sc_vector_subcore>, window_params = [{transform_indices = #map}, {transform_indices = #map1}, {transform_indices = #map}]} {
    %mul3A = arith.constant 2 : i32
    %mul3A_0 = arith.muli %arg1, %mul3A : i32
    %add3A = arith.addi %mul3A_0, %arg0 : i32
    %mul3A_1 = arith.constant 2048 : i32
    %mul3A_2 = arith.muli %add3A, %mul3A_1 : i32
    "tpu.region"() ({
      %run_scoped3A = tpu.sem_alloc : memref<!tpu.dma_semaphore, #tpu.memory_space<semaphore_mem>>
      %dma_start3A_257 = tpu.memref_slice %arg3[%mul3A_2] : memref<65536xi32, #tpu.memory_space<hbm>> -> memref<2048xi32, #tpu.memory_space<hbm>>
      %dma_start3A_258 = tpu.memref_slice %arg3[%mul3A_2] : memref<65536xi32, #tpu.memory_space<hbm>> -> memref<2048xi32, #tpu.memory_space<hbm>>
      tpu.enqueue_dma source(%dma_start3A_258 : memref<2048xi32, #tpu.memory_space<hbm>>) target(%arg5 : memref<2048xi32, #tpu.memory_space<vmem>>) target_semaphore(%run_scoped3A : memref<!tpu.dma_semaphore, #tpu.memory_space<semaphore_mem>>)
      %dma_wait3A_259 = tpu.memref_slice %arg3[%mul3A_2] : memref<65536xi32, #tpu.memory_space<hbm>> -> memref<2048xi32, #tpu.memory_space<hbm>>
      %dma_wait3A_260 = tpu.memref_slice %arg3[%mul3A_2] : memref<65536xi32, #tpu.memory_space<hbm>> -> memref<2048xi32, #tpu.memory_space<hbm>>
      tpu.wait_dma2 semaphore(%run_scoped3A : memref<!tpu.dma_semaphore, #tpu.memory_space<semaphore_mem>>) src(%dma_wait3A_260 : memref<2048xi32, #tpu.memory_space<hbm>>) dst(%arg5 : memref<2048xi32, #tpu.memory_space<vmem>>)
      tpu.yield
    }) : () -> ()
    %dma_start3A = arith.constant 0 : i32
    %dma_start3A_3 = arith.constant 0 : i32
    %dma_start3A_4 = tpu.memref_slice %arg6[%dma_start3A, %dma_start3A_3] : memref<2048x1xf32, #tpu.memory_space<vmem>> -> memref<128x1xf32, #tpu.memory_space<vmem>>
    %dma_start3A_5 = arith.constant 0 : i32
    %dma_start3A_6 = tpu.memref_slice %arg5[%dma_start3A_5] : memref<2048xi32, #tpu.memory_space<vmem>> -> memref<128xi32, #tpu.memory_space<vmem>>
    %dma_start3A_7 = arith.constant 0 : i32
    %dma_start3A_8 = arith.constant 0 : i32
    %dma_start3A_9 = tpu.memref_slice %arg2[%dma_start3A_7, %dma_start3A_8] : memref<25690112x1xf32, #tpu.memory_space<hbm>> -> memref<25690112x1xf32, #tpu.memory_space<hbm>>
    tpu.enqueue_indirect_dma source(%dma_start3A_9 : memref<25690112x1xf32, #tpu.memory_space<hbm>>) target(%dma_start3A_4 : memref<128x1xf32, #tpu.memory_space<vmem>>) offsets(%dma_start3A_6 : memref<128xi32, #tpu.memory_space<vmem>>) semaphore(%arg7 : memref<!tpu.dma_semaphore, #tpu.memory_space<semaphore_mem>>)
    %dma_start3A_10 = arith.constant 128 : i32
    %dma_start3A_11 = arith.constant 0 : i32
    %dma_start3A_12 = tpu.memref_slice %arg6[%dma_start3A_10, %dma_start3A_11] : memref<2048x1xf32, #tpu.memory_space<vmem>> -> memref<128x1xf32, #tpu.memory_space<vmem>>
    %dma_start3A_13 = arith.constant 128 : i32
    %dma_start3A_14 = tpu.memref_slice %arg5[%dma_start3A_13] : memref<2048xi32, #tpu.memory_space<vmem>> -> memref<128xi32, #tpu.memory_space<vmem>>
    %dma_start3A_15 = arith.constant 0 : i32
    %dma_start3A_16 = arith.constant 0 : i32
    %dma_start3A_17 = tpu.memref_slice %arg2[%dma_start3A_15, %dma_start3A_16] : memref<25690112x1xf32, #tpu.memory_space<hbm>> -> memref<25690112x1xf32, #tpu.memory_space<hbm>>
    tpu.enqueue_indirect_dma source(%dma_start3A_17 : memref<25690112x1xf32, #tpu.memory_space<hbm>>) target(%dma_start3A_12 : memref<128x1xf32, #tpu.memory_space<vmem>>) offsets(%dma_start3A_14 : memref<128xi32, #tpu.memory_space<vmem>>) semaphore(%arg7 : memref<!tpu.dma_semaphore, #tpu.memory_space<semaphore_mem>>)
    %dma_start3A_18 = arith.constant 256 : i32
    %dma_start3A_19 = arith.constant 0 : i32
    %dma_start3A_20 = tpu.memref_slice %arg6[%dma_start3A_18, %dma_start3A_19] : memref<2048x1xf32, #tpu.memory_space<vmem>> -> memref<128x1xf32, #tpu.memory_space<vmem>>
    %dma_start3A_21 = arith.constant 256 : i32
    %dma_start3A_22 = tpu.memref_slice %arg5[%dma_start3A_21] : memref<2048xi32, #tpu.memory_space<vmem>> -> memref<128xi32, #tpu.memory_space<vmem>>
    %dma_start3A_23 = arith.constant 0 : i32
    %dma_start3A_24 = arith.constant 0 : i32
    %dma_start3A_25 = tpu.memref_slice %arg2[%dma_start3A_23, %dma_start3A_24] : memref<25690112x1xf32, #tpu.memory_space<hbm>> -> memref<25690112x1xf32, #tpu.memory_space<hbm>>
    tpu.enqueue_indirect_dma source(%dma_start3A_25 : memref<25690112x1xf32, #tpu.memory_space<hbm>>) target(%dma_start3A_20 : memref<128x1xf32, #tpu.memory_space<vmem>>) offsets(%dma_start3A_22 : memref<128xi32, #tpu.memory_space<vmem>>) semaphore(%arg7 : memref<!tpu.dma_semaphore, #tpu.memory_space<semaphore_mem>>)
    %dma_start3A_26 = arith.constant 384 : i32
    %dma_start3A_27 = arith.constant 0 : i32
    %dma_start3A_28 = tpu.memref_slice %arg6[%dma_start3A_26, %dma_start3A_27] : memref<2048x1xf32, #tpu.memory_space<vmem>> -> memref<128x1xf32, #tpu.memory_space<vmem>>
    %dma_start3A_29 = arith.constant 384 : i32
    %dma_start3A_30 = tpu.memref_slice %arg5[%dma_start3A_29] : memref<2048xi32, #tpu.memory_space<vmem>> -> memref<128xi32, #tpu.memory_space<vmem>>
    %dma_start3A_31 = arith.constant 0 : i32
    %dma_start3A_32 = arith.constant 0 : i32
    %dma_start3A_33 = tpu.memref_slice %arg2[%dma_start3A_31, %dma_start3A_32] : memref<25690112x1xf32, #tpu.memory_space<hbm>> -> memref<25690112x1xf32, #tpu.memory_space<hbm>>
    tpu.enqueue_indirect_dma source(%dma_start3A_33 : memref<25690112x1xf32, #tpu.memory_space<hbm>>) target(%dma_start3A_28 : memref<128x1xf32, #tpu.memory_space<vmem>>) offsets(%dma_start3A_30 : memref<128xi32, #tpu.memory_space<vmem>>) semaphore(%arg7 : memref<!tpu.dma_semaphore, #tpu.memory_space<semaphore_mem>>)
    %dma_start3A_34 = arith.constant 512 : i32
    %dma_start3A_35 = arith.constant 0 : i32
    %dma_start3A_36 = tpu.memref_slice %arg6[%dma_start3A_34, %dma_start3A_35] : memref<2048x1xf32, #tpu.memory_space<vmem>> -> memref<128x1xf32, #tpu.memory_space<vmem>>
    %dma_start3A_37 = arith.constant 512 : i32
    %dma_start3A_38 = tpu.memref_slice %arg5[%dma_start3A_37] : memref<2048xi32, #tpu.memory_space<vmem>> -> memref<128xi32, #tpu.memory_space<vmem>>
    %dma_start3A_39 = arith.constant 0 : i32
    %dma_start3A_40 = arith.constant 0 : i32
    %dma_start3A_41 = tpu.memref_slice %arg2[%dma_start3A_39, %dma_start3A_40] : memref<25690112x1xf32, #tpu.memory_space<hbm>> -> memref<25690112x1xf32, #tpu.memory_space<hbm>>
    tpu.enqueue_indirect_dma source(%dma_start3A_41 : memref<25690112x1xf32, #tpu.memory_space<hbm>>) target(%dma_start3A_36 : memref<128x1xf32, #tpu.memory_space<vmem>>) offsets(%dma_start3A_38 : memref<128xi32, #tpu.memory_space<vmem>>) semaphore(%arg7 : memref<!tpu.dma_semaphore, #tpu.memory_space<semaphore_mem>>)
    %dma_start3A_42 = arith.constant 640 : i32
    %dma_start3A_43 = arith.constant 0 : i32
    %dma_start3A_44 = tpu.memref_slice %arg6[%dma_start3A_42, %dma_start3A_43] : memref<2048x1xf32, #tpu.memory_space<vmem>> -> memref<128x1xf32, #tpu.memory_space<vmem>>
    %dma_start3A_45 = arith.constant 640 : i32
    %dma_start3A_46 = tpu.memref_slice %arg5[%dma_start3A_45] : memref<2048xi32, #tpu.memory_space<vmem>> -> memref<128xi32, #tpu.memory_space<vmem>>
    %dma_start3A_47 = arith.constant 0 : i32
    %dma_start3A_48 = arith.constant 0 : i32
    %dma_start3A_49 = tpu.memref_slice %arg2[%dma_start3A_47, %dma_start3A_48] : memref<25690112x1xf32, #tpu.memory_space<hbm>> -> memref<25690112x1xf32, #tpu.memory_space<hbm>>
    tpu.enqueue_indirect_dma source(%dma_start3A_49 : memref<25690112x1xf32, #tpu.memory_space<hbm>>) target(%dma_start3A_44 : memref<128x1xf32, #tpu.memory_space<vmem>>) offsets(%dma_start3A_46 : memref<128xi32, #tpu.memory_space<vmem>>) semaphore(%arg7 : memref<!tpu.dma_semaphore, #tpu.memory_space<semaphore_mem>>)
    %dma_start3A_50 = arith.constant 768 : i32
    %dma_start3A_51 = arith.constant 0 : i32
    %dma_start3A_52 = tpu.memref_slice %arg6[%dma_start3A_50, %dma_start3A_51] : memref<2048x1xf32, #tpu.memory_space<vmem>> -> memref<128x1xf32, #tpu.memory_space<vmem>>
    %dma_start3A_53 = arith.constant 768 : i32
    %dma_start3A_54 = tpu.memref_slice %arg5[%dma_start3A_53] : memref<2048xi32, #tpu.memory_space<vmem>> -> memref<128xi32, #tpu.memory_space<vmem>>
    %dma_start3A_55 = arith.constant 0 : i32
    %dma_start3A_56 = arith.constant 0 : i32
    %dma_start3A_57 = tpu.memref_slice %arg2[%dma_start3A_55, %dma_start3A_56] : memref<25690112x1xf32, #tpu.memory_space<hbm>> -> memref<25690112x1xf32, #tpu.memory_space<hbm>>
    tpu.enqueue_indirect_dma source(%dma_start3A_57 : memref<25690112x1xf32, #tpu.memory_space<hbm>>) target(%dma_start3A_52 : memref<128x1xf32, #tpu.memory_space<vmem>>) offsets(%dma_start3A_54 : memref<128xi32, #tpu.memory_space<vmem>>) semaphore(%arg7 : memref<!tpu.dma_semaphore, #tpu.memory_space<semaphore_mem>>)
    %dma_start3A_58 = arith.constant 896 : i32
    %dma_start3A_59 = arith.constant 0 : i32
    %dma_start3A_60 = tpu.memref_slice %arg6[%dma_start3A_58, %dma_start3A_59] : memref<2048x1xf32, #tpu.memory_space<vmem>> -> memref<128x1xf32, #tpu.memory_space<vmem>>
    %dma_start3A_61 = arith.constant 896 : i32
    %dma_start3A_62 = tpu.memref_slice %arg5[%dma_start3A_61] : memref<2048xi32, #tpu.memory_space<vmem>> -> memref<128xi32, #tpu.memory_space<vmem>>
    %dma_start3A_63 = arith.constant 0 : i32
    %dma_start3A_64 = arith.constant 0 : i32
    %dma_start3A_65 = tpu.memref_slice %arg2[%dma_start3A_63, %dma_start3A_64] : memref<25690112x1xf32, #tpu.memory_space<hbm>> -> memref<25690112x1xf32, #tpu.memory_space<hbm>>
    tpu.enqueue_indirect_dma source(%dma_start3A_65 : memref<25690112x1xf32, #tpu.memory_space<hbm>>) target(%dma_start3A_60 : memref<128x1xf32, #tpu.memory_space<vmem>>) offsets(%dma_start3A_62 : memref<128xi32, #tpu.memory_space<vmem>>) semaphore(%arg7 : memref<!tpu.dma_semaphore, #tpu.memory_space<semaphore_mem>>)
    %dma_start3A_66 = arith.constant 1024 : i32
    %dma_start3A_67 = arith.constant 0 : i32
    %dma_start3A_68 = tpu.memref_slice %arg6[%dma_start3A_66, %dma_start3A_67] : memref<2048x1xf32, #tpu.memory_space<vmem>> -> memref<128x1xf32, #tpu.memory_space<vmem>>
    %dma_start3A_69 = arith.constant 1024 : i32
    %dma_start3A_70 = tpu.memref_slice %arg5[%dma_start3A_69] : memref<2048xi32, #tpu.memory_space<vmem>> -> memref<128xi32, #tpu.memory_space<vmem>>
    %dma_start3A_71 = arith.constant 0 : i32
    %dma_start3A_72 = arith.constant 0 : i32
    %dma_start3A_73 = tpu.memref_slice %arg2[%dma_start3A_71, %dma_start3A_72] : memref<25690112x1xf32, #tpu.memory_space<hbm>> -> memref<25690112x1xf32, #tpu.memory_space<hbm>>
    tpu.enqueue_indirect_dma source(%dma_start3A_73 : memref<25690112x1xf32, #tpu.memory_space<hbm>>) target(%dma_start3A_68 : memref<128x1xf32, #tpu.memory_space<vmem>>) offsets(%dma_start3A_70 : memref<128xi32, #tpu.memory_space<vmem>>) semaphore(%arg7 : memref<!tpu.dma_semaphore, #tpu.memory_space<semaphore_mem>>)
    %dma_start3A_74 = arith.constant 1152 : i32
    %dma_start3A_75 = arith.constant 0 : i32
    %dma_start3A_76 = tpu.memref_slice %arg6[%dma_start3A_74, %dma_start3A_75] : memref<2048x1xf32, #tpu.memory_space<vmem>> -> memref<128x1xf32, #tpu.memory_space<vmem>>
    %dma_start3A_77 = arith.constant 1152 : i32
    %dma_start3A_78 = tpu.memref_slice %arg5[%dma_start3A_77] : memref<2048xi32, #tpu.memory_space<vmem>> -> memref<128xi32, #tpu.memory_space<vmem>>
    %dma_start3A_79 = arith.constant 0 : i32
    %dma_start3A_80 = arith.constant 0 : i32
    %dma_start3A_81 = tpu.memref_slice %arg2[%dma_start3A_79, %dma_start3A_80] : memref<25690112x1xf32, #tpu.memory_space<hbm>> -> memref<25690112x1xf32, #tpu.memory_space<hbm>>
    tpu.enqueue_indirect_dma source(%dma_start3A_81 : memref<25690112x1xf32, #tpu.memory_space<hbm>>) target(%dma_start3A_76 : memref<128x1xf32, #tpu.memory_space<vmem>>) offsets(%dma_start3A_78 : memref<128xi32, #tpu.memory_space<vmem>>) semaphore(%arg7 : memref<!tpu.dma_semaphore, #tpu.memory_space<semaphore_mem>>)
    %dma_start3A_82 = arith.constant 1280 : i32
    %dma_start3A_83 = arith.constant 0 : i32
    %dma_start3A_84 = tpu.memref_slice %arg6[%dma_start3A_82, %dma_start3A_83] : memref<2048x1xf32, #tpu.memory_space<vmem>> -> memref<128x1xf32, #tpu.memory_space<vmem>>
    %dma_start3A_85 = arith.constant 1280 : i32
    %dma_start3A_86 = tpu.memref_slice %arg5[%dma_start3A_85] : memref<2048xi32, #tpu.memory_space<vmem>> -> memref<128xi32, #tpu.memory_space<vmem>>
    %dma_start3A_87 = arith.constant 0 : i32
    %dma_start3A_88 = arith.constant 0 : i32
    %dma_start3A_89 = tpu.memref_slice %arg2[%dma_start3A_87, %dma_start3A_88] : memref<25690112x1xf32, #tpu.memory_space<hbm>> -> memref<25690112x1xf32, #tpu.memory_space<hbm>>
    tpu.enqueue_indirect_dma source(%dma_start3A_89 : memref<25690112x1xf32, #tpu.memory_space<hbm>>) target(%dma_start3A_84 : memref<128x1xf32, #tpu.memory_space<vmem>>) offsets(%dma_start3A_86 : memref<128xi32, #tpu.memory_space<vmem>>) semaphore(%arg7 : memref<!tpu.dma_semaphore, #tpu.memory_space<semaphore_mem>>)
    %dma_start3A_90 = arith.constant 1408 : i32
    %dma_start3A_91 = arith.constant 0 : i32
    %dma_start3A_92 = tpu.memref_slice %arg6[%dma_start3A_90, %dma_start3A_91] : memref<2048x1xf32, #tpu.memory_space<vmem>> -> memref<128x1xf32, #tpu.memory_space<vmem>>
    %dma_start3A_93 = arith.constant 1408 : i32
    %dma_start3A_94 = tpu.memref_slice %arg5[%dma_start3A_93] : memref<2048xi32, #tpu.memory_space<vmem>> -> memref<128xi32, #tpu.memory_space<vmem>>
    %dma_start3A_95 = arith.constant 0 : i32
    %dma_start3A_96 = arith.constant 0 : i32
    %dma_start3A_97 = tpu.memref_slice %arg2[%dma_start3A_95, %dma_start3A_96] : memref<25690112x1xf32, #tpu.memory_space<hbm>> -> memref<25690112x1xf32, #tpu.memory_space<hbm>>
    tpu.enqueue_indirect_dma source(%dma_start3A_97 : memref<25690112x1xf32, #tpu.memory_space<hbm>>) target(%dma_start3A_92 : memref<128x1xf32, #tpu.memory_space<vmem>>) offsets(%dma_start3A_94 : memref<128xi32, #tpu.memory_space<vmem>>) semaphore(%arg7 : memref<!tpu.dma_semaphore, #tpu.memory_space<semaphore_mem>>)
    %dma_start3A_98 = arith.constant 1536 : i32
    %dma_start3A_99 = arith.constant 0 : i32
    %dma_start3A_100 = tpu.memref_slice %arg6[%dma_start3A_98, %dma_start3A_99] : memref<2048x1xf32, #tpu.memory_space<vmem>> -> memref<128x1xf32, #tpu.memory_space<vmem>>
    %dma_start3A_101 = arith.constant 1536 : i32
    %dma_start3A_102 = tpu.memref_slice %arg5[%dma_start3A_101] : memref<2048xi32, #tpu.memory_space<vmem>> -> memref<128xi32, #tpu.memory_space<vmem>>
    %dma_start3A_103 = arith.constant 0 : i32
    %dma_start3A_104 = arith.constant 0 : i32
    %dma_start3A_105 = tpu.memref_slice %arg2[%dma_start3A_103, %dma_start3A_104] : memref<25690112x1xf32, #tpu.memory_space<hbm>> -> memref<25690112x1xf32, #tpu.memory_space<hbm>>
    tpu.enqueue_indirect_dma source(%dma_start3A_105 : memref<25690112x1xf32, #tpu.memory_space<hbm>>) target(%dma_start3A_100 : memref<128x1xf32, #tpu.memory_space<vmem>>) offsets(%dma_start3A_102 : memref<128xi32, #tpu.memory_space<vmem>>) semaphore(%arg7 : memref<!tpu.dma_semaphore, #tpu.memory_space<semaphore_mem>>)
    %dma_start3A_106 = arith.constant 1664 : i32
    %dma_start3A_107 = arith.constant 0 : i32
    %dma_start3A_108 = tpu.memref_slice %arg6[%dma_start3A_106, %dma_start3A_107] : memref<2048x1xf32, #tpu.memory_space<vmem>> -> memref<128x1xf32, #tpu.memory_space<vmem>>
    %dma_start3A_109 = arith.constant 1664 : i32
    %dma_start3A_110 = tpu.memref_slice %arg5[%dma_start3A_109] : memref<2048xi32, #tpu.memory_space<vmem>> -> memref<128xi32, #tpu.memory_space<vmem>>
    %dma_start3A_111 = arith.constant 0 : i32
    %dma_start3A_112 = arith.constant 0 : i32
    %dma_start3A_113 = tpu.memref_slice %arg2[%dma_start3A_111, %dma_start3A_112] : memref<25690112x1xf32, #tpu.memory_space<hbm>> -> memref<25690112x1xf32, #tpu.memory_space<hbm>>
    tpu.enqueue_indirect_dma source(%dma_start3A_113 : memref<25690112x1xf32, #tpu.memory_space<hbm>>) target(%dma_start3A_108 : memref<128x1xf32, #tpu.memory_space<vmem>>) offsets(%dma_start3A_110 : memref<128xi32, #tpu.memory_space<vmem>>) semaphore(%arg7 : memref<!tpu.dma_semaphore, #tpu.memory_space<semaphore_mem>>)
    %dma_start3A_114 = arith.constant 1792 : i32
    %dma_start3A_115 = arith.constant 0 : i32
    %dma_start3A_116 = tpu.memref_slice %arg6[%dma_start3A_114, %dma_start3A_115] : memref<2048x1xf32, #tpu.memory_space<vmem>> -> memref<128x1xf32, #tpu.memory_space<vmem>>
    %dma_start3A_117 = arith.constant 1792 : i32
    %dma_start3A_118 = tpu.memref_slice %arg5[%dma_start3A_117] : memref<2048xi32, #tpu.memory_space<vmem>> -> memref<128xi32, #tpu.memory_space<vmem>>
    %dma_start3A_119 = arith.constant 0 : i32
    %dma_start3A_120 = arith.constant 0 : i32
    %dma_start3A_121 = tpu.memref_slice %arg2[%dma_start3A_119, %dma_start3A_120] : memref<25690112x1xf32, #tpu.memory_space<hbm>> -> memref<25690112x1xf32, #tpu.memory_space<hbm>>
    tpu.enqueue_indirect_dma source(%dma_start3A_121 : memref<25690112x1xf32, #tpu.memory_space<hbm>>) target(%dma_start3A_116 : memref<128x1xf32, #tpu.memory_space<vmem>>) offsets(%dma_start3A_118 : memref<128xi32, #tpu.memory_space<vmem>>) semaphore(%arg7 : memref<!tpu.dma_semaphore, #tpu.memory_space<semaphore_mem>>)
    %dma_start3A_122 = arith.constant 1920 : i32
    %dma_start3A_123 = arith.constant 0 : i32
    %dma_start3A_124 = tpu.memref_slice %arg6[%dma_start3A_122, %dma_start3A_123] : memref<2048x1xf32, #tpu.memory_space<vmem>> -> memref<128x1xf32, #tpu.memory_space<vmem>>
    %dma_start3A_125 = arith.constant 1920 : i32
    %dma_start3A_126 = tpu.memref_slice %arg5[%dma_start3A_125] : memref<2048xi32, #tpu.memory_space<vmem>> -> memref<128xi32, #tpu.memory_space<vmem>>
    %dma_start3A_127 = arith.constant 0 : i32
    %dma_start3A_128 = arith.constant 0 : i32
    %dma_start3A_129 = tpu.memref_slice %arg2[%dma_start3A_127, %dma_start3A_128] : memref<25690112x1xf32, #tpu.memory_space<hbm>> -> memref<25690112x1xf32, #tpu.memory_space<hbm>>
    tpu.enqueue_indirect_dma source(%dma_start3A_129 : memref<25690112x1xf32, #tpu.memory_space<hbm>>) target(%dma_start3A_124 : memref<128x1xf32, #tpu.memory_space<vmem>>) offsets(%dma_start3A_126 : memref<128xi32, #tpu.memory_space<vmem>>) semaphore(%arg7 : memref<!tpu.dma_semaphore, #tpu.memory_space<semaphore_mem>>)
    %dma_wait3A = arith.constant 0 : i32
    %dma_wait3A_130 = arith.constant 0 : i32
    %dma_wait3A_131 = tpu.memref_slice %arg6[%dma_wait3A, %dma_wait3A_130] : memref<2048x1xf32, #tpu.memory_space<vmem>> -> memref<128x1xf32, #tpu.memory_space<vmem>>
    %dma_wait3A_132 = arith.constant 0 : i32
    %dma_wait3A_133 = tpu.memref_slice %arg5[%dma_wait3A_132] : memref<2048xi32, #tpu.memory_space<vmem>> -> memref<128xi32, #tpu.memory_space<vmem>>
    %dma_wait3A_134 = arith.constant 0 : i32
    %dma_wait3A_135 = arith.constant 0 : i32
    %dma_wait3A_136 = tpu.memref_slice %arg2[%dma_wait3A_134, %dma_wait3A_135] : memref<25690112x1xf32, #tpu.memory_space<hbm>> -> memref<25690112x1xf32, #tpu.memory_space<hbm>>
    tpu.wait_indirect_dma semaphore(%arg7 : memref<!tpu.dma_semaphore, #tpu.memory_space<semaphore_mem>>) src(%dma_wait3A_136 : memref<25690112x1xf32, #tpu.memory_space<hbm>>) dst(%dma_wait3A_131 : memref<128x1xf32, #tpu.memory_space<vmem>>)
    %dma_wait3A_137 = arith.constant 128 : i32
    %dma_wait3A_138 = arith.constant 0 : i32
    %dma_wait3A_139 = tpu.memref_slice %arg6[%dma_wait3A_137, %dma_wait3A_138] : memref<2048x1xf32, #tpu.memory_space<vmem>> -> memref<128x1xf32, #tpu.memory_space<vmem>>
    %dma_wait3A_140 = arith.constant 128 : i32
    %dma_wait3A_141 = tpu.memref_slice %arg5[%dma_wait3A_140] : memref<2048xi32, #tpu.memory_space<vmem>> -> memref<128xi32, #tpu.memory_space<vmem>>
    %dma_wait3A_142 = arith.constant 0 : i32
    %dma_wait3A_143 = arith.constant 0 : i32
    %dma_wait3A_144 = tpu.memref_slice %arg2[%dma_wait3A_142, %dma_wait3A_143] : memref<25690112x1xf32, #tpu.memory_space<hbm>> -> memref<25690112x1xf32, #tpu.memory_space<hbm>>
    tpu.wait_indirect_dma semaphore(%arg7 : memref<!tpu.dma_semaphore, #tpu.memory_space<semaphore_mem>>) src(%dma_wait3A_144 : memref<25690112x1xf32, #tpu.memory_space<hbm>>) dst(%dma_wait3A_139 : memref<128x1xf32, #tpu.memory_space<vmem>>)
    %dma_wait3A_145 = arith.constant 256 : i32
    %dma_wait3A_146 = arith.constant 0 : i32
    %dma_wait3A_147 = tpu.memref_slice %arg6[%dma_wait3A_145, %dma_wait3A_146] : memref<2048x1xf32, #tpu.memory_space<vmem>> -> memref<128x1xf32, #tpu.memory_space<vmem>>
    %dma_wait3A_148 = arith.constant 256 : i32
    %dma_wait3A_149 = tpu.memref_slice %arg5[%dma_wait3A_148] : memref<2048xi32, #tpu.memory_space<vmem>> -> memref<128xi32, #tpu.memory_space<vmem>>
    %dma_wait3A_150 = arith.constant 0 : i32
    %dma_wait3A_151 = arith.constant 0 : i32
    %dma_wait3A_152 = tpu.memref_slice %arg2[%dma_wait3A_150, %dma_wait3A_151] : memref<25690112x1xf32, #tpu.memory_space<hbm>> -> memref<25690112x1xf32, #tpu.memory_space<hbm>>
    tpu.wait_indirect_dma semaphore(%arg7 : memref<!tpu.dma_semaphore, #tpu.memory_space<semaphore_mem>>) src(%dma_wait3A_152 : memref<25690112x1xf32, #tpu.memory_space<hbm>>) dst(%dma_wait3A_147 : memref<128x1xf32, #tpu.memory_space<vmem>>)
    %dma_wait3A_153 = arith.constant 384 : i32
    %dma_wait3A_154 = arith.constant 0 : i32
    %dma_wait3A_155 = tpu.memref_slice %arg6[%dma_wait3A_153, %dma_wait3A_154] : memref<2048x1xf32, #tpu.memory_space<vmem>> -> memref<128x1xf32, #tpu.memory_space<vmem>>
    %dma_wait3A_156 = arith.constant 384 : i32
    %dma_wait3A_157 = tpu.memref_slice %arg5[%dma_wait3A_156] : memref<2048xi32, #tpu.memory_space<vmem>> -> memref<128xi32, #tpu.memory_space<vmem>>
    %dma_wait3A_158 = arith.constant 0 : i32
    %dma_wait3A_159 = arith.constant 0 : i32
    %dma_wait3A_160 = tpu.memref_slice %arg2[%dma_wait3A_158, %dma_wait3A_159] : memref<25690112x1xf32, #tpu.memory_space<hbm>> -> memref<25690112x1xf32, #tpu.memory_space<hbm>>
    tpu.wait_indirect_dma semaphore(%arg7 : memref<!tpu.dma_semaphore, #tpu.memory_space<semaphore_mem>>) src(%dma_wait3A_160 : memref<25690112x1xf32, #tpu.memory_space<hbm>>) dst(%dma_wait3A_155 : memref<128x1xf32, #tpu.memory_space<vmem>>)
    %dma_wait3A_161 = arith.constant 512 : i32
    %dma_wait3A_162 = arith.constant 0 : i32
    %dma_wait3A_163 = tpu.memref_slice %arg6[%dma_wait3A_161, %dma_wait3A_162] : memref<2048x1xf32, #tpu.memory_space<vmem>> -> memref<128x1xf32, #tpu.memory_space<vmem>>
    %dma_wait3A_164 = arith.constant 512 : i32
    %dma_wait3A_165 = tpu.memref_slice %arg5[%dma_wait3A_164] : memref<2048xi32, #tpu.memory_space<vmem>> -> memref<128xi32, #tpu.memory_space<vmem>>
    %dma_wait3A_166 = arith.constant 0 : i32
    %dma_wait3A_167 = arith.constant 0 : i32
    %dma_wait3A_168 = tpu.memref_slice %arg2[%dma_wait3A_166, %dma_wait3A_167] : memref<25690112x1xf32, #tpu.memory_space<hbm>> -> memref<25690112x1xf32, #tpu.memory_space<hbm>>
    tpu.wait_indirect_dma semaphore(%arg7 : memref<!tpu.dma_semaphore, #tpu.memory_space<semaphore_mem>>) src(%dma_wait3A_168 : memref<25690112x1xf32, #tpu.memory_space<hbm>>) dst(%dma_wait3A_163 : memref<128x1xf32, #tpu.memory_space<vmem>>)
    %dma_wait3A_169 = arith.constant 640 : i32
    %dma_wait3A_170 = arith.constant 0 : i32
    %dma_wait3A_171 = tpu.memref_slice %arg6[%dma_wait3A_169, %dma_wait3A_170] : memref<2048x1xf32, #tpu.memory_space<vmem>> -> memref<128x1xf32, #tpu.memory_space<vmem>>
    %dma_wait3A_172 = arith.constant 640 : i32
    %dma_wait3A_173 = tpu.memref_slice %arg5[%dma_wait3A_172] : memref<2048xi32, #tpu.memory_space<vmem>> -> memref<128xi32, #tpu.memory_space<vmem>>
    %dma_wait3A_174 = arith.constant 0 : i32
    %dma_wait3A_175 = arith.constant 0 : i32
    %dma_wait3A_176 = tpu.memref_slice %arg2[%dma_wait3A_174, %dma_wait3A_175] : memref<25690112x1xf32, #tpu.memory_space<hbm>> -> memref<25690112x1xf32, #tpu.memory_space<hbm>>
    tpu.wait_indirect_dma semaphore(%arg7 : memref<!tpu.dma_semaphore, #tpu.memory_space<semaphore_mem>>) src(%dma_wait3A_176 : memref<25690112x1xf32, #tpu.memory_space<hbm>>) dst(%dma_wait3A_171 : memref<128x1xf32, #tpu.memory_space<vmem>>)
    %dma_wait3A_177 = arith.constant 768 : i32
    %dma_wait3A_178 = arith.constant 0 : i32
    %dma_wait3A_179 = tpu.memref_slice %arg6[%dma_wait3A_177, %dma_wait3A_178] : memref<2048x1xf32, #tpu.memory_space<vmem>> -> memref<128x1xf32, #tpu.memory_space<vmem>>
    %dma_wait3A_180 = arith.constant 768 : i32
    %dma_wait3A_181 = tpu.memref_slice %arg5[%dma_wait3A_180] : memref<2048xi32, #tpu.memory_space<vmem>> -> memref<128xi32, #tpu.memory_space<vmem>>
    %dma_wait3A_182 = arith.constant 0 : i32
    %dma_wait3A_183 = arith.constant 0 : i32
    %dma_wait3A_184 = tpu.memref_slice %arg2[%dma_wait3A_182, %dma_wait3A_183] : memref<25690112x1xf32, #tpu.memory_space<hbm>> -> memref<25690112x1xf32, #tpu.memory_space<hbm>>
    tpu.wait_indirect_dma semaphore(%arg7 : memref<!tpu.dma_semaphore, #tpu.memory_space<semaphore_mem>>) src(%dma_wait3A_184 : memref<25690112x1xf32, #tpu.memory_space<hbm>>) dst(%dma_wait3A_179 : memref<128x1xf32, #tpu.memory_space<vmem>>)
    %dma_wait3A_185 = arith.constant 896 : i32
    %dma_wait3A_186 = arith.constant 0 : i32
    %dma_wait3A_187 = tpu.memref_slice %arg6[%dma_wait3A_185, %dma_wait3A_186] : memref<2048x1xf32, #tpu.memory_space<vmem>> -> memref<128x1xf32, #tpu.memory_space<vmem>>
    %dma_wait3A_188 = arith.constant 896 : i32
    %dma_wait3A_189 = tpu.memref_slice %arg5[%dma_wait3A_188] : memref<2048xi32, #tpu.memory_space<vmem>> -> memref<128xi32, #tpu.memory_space<vmem>>
    %dma_wait3A_190 = arith.constant 0 : i32
    %dma_wait3A_191 = arith.constant 0 : i32
    %dma_wait3A_192 = tpu.memref_slice %arg2[%dma_wait3A_190, %dma_wait3A_191] : memref<25690112x1xf32, #tpu.memory_space<hbm>> -> memref<25690112x1xf32, #tpu.memory_space<hbm>>
    tpu.wait_indirect_dma semaphore(%arg7 : memref<!tpu.dma_semaphore, #tpu.memory_space<semaphore_mem>>) src(%dma_wait3A_192 : memref<25690112x1xf32, #tpu.memory_space<hbm>>) dst(%dma_wait3A_187 : memref<128x1xf32, #tpu.memory_space<vmem>>)
    %dma_wait3A_193 = arith.constant 1024 : i32
    %dma_wait3A_194 = arith.constant 0 : i32
    %dma_wait3A_195 = tpu.memref_slice %arg6[%dma_wait3A_193, %dma_wait3A_194] : memref<2048x1xf32, #tpu.memory_space<vmem>> -> memref<128x1xf32, #tpu.memory_space<vmem>>
    %dma_wait3A_196 = arith.constant 1024 : i32
    %dma_wait3A_197 = tpu.memref_slice %arg5[%dma_wait3A_196] : memref<2048xi32, #tpu.memory_space<vmem>> -> memref<128xi32, #tpu.memory_space<vmem>>
    %dma_wait3A_198 = arith.constant 0 : i32
    %dma_wait3A_199 = arith.constant 0 : i32
    %dma_wait3A_200 = tpu.memref_slice %arg2[%dma_wait3A_198, %dma_wait3A_199] : memref<25690112x1xf32, #tpu.memory_space<hbm>> -> memref<25690112x1xf32, #tpu.memory_space<hbm>>
    tpu.wait_indirect_dma semaphore(%arg7 : memref<!tpu.dma_semaphore, #tpu.memory_space<semaphore_mem>>) src(%dma_wait3A_200 : memref<25690112x1xf32, #tpu.memory_space<hbm>>) dst(%dma_wait3A_195 : memref<128x1xf32, #tpu.memory_space<vmem>>)
    %dma_wait3A_201 = arith.constant 1152 : i32
    %dma_wait3A_202 = arith.constant 0 : i32
    %dma_wait3A_203 = tpu.memref_slice %arg6[%dma_wait3A_201, %dma_wait3A_202] : memref<2048x1xf32, #tpu.memory_space<vmem>> -> memref<128x1xf32, #tpu.memory_space<vmem>>
    %dma_wait3A_204 = arith.constant 1152 : i32
    %dma_wait3A_205 = tpu.memref_slice %arg5[%dma_wait3A_204] : memref<2048xi32, #tpu.memory_space<vmem>> -> memref<128xi32, #tpu.memory_space<vmem>>
    %dma_wait3A_206 = arith.constant 0 : i32
    %dma_wait3A_207 = arith.constant 0 : i32
    %dma_wait3A_208 = tpu.memref_slice %arg2[%dma_wait3A_206, %dma_wait3A_207] : memref<25690112x1xf32, #tpu.memory_space<hbm>> -> memref<25690112x1xf32, #tpu.memory_space<hbm>>
    tpu.wait_indirect_dma semaphore(%arg7 : memref<!tpu.dma_semaphore, #tpu.memory_space<semaphore_mem>>) src(%dma_wait3A_208 : memref<25690112x1xf32, #tpu.memory_space<hbm>>) dst(%dma_wait3A_203 : memref<128x1xf32, #tpu.memory_space<vmem>>)
    %dma_wait3A_209 = arith.constant 1280 : i32
    %dma_wait3A_210 = arith.constant 0 : i32
    %dma_wait3A_211 = tpu.memref_slice %arg6[%dma_wait3A_209, %dma_wait3A_210] : memref<2048x1xf32, #tpu.memory_space<vmem>> -> memref<128x1xf32, #tpu.memory_space<vmem>>
    %dma_wait3A_212 = arith.constant 1280 : i32
    %dma_wait3A_213 = tpu.memref_slice %arg5[%dma_wait3A_212] : memref<2048xi32, #tpu.memory_space<vmem>> -> memref<128xi32, #tpu.memory_space<vmem>>
    %dma_wait3A_214 = arith.constant 0 : i32
    %dma_wait3A_215 = arith.constant 0 : i32
    %dma_wait3A_216 = tpu.memref_slice %arg2[%dma_wait3A_214, %dma_wait3A_215] : memref<25690112x1xf32, #tpu.memory_space<hbm>> -> memref<25690112x1xf32, #tpu.memory_space<hbm>>
    tpu.wait_indirect_dma semaphore(%arg7 : memref<!tpu.dma_semaphore, #tpu.memory_space<semaphore_mem>>) src(%dma_wait3A_216 : memref<25690112x1xf32, #tpu.memory_space<hbm>>) dst(%dma_wait3A_211 : memref<128x1xf32, #tpu.memory_space<vmem>>)
    %dma_wait3A_217 = arith.constant 1408 : i32
    %dma_wait3A_218 = arith.constant 0 : i32
    %dma_wait3A_219 = tpu.memref_slice %arg6[%dma_wait3A_217, %dma_wait3A_218] : memref<2048x1xf32, #tpu.memory_space<vmem>> -> memref<128x1xf32, #tpu.memory_space<vmem>>
    %dma_wait3A_220 = arith.constant 1408 : i32
    %dma_wait3A_221 = tpu.memref_slice %arg5[%dma_wait3A_220] : memref<2048xi32, #tpu.memory_space<vmem>> -> memref<128xi32, #tpu.memory_space<vmem>>
    %dma_wait3A_222 = arith.constant 0 : i32
    %dma_wait3A_223 = arith.constant 0 : i32
    %dma_wait3A_224 = tpu.memref_slice %arg2[%dma_wait3A_222, %dma_wait3A_223] : memref<25690112x1xf32, #tpu.memory_space<hbm>> -> memref<25690112x1xf32, #tpu.memory_space<hbm>>
    tpu.wait_indirect_dma semaphore(%arg7 : memref<!tpu.dma_semaphore, #tpu.memory_space<semaphore_mem>>) src(%dma_wait3A_224 : memref<25690112x1xf32, #tpu.memory_space<hbm>>) dst(%dma_wait3A_219 : memref<128x1xf32, #tpu.memory_space<vmem>>)
    %dma_wait3A_225 = arith.constant 1536 : i32
    %dma_wait3A_226 = arith.constant 0 : i32
    %dma_wait3A_227 = tpu.memref_slice %arg6[%dma_wait3A_225, %dma_wait3A_226] : memref<2048x1xf32, #tpu.memory_space<vmem>> -> memref<128x1xf32, #tpu.memory_space<vmem>>
    %dma_wait3A_228 = arith.constant 1536 : i32
    %dma_wait3A_229 = tpu.memref_slice %arg5[%dma_wait3A_228] : memref<2048xi32, #tpu.memory_space<vmem>> -> memref<128xi32, #tpu.memory_space<vmem>>
    %dma_wait3A_230 = arith.constant 0 : i32
    %dma_wait3A_231 = arith.constant 0 : i32
    %dma_wait3A_232 = tpu.memref_slice %arg2[%dma_wait3A_230, %dma_wait3A_231] : memref<25690112x1xf32, #tpu.memory_space<hbm>> -> memref<25690112x1xf32, #tpu.memory_space<hbm>>
    tpu.wait_indirect_dma semaphore(%arg7 : memref<!tpu.dma_semaphore, #tpu.memory_space<semaphore_mem>>) src(%dma_wait3A_232 : memref<25690112x1xf32, #tpu.memory_space<hbm>>) dst(%dma_wait3A_227 : memref<128x1xf32, #tpu.memory_space<vmem>>)
    %dma_wait3A_233 = arith.constant 1664 : i32
    %dma_wait3A_234 = arith.constant 0 : i32
    %dma_wait3A_235 = tpu.memref_slice %arg6[%dma_wait3A_233, %dma_wait3A_234] : memref<2048x1xf32, #tpu.memory_space<vmem>> -> memref<128x1xf32, #tpu.memory_space<vmem>>
    %dma_wait3A_236 = arith.constant 1664 : i32
    %dma_wait3A_237 = tpu.memref_slice %arg5[%dma_wait3A_236] : memref<2048xi32, #tpu.memory_space<vmem>> -> memref<128xi32, #tpu.memory_space<vmem>>
    %dma_wait3A_238 = arith.constant 0 : i32
    %dma_wait3A_239 = arith.constant 0 : i32
    %dma_wait3A_240 = tpu.memref_slice %arg2[%dma_wait3A_238, %dma_wait3A_239] : memref<25690112x1xf32, #tpu.memory_space<hbm>> -> memref<25690112x1xf32, #tpu.memory_space<hbm>>
    tpu.wait_indirect_dma semaphore(%arg7 : memref<!tpu.dma_semaphore, #tpu.memory_space<semaphore_mem>>) src(%dma_wait3A_240 : memref<25690112x1xf32, #tpu.memory_space<hbm>>) dst(%dma_wait3A_235 : memref<128x1xf32, #tpu.memory_space<vmem>>)
    %dma_wait3A_241 = arith.constant 1792 : i32
    %dma_wait3A_242 = arith.constant 0 : i32
    %dma_wait3A_243 = tpu.memref_slice %arg6[%dma_wait3A_241, %dma_wait3A_242] : memref<2048x1xf32, #tpu.memory_space<vmem>> -> memref<128x1xf32, #tpu.memory_space<vmem>>
    %dma_wait3A_244 = arith.constant 1792 : i32
    %dma_wait3A_245 = tpu.memref_slice %arg5[%dma_wait3A_244] : memref<2048xi32, #tpu.memory_space<vmem>> -> memref<128xi32, #tpu.memory_space<vmem>>
    %dma_wait3A_246 = arith.constant 0 : i32
    %dma_wait3A_247 = arith.constant 0 : i32
    %dma_wait3A_248 = tpu.memref_slice %arg2[%dma_wait3A_246, %dma_wait3A_247] : memref<25690112x1xf32, #tpu.memory_space<hbm>> -> memref<25690112x1xf32, #tpu.memory_space<hbm>>
    tpu.wait_indirect_dma semaphore(%arg7 : memref<!tpu.dma_semaphore, #tpu.memory_space<semaphore_mem>>) src(%dma_wait3A_248 : memref<25690112x1xf32, #tpu.memory_space<hbm>>) dst(%dma_wait3A_243 : memref<128x1xf32, #tpu.memory_space<vmem>>)
    %dma_wait3A_249 = arith.constant 1920 : i32
    %dma_wait3A_250 = arith.constant 0 : i32
    %dma_wait3A_251 = tpu.memref_slice %arg6[%dma_wait3A_249, %dma_wait3A_250] : memref<2048x1xf32, #tpu.memory_space<vmem>> -> memref<128x1xf32, #tpu.memory_space<vmem>>
    %dma_wait3A_252 = arith.constant 1920 : i32
    %dma_wait3A_253 = tpu.memref_slice %arg5[%dma_wait3A_252] : memref<2048xi32, #tpu.memory_space<vmem>> -> memref<128xi32, #tpu.memory_space<vmem>>
    %dma_wait3A_254 = arith.constant 0 : i32
    %dma_wait3A_255 = arith.constant 0 : i32
    %dma_wait3A_256 = tpu.memref_slice %arg2[%dma_wait3A_254, %dma_wait3A_255] : memref<25690112x1xf32, #tpu.memory_space<hbm>> -> memref<25690112x1xf32, #tpu.memory_space<hbm>>
    tpu.wait_indirect_dma semaphore(%arg7 : memref<!tpu.dma_semaphore, #tpu.memory_space<semaphore_mem>>) src(%dma_wait3A_256 : memref<25690112x1xf32, #tpu.memory_space<hbm>>) dst(%dma_wait3A_251 : memref<128x1xf32, #tpu.memory_space<vmem>>)
    "tpu.region"() ({
      %run_scoped3A = tpu.sem_alloc : memref<!tpu.dma_semaphore, #tpu.memory_space<semaphore_mem>>
      %dma_start3A_257 = arith.constant 0 : i32
      %dma_start3A_258 = tpu.memref_slice %arg4[%mul3A_2, %dma_start3A_257] : memref<65536x1xf32, #tpu.memory_space<hbm>> -> memref<2048x1xf32, #tpu.memory_space<hbm>>
      %dma_start3A_259 = arith.constant 0 : i32
      %dma_start3A_260 = tpu.memref_slice %arg4[%mul3A_2, %dma_start3A_259] : memref<65536x1xf32, #tpu.memory_space<hbm>> -> memref<2048x1xf32, #tpu.memory_space<hbm>>
      tpu.enqueue_dma source(%arg6 : memref<2048x1xf32, #tpu.memory_space<vmem>>) target(%dma_start3A_260 : memref<2048x1xf32, #tpu.memory_space<hbm>>) target_semaphore(%run_scoped3A : memref<!tpu.dma_semaphore, #tpu.memory_space<semaphore_mem>>)
      %dma_wait3A_261 = arith.constant 0 : i32
      %dma_wait3A_262 = tpu.memref_slice %arg4[%mul3A_2, %dma_wait3A_261] : memref<65536x1xf32, #tpu.memory_space<hbm>> -> memref<2048x1xf32, #tpu.memory_space<hbm>>
      %dma_wait3A_263 = arith.constant 0 : i32
      %dma_wait3A_264 = tpu.memref_slice %arg4[%mul3A_2, %dma_wait3A_263] : memref<65536x1xf32, #tpu.memory_space<hbm>> -> memref<2048x1xf32, #tpu.memory_space<hbm>>
      tpu.wait_dma2 semaphore(%run_scoped3A : memref<!tpu.dma_semaphore, #tpu.memory_space<semaphore_mem>>) src(%arg6 : memref<2048x1xf32, #tpu.memory_space<vmem>>) dst(%dma_wait3A_264 : memref<2048x1xf32, #tpu.memory_space<hbm>>)
      tpu.yield
    }) : () -> ()
    return
  }
}

#map = affine_map<(d0, d1) -> (0, 0)>
#map1 = affine_map<(d0, d1) -> (0)>
module attributes {stable_mosaic.version = 14 : i64} {
  func.func @_phase_e_body(%arg0: i32, %arg1: i32, %arg2: memref<100000x512xf32, #tpu.memory_space<hbm>>, %arg3: memref<4096xi32, #tpu.memory_space<hbm>>, %arg4: memref<4096x16xf32, #tpu.memory_space<hbm>>, %arg5: memref<256x512xf32, #tpu.memory_space<hbm>>, %arg6: memref<128xi32, #tpu.memory_space<vmem>>, %arg7: memref<128x16xf32, #tpu.memory_space<vmem>>, %arg8: memref<128x512xf32, #tpu.memory_space<vmem>>, %arg9: memref<8x512xf32, #tpu.memory_space<vmem>>, %arg10: memref<!tpu.dma_semaphore, #tpu.memory_space<semaphore_mem>>) attributes {dimension_semantics = [#tpu.dimension_semantics<core_parallel>, #tpu.dimension_semantics<subcore_parallel>], iteration_bounds = array<i64: 2, 16>, scalar_prefetch = 0 : i64, scratch_operands = 5 : i64, tpu.core_type = #tpu.core_type<sc_vector_subcore>, window_params = [{transform_indices = #map}, {transform_indices = #map1}, {transform_indices = #map}, {transform_indices = #map}]} {
    %mul3A = arith.constant 2 : i32
    %mul3A_0 = arith.muli %arg1, %mul3A : i32
    %add3A = arith.addi %mul3A_0, %arg0 : i32
    %mul3A_1 = arith.constant 128 : i32
    %mul3A_2 = arith.muli %add3A, %mul3A_1 : i32
    "tpu.region"() ({
      %run_scoped3A = tpu.sem_alloc : memref<!tpu.dma_semaphore, #tpu.memory_space<semaphore_mem>>
      %dma_start3A_13 = tpu.memref_slice %arg3[%mul3A_2] : memref<4096xi32, #tpu.memory_space<hbm>> -> memref<128xi32, #tpu.memory_space<hbm>>
      %dma_start3A_14 = tpu.memref_slice %arg3[%mul3A_2] : memref<4096xi32, #tpu.memory_space<hbm>> -> memref<128xi32, #tpu.memory_space<hbm>>
      tpu.enqueue_dma source(%dma_start3A_14 : memref<128xi32, #tpu.memory_space<hbm>>) target(%arg6 : memref<128xi32, #tpu.memory_space<vmem>>) target_semaphore(%run_scoped3A : memref<!tpu.dma_semaphore, #tpu.memory_space<semaphore_mem>>)
      %dma_wait3A_15 = tpu.memref_slice %arg3[%mul3A_2] : memref<4096xi32, #tpu.memory_space<hbm>> -> memref<128xi32, #tpu.memory_space<hbm>>
      %dma_wait3A_16 = tpu.memref_slice %arg3[%mul3A_2] : memref<4096xi32, #tpu.memory_space<hbm>> -> memref<128xi32, #tpu.memory_space<hbm>>
      tpu.wait_dma2 semaphore(%run_scoped3A : memref<!tpu.dma_semaphore, #tpu.memory_space<semaphore_mem>>) src(%dma_wait3A_16 : memref<128xi32, #tpu.memory_space<hbm>>) dst(%arg6 : memref<128xi32, #tpu.memory_space<vmem>>)
      tpu.yield
    }) : () -> ()
    "tpu.region"() ({
      %run_scoped3A = tpu.sem_alloc : memref<!tpu.dma_semaphore, #tpu.memory_space<semaphore_mem>>
      %dma_start3A_13 = arith.constant 0 : i32
      %dma_start3A_14 = tpu.memref_slice %arg4[%mul3A_2, %dma_start3A_13] : memref<4096x16xf32, #tpu.memory_space<hbm>> -> memref<128x16xf32, #tpu.memory_space<hbm>>
      %dma_start3A_15 = arith.constant 0 : i32
      %dma_start3A_16 = tpu.memref_slice %arg4[%mul3A_2, %dma_start3A_15] : memref<4096x16xf32, #tpu.memory_space<hbm>> -> memref<128x16xf32, #tpu.memory_space<hbm>>
      tpu.enqueue_dma source(%dma_start3A_16 : memref<128x16xf32, #tpu.memory_space<hbm>>) target(%arg7 : memref<128x16xf32, #tpu.memory_space<vmem>>) target_semaphore(%run_scoped3A : memref<!tpu.dma_semaphore, #tpu.memory_space<semaphore_mem>>)
      %dma_wait3A_17 = arith.constant 0 : i32
      %dma_wait3A_18 = tpu.memref_slice %arg4[%mul3A_2, %dma_wait3A_17] : memref<4096x16xf32, #tpu.memory_space<hbm>> -> memref<128x16xf32, #tpu.memory_space<hbm>>
      %dma_wait3A_19 = arith.constant 0 : i32
      %dma_wait3A_20 = tpu.memref_slice %arg4[%mul3A_2, %dma_wait3A_19] : memref<4096x16xf32, #tpu.memory_space<hbm>> -> memref<128x16xf32, #tpu.memory_space<hbm>>
      tpu.wait_dma2 semaphore(%run_scoped3A : memref<!tpu.dma_semaphore, #tpu.memory_space<semaphore_mem>>) src(%dma_wait3A_20 : memref<128x16xf32, #tpu.memory_space<hbm>>) dst(%arg7 : memref<128x16xf32, #tpu.memory_space<vmem>>)
      tpu.yield
    }) : () -> ()
    %dma_start3A = arith.constant 0 : i32
    %dma_start3A_3 = arith.constant 0 : i32
    %dma_start3A_4 = tpu.memref_slice %arg2[%dma_start3A, %dma_start3A_3] : memref<100000x512xf32, #tpu.memory_space<hbm>> -> memref<100000x512xf32, #tpu.memory_space<hbm>>
    tpu.enqueue_indirect_dma source(%dma_start3A_4 : memref<100000x512xf32, #tpu.memory_space<hbm>>) target(%arg8 : memref<128x512xf32, #tpu.memory_space<vmem>>) offsets(%arg6 : memref<128xi32, #tpu.memory_space<vmem>>) semaphore(%arg10 : memref<!tpu.dma_semaphore, #tpu.memory_space<semaphore_mem>>)
    %dma_wait3A = arith.constant 0 : i32
    %dma_wait3A_5 = arith.constant 0 : i32
    %dma_wait3A_6 = tpu.memref_slice %arg2[%dma_wait3A, %dma_wait3A_5] : memref<100000x512xf32, #tpu.memory_space<hbm>> -> memref<100000x512xf32, #tpu.memory_space<hbm>>
    tpu.wait_indirect_dma semaphore(%arg10 : memref<!tpu.dma_semaphore, #tpu.memory_space<semaphore_mem>>) src(%dma_wait3A_6 : memref<100000x512xf32, #tpu.memory_space<hbm>>) dst(%arg8 : memref<128x512xf32, #tpu.memory_space<vmem>>)
    %scan3A = arith.constant 0 : i32
    %scan3A_7 = arith.constant 8 : i32
    %scan3A_8 = arith.addi %scan3A, %scan3A_7 : i32
    %scan3A_9 = arith.constant 1 : i32
    scf.for %scan3A_13 = %scan3A to %scan3A_8 step %scan3A_9  : i32 {
      %scan3A_14 = arith.constant 0 : i32
      %scan3A_15 = arith.constant 32 : i32
      %scan3A_16 = arith.addi %scan3A_14, %scan3A_15 : i32
      %scan3A_17 = arith.constant 1 : i32
      scf.for %scan3A_19 = %scan3A_14 to %scan3A_16 step %scan3A_17  : i32 {
        %mul3A_20 = arith.constant 16 : i32
        %mul3A_21 = arith.muli %scan3A_13, %mul3A_20 : i32
        %get3A = arith.index_cast %mul3A_21 : i32 to index
        %get3A_22 = arith.constant 0 : index
        %get3A_23 = tpu.vector_load %arg7[%get3A, %get3A_22] {strides = array<i32>} : memref<128x16xf32, #tpu.memory_space<vmem>>, vector<1x16xf32>,
        %get3A_24 = vector.shape_cast %get3A_23 : vector<1x16xf32> to vector<16xf32>
        %mul3A_25 = arith.constant 16 : i32
        %mul3A_26 = arith.muli %scan3A_13, %mul3A_25 : i32
        %mul3A_27 = arith.constant 16 : i32
        %mul3A_28 = arith.muli %scan3A_19, %mul3A_27 : i32
        %get3A_29 = arith.index_cast %mul3A_26 : i32 to index
        %get3A_30 = arith.index_cast %mul3A_28 : i32 to index
        %get3A_31 = tpu.vector_load %arg8[%get3A_29, %get3A_30] {strides = array<i32>} : memref<128x512xf32, #tpu.memory_space<vmem>>, vector<1x16xf32>,
        %get3A_32 = vector.shape_cast %get3A_31 : vector<1x16xf32> to vector<16xf32>
        %mul3A_33 = arith.mulf %get3A_24, %get3A_32 : vector<16xf32>
        %mul3A_34 = arith.constant 16 : i32
        %mul3A_35 = arith.muli %scan3A_13, %mul3A_34 : i32
        %add3A_36 = arith.constant 1 : i32
        %add3A_37 = arith.addi %mul3A_35, %add3A_36 : i32
        %get3A_38 = arith.index_cast %add3A_37 : i32 to index
        %get3A_39 = arith.constant 0 : index
        %get3A_40 = tpu.vector_load %arg7[%get3A_38, %get3A_39] {strides = array<i32>} : memref<128x16xf32, #tpu.memory_space<vmem>>, vector<1x16xf32>,
        %get3A_41 = vector.shape_cast %get3A_40 : vector<1x16xf32> to vector<16xf32>
        %mul3A_42 = arith.constant 16 : i32
        %mul3A_43 = arith.muli %scan3A_13, %mul3A_42 : i32
        %add3A_44 = arith.constant 1 : i32
        %add3A_45 = arith.addi %mul3A_43, %add3A_44 : i32
        %mul3A_46 = arith.constant 16 : i32
        %mul3A_47 = arith.muli %scan3A_19, %mul3A_46 : i32
        %get3A_48 = arith.index_cast %add3A_45 : i32 to index
        %get3A_49 = arith.index_cast %mul3A_47 : i32 to index
        %get3A_50 = tpu.vector_load %arg8[%get3A_48, %get3A_49] {strides = array<i32>} : memref<128x512xf32, #tpu.memory_space<vmem>>, vector<1x16xf32>,
        %get3A_51 = vector.shape_cast %get3A_50 : vector<1x16xf32> to vector<16xf32>
        %mul3A_52 = arith.mulf %get3A_41, %get3A_51 : vector<16xf32>
        %add3A_53 = arith.addf %mul3A_33, %mul3A_52 : vector<16xf32>
        %mul3A_54 = arith.constant 16 : i32
        %mul3A_55 = arith.muli %scan3A_13, %mul3A_54 : i32
        %add3A_56 = arith.constant 2 : i32
        %add3A_57 = arith.addi %mul3A_55, %add3A_56 : i32
        %get3A_58 = arith.index_cast %add3A_57 : i32 to index
        %get3A_59 = arith.constant 0 : index
        %get3A_60 = tpu.vector_load %arg7[%get3A_58, %get3A_59] {strides = array<i32>} : memref<128x16xf32, #tpu.memory_space<vmem>>, vector<1x16xf32>,
        %get3A_61 = vector.shape_cast %get3A_60 : vector<1x16xf32> to vector<16xf32>
        %mul3A_62 = arith.constant 16 : i32
        %mul3A_63 = arith.muli %scan3A_13, %mul3A_62 : i32
        %add3A_64 = arith.constant 2 : i32
        %add3A_65 = arith.addi %mul3A_63, %add3A_64 : i32
        %mul3A_66 = arith.constant 16 : i32
        %mul3A_67 = arith.muli %scan3A_19, %mul3A_66 : i32
        %get3A_68 = arith.index_cast %add3A_65 : i32 to index
        %get3A_69 = arith.index_cast %mul3A_67 : i32 to index
        %get3A_70 = tpu.vector_load %arg8[%get3A_68, %get3A_69] {strides = array<i32>} : memref<128x512xf32, #tpu.memory_space<vmem>>, vector<1x16xf32>,
        %get3A_71 = vector.shape_cast %get3A_70 : vector<1x16xf32> to vector<16xf32>
        %mul3A_72 = arith.mulf %get3A_61, %get3A_71 : vector<16xf32>
        %add3A_73 = arith.addf %add3A_53, %mul3A_72 : vector<16xf32>
        %mul3A_74 = arith.constant 16 : i32
        %mul3A_75 = arith.muli %scan3A_13, %mul3A_74 : i32
        %add3A_76 = arith.constant 3 : i32
        %add3A_77 = arith.addi %mul3A_75, %add3A_76 : i32
        %get3A_78 = arith.index_cast %add3A_77 : i32 to index
        %get3A_79 = arith.constant 0 : index
        %get3A_80 = tpu.vector_load %arg7[%get3A_78, %get3A_79] {strides = array<i32>} : memref<128x16xf32, #tpu.memory_space<vmem>>, vector<1x16xf32>,
        %get3A_81 = vector.shape_cast %get3A_80 : vector<1x16xf32> to vector<16xf32>
        %mul3A_82 = arith.constant 16 : i32
        %mul3A_83 = arith.muli %scan3A_13, %mul3A_82 : i32
        %add3A_84 = arith.constant 3 : i32
        %add3A_85 = arith.addi %mul3A_83, %add3A_84 : i32
        %mul3A_86 = arith.constant 16 : i32
        %mul3A_87 = arith.muli %scan3A_19, %mul3A_86 : i32
        %get3A_88 = arith.index_cast %add3A_85 : i32 to index
        %get3A_89 = arith.index_cast %mul3A_87 : i32 to index
        %get3A_90 = tpu.vector_load %arg8[%get3A_88, %get3A_89] {strides = array<i32>} : memref<128x512xf32, #tpu.memory_space<vmem>>, vector<1x16xf32>,
        %get3A_91 = vector.shape_cast %get3A_90 : vector<1x16xf32> to vector<16xf32>
        %mul3A_92 = arith.mulf %get3A_81, %get3A_91 : vector<16xf32>
        %add3A_93 = arith.addf %add3A_73, %mul3A_92 : vector<16xf32>
        %mul3A_94 = arith.constant 16 : i32
        %mul3A_95 = arith.muli %scan3A_13, %mul3A_94 : i32
        %add3A_96 = arith.constant 4 : i32
        %add3A_97 = arith.addi %mul3A_95, %add3A_96 : i32
        %get3A_98 = arith.index_cast %add3A_97 : i32 to index
        %get3A_99 = arith.constant 0 : index
        %get3A_100 = tpu.vector_load %arg7[%get3A_98, %get3A_99] {strides = array<i32>} : memref<128x16xf32, #tpu.memory_space<vmem>>, vector<1x16xf32>,
        %get3A_101 = vector.shape_cast %get3A_100 : vector<1x16xf32> to vector<16xf32>
        %mul3A_102 = arith.constant 16 : i32
        %mul3A_103 = arith.muli %scan3A_13, %mul3A_102 : i32
        %add3A_104 = arith.constant 4 : i32
        %add3A_105 = arith.addi %mul3A_103, %add3A_104 : i32
        %mul3A_106 = arith.constant 16 : i32
        %mul3A_107 = arith.muli %scan3A_19, %mul3A_106 : i32
        %get3A_108 = arith.index_cast %add3A_105 : i32 to index
        %get3A_109 = arith.index_cast %mul3A_107 : i32 to index
        %get3A_110 = tpu.vector_load %arg8[%get3A_108, %get3A_109] {strides = array<i32>} : memref<128x512xf32, #tpu.memory_space<vmem>>, vector<1x16xf32>,
        %get3A_111 = vector.shape_cast %get3A_110 : vector<1x16xf32> to vector<16xf32>
        %mul3A_112 = arith.mulf %get3A_101, %get3A_111 : vector<16xf32>
        %add3A_113 = arith.addf %add3A_93, %mul3A_112 : vector<16xf32>
        %mul3A_114 = arith.constant 16 : i32
        %mul3A_115 = arith.muli %scan3A_13, %mul3A_114 : i32
        %add3A_116 = arith.constant 5 : i32
        %add3A_117 = arith.addi %mul3A_115, %add3A_116 : i32
        %get3A_118 = arith.index_cast %add3A_117 : i32 to index
        %get3A_119 = arith.constant 0 : index
        %get3A_120 = tpu.vector_load %arg7[%get3A_118, %get3A_119] {strides = array<i32>} : memref<128x16xf32, #tpu.memory_space<vmem>>, vector<1x16xf32>,
        %get3A_121 = vector.shape_cast %get3A_120 : vector<1x16xf32> to vector<16xf32>
        %mul3A_122 = arith.constant 16 : i32
        %mul3A_123 = arith.muli %scan3A_13, %mul3A_122 : i32
        %add3A_124 = arith.constant 5 : i32
        %add3A_125 = arith.addi %mul3A_123, %add3A_124 : i32
        %mul3A_126 = arith.constant 16 : i32
        %mul3A_127 = arith.muli %scan3A_19, %mul3A_126 : i32
        %get3A_128 = arith.index_cast %add3A_125 : i32 to index
        %get3A_129 = arith.index_cast %mul3A_127 : i32 to index
        %get3A_130 = tpu.vector_load %arg8[%get3A_128, %get3A_129] {strides = array<i32>} : memref<128x512xf32, #tpu.memory_space<vmem>>, vector<1x16xf32>,
        %get3A_131 = vector.shape_cast %get3A_130 : vector<1x16xf32> to vector<16xf32>
        %mul3A_132 = arith.mulf %get3A_121, %get3A_131 : vector<16xf32>
        %add3A_133 = arith.addf %add3A_113, %mul3A_132 : vector<16xf32>
        %mul3A_134 = arith.constant 16 : i32
        %mul3A_135 = arith.muli %scan3A_13, %mul3A_134 : i32
        %add3A_136 = arith.constant 6 : i32
        %add3A_137 = arith.addi %mul3A_135, %add3A_136 : i32
        %get3A_138 = arith.index_cast %add3A_137 : i32 to index
        %get3A_139 = arith.constant 0 : index
        %get3A_140 = tpu.vector_load %arg7[%get3A_138, %get3A_139] {strides = array<i32>} : memref<128x16xf32, #tpu.memory_space<vmem>>, vector<1x16xf32>,
        %get3A_141 = vector.shape_cast %get3A_140 : vector<1x16xf32> to vector<16xf32>
        %mul3A_142 = arith.constant 16 : i32
        %mul3A_143 = arith.muli %scan3A_13, %mul3A_142 : i32
        %add3A_144 = arith.constant 6 : i32
        %add3A_145 = arith.addi %mul3A_143, %add3A_144 : i32
        %mul3A_146 = arith.constant 16 : i32
        %mul3A_147 = arith.muli %scan3A_19, %mul3A_146 : i32
        %get3A_148 = arith.index_cast %add3A_145 : i32 to index
        %get3A_149 = arith.index_cast %mul3A_147 : i32 to index
        %get3A_150 = tpu.vector_load %arg8[%get3A_148, %get3A_149] {strides = array<i32>} : memref<128x512xf32, #tpu.memory_space<vmem>>, vector<1x16xf32>,
        %get3A_151 = vector.shape_cast %get3A_150 : vector<1x16xf32> to vector<16xf32>
        %mul3A_152 = arith.mulf %get3A_141, %get3A_151 : vector<16xf32>
        %add3A_153 = arith.addf %add3A_133, %mul3A_152 : vector<16xf32>
        %mul3A_154 = arith.constant 16 : i32
        %mul3A_155 = arith.muli %scan3A_13, %mul3A_154 : i32
        %add3A_156 = arith.constant 7 : i32
        %add3A_157 = arith.addi %mul3A_155, %add3A_156 : i32
        %get3A_158 = arith.index_cast %add3A_157 : i32 to index
        %get3A_159 = arith.constant 0 : index
        %get3A_160 = tpu.vector_load %arg7[%get3A_158, %get3A_159] {strides = array<i32>} : memref<128x16xf32, #tpu.memory_space<vmem>>, vector<1x16xf32>,
        %get3A_161 = vector.shape_cast %get3A_160 : vector<1x16xf32> to vector<16xf32>
        %mul3A_162 = arith.constant 16 : i32
        %mul3A_163 = arith.muli %scan3A_13, %mul3A_162 : i32
        %add3A_164 = arith.constant 7 : i32
        %add3A_165 = arith.addi %mul3A_163, %add3A_164 : i32
        %mul3A_166 = arith.constant 16 : i32
        %mul3A_167 = arith.muli %scan3A_19, %mul3A_166 : i32
        %get3A_168 = arith.index_cast %add3A_165 : i32 to index
        %get3A_169 = arith.index_cast %mul3A_167 : i32 to index
        %get3A_170 = tpu.vector_load %arg8[%get3A_168, %get3A_169] {strides = array<i32>} : memref<128x512xf32, #tpu.memory_space<vmem>>, vector<1x16xf32>,
        %get3A_171 = vector.shape_cast %get3A_170 : vector<1x16xf32> to vector<16xf32>
        %mul3A_172 = arith.mulf %get3A_161, %get3A_171 : vector<16xf32>
        %add3A_173 = arith.addf %add3A_153, %mul3A_172 : vector<16xf32>
        %mul3A_174 = arith.constant 16 : i32
        %mul3A_175 = arith.muli %scan3A_13, %mul3A_174 : i32
        %add3A_176 = arith.constant 8 : i32
        %add3A_177 = arith.addi %mul3A_175, %add3A_176 : i32
        %get3A_178 = arith.index_cast %add3A_177 : i32 to index
        %get3A_179 = arith.constant 0 : index
        %get3A_180 = tpu.vector_load %arg7[%get3A_178, %get3A_179] {strides = array<i32>} : memref<128x16xf32, #tpu.memory_space<vmem>>, vector<1x16xf32>,
        %get3A_181 = vector.shape_cast %get3A_180 : vector<1x16xf32> to vector<16xf32>
        %mul3A_182 = arith.constant 16 : i32
        %mul3A_183 = arith.muli %scan3A_13, %mul3A_182 : i32
        %add3A_184 = arith.constant 8 : i32
        %add3A_185 = arith.addi %mul3A_183, %add3A_184 : i32
        %mul3A_186 = arith.constant 16 : i32
        %mul3A_187 = arith.muli %scan3A_19, %mul3A_186 : i32
        %get3A_188 = arith.index_cast %add3A_185 : i32 to index
        %get3A_189 = arith.index_cast %mul3A_187 : i32 to index
        %get3A_190 = tpu.vector_load %arg8[%get3A_188, %get3A_189] {strides = array<i32>} : memref<128x512xf32, #tpu.memory_space<vmem>>, vector<1x16xf32>,
        %get3A_191 = vector.shape_cast %get3A_190 : vector<1x16xf32> to vector<16xf32>
        %mul3A_192 = arith.mulf %get3A_181, %get3A_191 : vector<16xf32>
        %add3A_193 = arith.addf %add3A_173, %mul3A_192 : vector<16xf32>
        %mul3A_194 = arith.constant 16 : i32
        %mul3A_195 = arith.muli %scan3A_13, %mul3A_194 : i32
        %add3A_196 = arith.constant 9 : i32
        %add3A_197 = arith.addi %mul3A_195, %add3A_196 : i32
        %get3A_198 = arith.index_cast %add3A_197 : i32 to index
        %get3A_199 = arith.constant 0 : index
        %get3A_200 = tpu.vector_load %arg7[%get3A_198, %get3A_199] {strides = array<i32>} : memref<128x16xf32, #tpu.memory_space<vmem>>, vector<1x16xf32>,
        %get3A_201 = vector.shape_cast %get3A_200 : vector<1x16xf32> to vector<16xf32>
        %mul3A_202 = arith.constant 16 : i32
        %mul3A_203 = arith.muli %scan3A_13, %mul3A_202 : i32
        %add3A_204 = arith.constant 9 : i32
        %add3A_205 = arith.addi %mul3A_203, %add3A_204 : i32
        %mul3A_206 = arith.constant 16 : i32
        %mul3A_207 = arith.muli %scan3A_19, %mul3A_206 : i32
        %get3A_208 = arith.index_cast %add3A_205 : i32 to index
        %get3A_209 = arith.index_cast %mul3A_207 : i32 to index
        %get3A_210 = tpu.vector_load %arg8[%get3A_208, %get3A_209] {strides = array<i32>} : memref<128x512xf32, #tpu.memory_space<vmem>>, vector<1x16xf32>,
        %get3A_211 = vector.shape_cast %get3A_210 : vector<1x16xf32> to vector<16xf32>
        %mul3A_212 = arith.mulf %get3A_201, %get3A_211 : vector<16xf32>
        %add3A_213 = arith.addf %add3A_193, %mul3A_212 : vector<16xf32>
        %mul3A_214 = arith.constant 16 : i32
        %mul3A_215 = arith.muli %scan3A_13, %mul3A_214 : i32
        %add3A_216 = arith.constant 10 : i32
        %add3A_217 = arith.addi %mul3A_215, %add3A_216 : i32
        %get3A_218 = arith.index_cast %add3A_217 : i32 to index
        %get3A_219 = arith.constant 0 : index
        %get3A_220 = tpu.vector_load %arg7[%get3A_218, %get3A_219] {strides = array<i32>} : memref<128x16xf32, #tpu.memory_space<vmem>>, vector<1x16xf32>,
        %get3A_221 = vector.shape_cast %get3A_220 : vector<1x16xf32> to vector<16xf32>
        %mul3A_222 = arith.constant 16 : i32
        %mul3A_223 = arith.muli %scan3A_13, %mul3A_222 : i32
        %add3A_224 = arith.constant 10 : i32
        %add3A_225 = arith.addi %mul3A_223, %add3A_224 : i32
        %mul3A_226 = arith.constant 16 : i32
        %mul3A_227 = arith.muli %scan3A_19, %mul3A_226 : i32
        %get3A_228 = arith.index_cast %add3A_225 : i32 to index
        %get3A_229 = arith.index_cast %mul3A_227 : i32 to index
        %get3A_230 = tpu.vector_load %arg8[%get3A_228, %get3A_229] {strides = array<i32>} : memref<128x512xf32, #tpu.memory_space<vmem>>, vector<1x16xf32>,
        %get3A_231 = vector.shape_cast %get3A_230 : vector<1x16xf32> to vector<16xf32>
        %mul3A_232 = arith.mulf %get3A_221, %get3A_231 : vector<16xf32>
        %add3A_233 = arith.addf %add3A_213, %mul3A_232 : vector<16xf32>
        %mul3A_234 = arith.constant 16 : i32
        %mul3A_235 = arith.muli %scan3A_13, %mul3A_234 : i32
        %add3A_236 = arith.constant 11 : i32
        %add3A_237 = arith.addi %mul3A_235, %add3A_236 : i32
        %get3A_238 = arith.index_cast %add3A_237 : i32 to index
        %get3A_239 = arith.constant 0 : index
        %get3A_240 = tpu.vector_load %arg7[%get3A_238, %get3A_239] {strides = array<i32>} : memref<128x16xf32, #tpu.memory_space<vmem>>, vector<1x16xf32>,
        %get3A_241 = vector.shape_cast %get3A_240 : vector<1x16xf32> to vector<16xf32>
        %mul3A_242 = arith.constant 16 : i32
        %mul3A_243 = arith.muli %scan3A_13, %mul3A_242 : i32
        %add3A_244 = arith.constant 11 : i32
        %add3A_245 = arith.addi %mul3A_243, %add3A_244 : i32
        %mul3A_246 = arith.constant 16 : i32
        %mul3A_247 = arith.muli %scan3A_19, %mul3A_246 : i32
        %get3A_248 = arith.index_cast %add3A_245 : i32 to index
        %get3A_249 = arith.index_cast %mul3A_247 : i32 to index
        %get3A_250 = tpu.vector_load %arg8[%get3A_248, %get3A_249] {strides = array<i32>} : memref<128x512xf32, #tpu.memory_space<vmem>>, vector<1x16xf32>,
        %get3A_251 = vector.shape_cast %get3A_250 : vector<1x16xf32> to vector<16xf32>
        %mul3A_252 = arith.mulf %get3A_241, %get3A_251 : vector<16xf32>
        %add3A_253 = arith.addf %add3A_233, %mul3A_252 : vector<16xf32>
        %mul3A_254 = arith.constant 16 : i32
        %mul3A_255 = arith.muli %scan3A_13, %mul3A_254 : i32
        %add3A_256 = arith.constant 12 : i32
        %add3A_257 = arith.addi %mul3A_255, %add3A_256 : i32
        %get3A_258 = arith.index_cast %add3A_257 : i32 to index
        %get3A_259 = arith.constant 0 : index
        %get3A_260 = tpu.vector_load %arg7[%get3A_258, %get3A_259] {strides = array<i32>} : memref<128x16xf32, #tpu.memory_space<vmem>>, vector<1x16xf32>,
        %get3A_261 = vector.shape_cast %get3A_260 : vector<1x16xf32> to vector<16xf32>
        %mul3A_262 = arith.constant 16 : i32
        %mul3A_263 = arith.muli %scan3A_13, %mul3A_262 : i32
        %add3A_264 = arith.constant 12 : i32
        %add3A_265 = arith.addi %mul3A_263, %add3A_264 : i32
        %mul3A_266 = arith.constant 16 : i32
        %mul3A_267 = arith.muli %scan3A_19, %mul3A_266 : i32
        %get3A_268 = arith.index_cast %add3A_265 : i32 to index
        %get3A_269 = arith.index_cast %mul3A_267 : i32 to index
        %get3A_270 = tpu.vector_load %arg8[%get3A_268, %get3A_269] {strides = array<i32>} : memref<128x512xf32, #tpu.memory_space<vmem>>, vector<1x16xf32>,
        %get3A_271 = vector.shape_cast %get3A_270 : vector<1x16xf32> to vector<16xf32>
        %mul3A_272 = arith.mulf %get3A_261, %get3A_271 : vector<16xf32>
        %add3A_273 = arith.addf %add3A_253, %mul3A_272 : vector<16xf32>
        %mul3A_274 = arith.constant 16 : i32
        %mul3A_275 = arith.muli %scan3A_13, %mul3A_274 : i32
        %add3A_276 = arith.constant 13 : i32
        %add3A_277 = arith.addi %mul3A_275, %add3A_276 : i32
        %get3A_278 = arith.index_cast %add3A_277 : i32 to index
        %get3A_279 = arith.constant 0 : index
        %get3A_280 = tpu.vector_load %arg7[%get3A_278, %get3A_279] {strides = array<i32>} : memref<128x16xf32, #tpu.memory_space<vmem>>, vector<1x16xf32>,
        %get3A_281 = vector.shape_cast %get3A_280 : vector<1x16xf32> to vector<16xf32>
        %mul3A_282 = arith.constant 16 : i32
        %mul3A_283 = arith.muli %scan3A_13, %mul3A_282 : i32
        %add3A_284 = arith.constant 13 : i32
        %add3A_285 = arith.addi %mul3A_283, %add3A_284 : i32
        %mul3A_286 = arith.constant 16 : i32
        %mul3A_287 = arith.muli %scan3A_19, %mul3A_286 : i32
        %get3A_288 = arith.index_cast %add3A_285 : i32 to index
        %get3A_289 = arith.index_cast %mul3A_287 : i32 to index
        %get3A_290 = tpu.vector_load %arg8[%get3A_288, %get3A_289] {strides = array<i32>} : memref<128x512xf32, #tpu.memory_space<vmem>>, vector<1x16xf32>,
        %get3A_291 = vector.shape_cast %get3A_290 : vector<1x16xf32> to vector<16xf32>
        %mul3A_292 = arith.mulf %get3A_281, %get3A_291 : vector<16xf32>
        %add3A_293 = arith.addf %add3A_273, %mul3A_292 : vector<16xf32>
        %mul3A_294 = arith.constant 16 : i32
        %mul3A_295 = arith.muli %scan3A_13, %mul3A_294 : i32
        %add3A_296 = arith.constant 14 : i32
        %add3A_297 = arith.addi %mul3A_295, %add3A_296 : i32
        %get3A_298 = arith.index_cast %add3A_297 : i32 to index
        %get3A_299 = arith.constant 0 : index
        %get3A_300 = tpu.vector_load %arg7[%get3A_298, %get3A_299] {strides = array<i32>} : memref<128x16xf32, #tpu.memory_space<vmem>>, vector<1x16xf32>,
        %get3A_301 = vector.shape_cast %get3A_300 : vector<1x16xf32> to vector<16xf32>
        %mul3A_302 = arith.constant 16 : i32
        %mul3A_303 = arith.muli %scan3A_13, %mul3A_302 : i32
        %add3A_304 = arith.constant 14 : i32
        %add3A_305 = arith.addi %mul3A_303, %add3A_304 : i32
        %mul3A_306 = arith.constant 16 : i32
        %mul3A_307 = arith.muli %scan3A_19, %mul3A_306 : i32
        %get3A_308 = arith.index_cast %add3A_305 : i32 to index
        %get3A_309 = arith.index_cast %mul3A_307 : i32 to index
        %get3A_310 = tpu.vector_load %arg8[%get3A_308, %get3A_309] {strides = array<i32>} : memref<128x512xf32, #tpu.memory_space<vmem>>, vector<1x16xf32>,
        %get3A_311 = vector.shape_cast %get3A_310 : vector<1x16xf32> to vector<16xf32>
        %mul3A_312 = arith.mulf %get3A_301, %get3A_311 : vector<16xf32>
        %add3A_313 = arith.addf %add3A_293, %mul3A_312 : vector<16xf32>
        %mul3A_314 = arith.constant 16 : i32
        %mul3A_315 = arith.muli %scan3A_13, %mul3A_314 : i32
        %add3A_316 = arith.constant 15 : i32
        %add3A_317 = arith.addi %mul3A_315, %add3A_316 : i32
        %get3A_318 = arith.index_cast %add3A_317 : i32 to index
        %get3A_319 = arith.constant 0 : index
        %get3A_320 = tpu.vector_load %arg7[%get3A_318, %get3A_319] {strides = array<i32>} : memref<128x16xf32, #tpu.memory_space<vmem>>, vector<1x16xf32>,
        %get3A_321 = vector.shape_cast %get3A_320 : vector<1x16xf32> to vector<16xf32>
        %mul3A_322 = arith.constant 16 : i32
        %mul3A_323 = arith.muli %scan3A_13, %mul3A_322 : i32
        %add3A_324 = arith.constant 15 : i32
        %add3A_325 = arith.addi %mul3A_323, %add3A_324 : i32
        %mul3A_326 = arith.constant 16 : i32
        %mul3A_327 = arith.muli %scan3A_19, %mul3A_326 : i32
        %get3A_328 = arith.index_cast %add3A_325 : i32 to index
        %get3A_329 = arith.index_cast %mul3A_327 : i32 to index
        %get3A_330 = tpu.vector_load %arg8[%get3A_328, %get3A_329] {strides = array<i32>} : memref<128x512xf32, #tpu.memory_space<vmem>>, vector<1x16xf32>,
        %get3A_331 = vector.shape_cast %get3A_330 : vector<1x16xf32> to vector<16xf32>
        %mul3A_332 = arith.mulf %get3A_321, %get3A_331 : vector<16xf32>
        %add3A_333 = arith.addf %add3A_313, %mul3A_332 : vector<16xf32>
        %mul3A_334 = arith.constant 16 : i32
        %mul3A_335 = arith.muli %scan3A_19, %mul3A_334 : i32
        %swap3A = arith.index_cast %scan3A_13 : i32 to index
        %swap3A_336 = arith.index_cast %mul3A_335 : i32 to index
        %swap3A_337 = tpu.vector_load %arg9[%swap3A, %swap3A_336] {strides = array<i32>} : memref<8x512xf32, #tpu.memory_space<vmem>>, vector<1x16xf32>,
        %swap3A_338 = vector.shape_cast %swap3A_337 : vector<1x16xf32> to vector<16xf32>
        %swap3A_339 = vector.shape_cast %add3A_333 : vector<16xf32> to vector<1x16xf32>
        tpu.vector_store %arg9[%swap3A, %swap3A_336], %swap3A_339 {strides = array<i32>} : memref<8x512xf32, #tpu.memory_space<vmem>>, vector<1x16xf32>,
      }
      %scan3A_18 = arith.constant 32 : i32
    }
    %scan3A_10 = arith.constant 8 : i32
    %mul3A_11 = arith.constant 8 : i32
    %mul3A_12 = arith.muli %add3A, %mul3A_11 : i32
    "tpu.region"() ({
      %run_scoped3A = tpu.sem_alloc : memref<!tpu.dma_semaphore, #tpu.memory_space<semaphore_mem>>
      %dma_start3A_13 = arith.constant 0 : i32
      %dma_start3A_14 = tpu.memref_slice %arg5[%mul3A_12, %dma_start3A_13] : memref<256x512xf32, #tpu.memory_space<hbm>> -> memref<8x512xf32, #tpu.memory_space<hbm>>
      %dma_start3A_15 = arith.constant 0 : i32
      %dma_start3A_16 = tpu.memref_slice %arg5[%mul3A_12, %dma_start3A_15] : memref<256x512xf32, #tpu.memory_space<hbm>> -> memref<8x512xf32, #tpu.memory_space<hbm>>
      tpu.enqueue_dma source(%arg9 : memref<8x512xf32, #tpu.memory_space<vmem>>) target(%dma_start3A_16 : memref<8x512xf32, #tpu.memory_space<hbm>>) target_semaphore(%run_scoped3A : memref<!tpu.dma_semaphore, #tpu.memory_space<semaphore_mem>>)
      %dma_wait3A_17 = arith.constant 0 : i32
      %dma_wait3A_18 = tpu.memref_slice %arg5[%mul3A_12, %dma_wait3A_17] : memref<256x512xf32, #tpu.memory_space<hbm>> -> memref<8x512xf32, #tpu.memory_space<hbm>>
      %dma_wait3A_19 = arith.constant 0 : i32
      %dma_wait3A_20 = tpu.memref_slice %arg5[%mul3A_12, %dma_wait3A_19] : memref<256x512xf32, #tpu.memory_space<hbm>> -> memref<8x512xf32, #tpu.memory_space<hbm>>
      tpu.wait_dma2 semaphore(%run_scoped3A : memref<!tpu.dma_semaphore, #tpu.memory_space<semaphore_mem>>) src(%arg9 : memref<8x512xf32, #tpu.memory_space<vmem>>) dst(%dma_wait3A_20 : memref<8x512xf32, #tpu.memory_space<hbm>>)
      tpu.yield
    }) : () -> ()
    return
  }
}

module attributes {stable_mosaic.version = 14 : i64} {
  func.func @_phase_b_body(%arg0: memref<49x256x128xf32, #tpu.memory_space<vmem>>, %arg1: memref<256x16x16xi32, #tpu.memory_space<vmem>>, %arg2: memref<256x16x16xi32, #tpu.memory_space<vmem>>) attributes {dimension_semantics = [], scalar_prefetch = 0 : i64, scratch_operands = 0 : i64, tpu.core_type = #tpu.core_type<tc>} {
    %get3A = arith.constant 0 : index
    %get3A_0 = arith.constant 0 : index
    %get3A_1 = arith.constant 0 : index
    %get3A_2 = vector.load %arg0[%get3A, %get3A_0, %get3A_1] : memref<49x256x128xf32, #tpu.memory_space<vmem>>, vector<49x256x128xf32>
    %iota3A = tpu.iota {dimensions = array<i32: 0>} : vector<49x256x128xi32>
    %iota3A_3 = tpu.iota {dimensions = array<i32: 2>} : vector<49x256x128xi32>
    %mul3A = arith.constant 2048 : i32
    %mul3A_4 = vector.broadcast %mul3A : i32 to vector<49x256x128xi32>
    %mul3A_5 = arith.muli %iota3A, %mul3A_4 : vector<49x256x128xi32>
    %add3A = arith.addi %mul3A_5, %iota3A_3 : vector<49x256x128xi32>
    %reduce_max3A = arith.constant dense<0xFF800000> : vector<256x128xf32>
    %reduce_max3A_6 = vector.multi_reduction <maximumf>, %get3A_2, %reduce_max3A [0] : vector<49x256x128xf32> to vector<256x128xf32>
    %reduce_max3A_7 = arith.constant dense<0xFF800000> : vector<256xf32>
    %reduce_max3A_8 = vector.multi_reduction <maximumf>, %reduce_max3A_6, %reduce_max3A_7 [1] : vector<256x128xf32> to vector<256xf32>
    %broadcast_in_dim3A = vector.shape_cast %reduce_max3A_8 : vector<256xf32> to vector<256x1xf32>
    %broadcast_in_dim3A_9 = vector.shape_cast %broadcast_in_dim3A : vector<256x1xf32> to vector<1x256x1xf32>
    %eq3A = vector.broadcast %broadcast_in_dim3A_9 : vector<1x256x1xf32> to vector<49x256x128xf32>
    %eq3A_10 = arith.cmpf oeq, %get3A_2, %eq3A : vector<49x256x128xf32>
    %jit3A = arith.constant 1073741824 : i32
    %broadcast_in_dim3A_11 = vector.broadcast %jit3A : i32 to vector<49x256x128xi32>
    %select_n3A = arith.select %eq3A_10, %add3A, %broadcast_in_dim3A_11 : vector<49x256x128xi1>, vector<49x256x128xi32>
    %reduce_min3A = arith.constant dense<2147483647> : vector<256x128xi32>
    %reduce_min3A_12 = vector.multi_reduction <minsi>, %select_n3A, %reduce_min3A [0] : vector<49x256x128xi32> to vector<256x128xi32>
    %reduce_min3A_13 = arith.constant dense<2147483647> : vector<256xi32>
    %reduce_min3A_14 = vector.multi_reduction <minsi>, %reduce_min3A_12, %reduce_min3A_13 [1] : vector<256x128xi32> to vector<256xi32>
    %broadcast_in_dim3A_15 = vector.shape_cast %reduce_min3A_14 : vector<256xi32> to vector<256x1xi32>
    %broadcast_in_dim3A_16 = vector.shape_cast %broadcast_in_dim3A_15 : vector<256x1xi32> to vector<1x256x1xi32>
    %eq3A_17 = vector.broadcast %broadcast_in_dim3A_16 : vector<1x256x1xi32> to vector<49x256x128xi32>
    %eq3A_18 = arith.cmpi eq, %add3A, %eq3A_17 : vector<49x256x128xi32>
    %jit3A_19 = arith.constant -3.000000e+38 : f32
    %broadcast_in_dim3A_20 = vector.broadcast %jit3A_19 : f32 to vector<49x256x128xf32>
    %select_n3A_21 = arith.select %eq3A_18, %broadcast_in_dim3A_20, %get3A_2 : vector<49x256x128xi1>, vector<49x256x128xf32>
    %reduce_max3A_22 = arith.constant dense<0xFF800000> : vector<256x128xf32>
    %reduce_max3A_23 = vector.multi_reduction <maximumf>, %select_n3A_21, %reduce_max3A_22 [0] : vector<49x256x128xf32> to vector<256x128xf32>
    %reduce_max3A_24 = arith.constant dense<0xFF800000> : vector<256xf32>
    %reduce_max3A_25 = vector.multi_reduction <maximumf>, %reduce_max3A_23, %reduce_max3A_24 [1] : vector<256x128xf32> to vector<256xf32>
    %broadcast_in_dim3A_26 = vector.shape_cast %reduce_max3A_25 : vector<256xf32> to vector<256x1xf32>
    %broadcast_in_dim3A_27 = vector.shape_cast %broadcast_in_dim3A_26 : vector<256x1xf32> to vector<1x256x1xf32>
    %eq3A_28 = vector.broadcast %broadcast_in_dim3A_27 : vector<1x256x1xf32> to vector<49x256x128xf32>
    %eq3A_29 = arith.cmpf oeq, %select_n3A_21, %eq3A_28 : vector<49x256x128xf32>
    %jit3A_30 = arith.constant 1073741824 : i32
    %broadcast_in_dim3A_31 = vector.broadcast %jit3A_30 : i32 to vector<49x256x128xi32>
    %select_n3A_32 = arith.select %eq3A_29, %add3A, %broadcast_in_dim3A_31 : vector<49x256x128xi1>, vector<49x256x128xi32>
    %reduce_min3A_33 = arith.constant dense<2147483647> : vector<256x128xi32>
    %reduce_min3A_34 = vector.multi_reduction <minsi>, %select_n3A_32, %reduce_min3A_33 [0] : vector<49x256x128xi32> to vector<256x128xi32>
    %reduce_min3A_35 = arith.constant dense<2147483647> : vector<256xi32>
    %reduce_min3A_36 = vector.multi_reduction <minsi>, %reduce_min3A_34, %reduce_min3A_35 [1] : vector<256x128xi32> to vector<256xi32>
    %broadcast_in_dim3A_37 = vector.shape_cast %reduce_min3A_36 : vector<256xi32> to vector<256x1xi32>
    %broadcast_in_dim3A_38 = vector.shape_cast %broadcast_in_dim3A_37 : vector<256x1xi32> to vector<1x256x1xi32>
    %eq3A_39 = vector.broadcast %broadcast_in_dim3A_38 : vector<1x256x1xi32> to vector<49x256x128xi32>
    %eq3A_40 = arith.cmpi eq, %add3A, %eq3A_39 : vector<49x256x128xi32>
    %jit3A_41 = arith.constant -3.000000e+38 : f32
    %broadcast_in_dim3A_42 = vector.broadcast %jit3A_41 : f32 to vector<49x256x128xf32>
    %select_n3A_43 = arith.select %eq3A_40, %broadcast_in_dim3A_42, %select_n3A_21 : vector<49x256x128xi1>, vector<49x256x128xf32>
    %reduce_max3A_44 = arith.constant dense<0xFF800000> : vector<256x128xf32>
    %reduce_max3A_45 = vector.multi_reduction <maximumf>, %select_n3A_43, %reduce_max3A_44 [0] : vector<49x256x128xf32> to vector<256x128xf32>
    %reduce_max3A_46 = arith.constant dense<0xFF800000> : vector<256xf32>
    %reduce_max3A_47 = vector.multi_reduction <maximumf>, %reduce_max3A_45, %reduce_max3A_46 [1] : vector<256x128xf32> to vector<256xf32>
    %broadcast_in_dim3A_48 = vector.shape_cast %reduce_max3A_47 : vector<256xf32> to vector<256x1xf32>
    %broadcast_in_dim3A_49 = vector.shape_cast %broadcast_in_dim3A_48 : vector<256x1xf32> to vector<1x256x1xf32>
    %eq3A_50 = vector.broadcast %broadcast_in_dim3A_49 : vector<1x256x1xf32> to vector<49x256x128xf32>
    %eq3A_51 = arith.cmpf oeq, %select_n3A_43, %eq3A_50 : vector<49x256x128xf32>
    %jit3A_52 = arith.constant 1073741824 : i32
    %broadcast_in_dim3A_53 = vector.broadcast %jit3A_52 : i32 to vector<49x256x128xi32>
    %select_n3A_54 = arith.select %eq3A_51, %add3A, %broadcast_in_dim3A_53 : vector<49x256x128xi1>, vector<49x256x128xi32>
    %reduce_min3A_55 = arith.constant dense<2147483647> : vector<256x128xi32>
    %reduce_min3A_56 = vector.multi_reduction <minsi>, %select_n3A_54, %reduce_min3A_55 [0] : vector<49x256x128xi32> to vector<256x128xi32>
    %reduce_min3A_57 = arith.constant dense<2147483647> : vector<256xi32>
    %reduce_min3A_58 = vector.multi_reduction <minsi>, %reduce_min3A_56, %reduce_min3A_57 [1] : vector<256x128xi32> to vector<256xi32>
    %broadcast_in_dim3A_59 = vector.shape_cast %reduce_min3A_58 : vector<256xi32> to vector<256x1xi32>
    %broadcast_in_dim3A_60 = vector.shape_cast %broadcast_in_dim3A_59 : vector<256x1xi32> to vector<1x256x1xi32>
    %eq3A_61 = vector.broadcast %broadcast_in_dim3A_60 : vector<1x256x1xi32> to vector<49x256x128xi32>
    %eq3A_62 = arith.cmpi eq, %add3A, %eq3A_61 : vector<49x256x128xi32>
    %jit3A_63 = arith.constant -3.000000e+38 : f32
    %broadcast_in_dim3A_64 = vector.broadcast %jit3A_63 : f32 to vector<49x256x128xf32>
    %select_n3A_65 = arith.select %eq3A_62, %broadcast_in_dim3A_64, %select_n3A_43 : vector<49x256x128xi1>, vector<49x256x128xf32>
    %reduce_max3A_66 = arith.constant dense<0xFF800000> : vector<256x128xf32>
    %reduce_max3A_67 = vector.multi_reduction <maximumf>, %select_n3A_65, %reduce_max3A_66 [0] : vector<49x256x128xf32> to vector<256x128xf32>
    %reduce_max3A_68 = arith.constant dense<0xFF800000> : vector<256xf32>
    %reduce_max3A_69 = vector.multi_reduction <maximumf>, %reduce_max3A_67, %reduce_max3A_68 [1] : vector<256x128xf32> to vector<256xf32>
    %broadcast_in_dim3A_70 = vector.shape_cast %reduce_max3A_69 : vector<256xf32> to vector<256x1xf32>
    %broadcast_in_dim3A_71 = vector.shape_cast %broadcast_in_dim3A_70 : vector<256x1xf32> to vector<1x256x1xf32>
    %eq3A_72 = vector.broadcast %broadcast_in_dim3A_71 : vector<1x256x1xf32> to vector<49x256x128xf32>
    %eq3A_73 = arith.cmpf oeq, %select_n3A_65, %eq3A_72 : vector<49x256x128xf32>
    %jit3A_74 = arith.constant 1073741824 : i32
    %broadcast_in_dim3A_75 = vector.broadcast %jit3A_74 : i32 to vector<49x256x128xi32>
    %select_n3A_76 = arith.select %eq3A_73, %add3A, %broadcast_in_dim3A_75 : vector<49x256x128xi1>, vector<49x256x128xi32>
    %reduce_min3A_77 = arith.constant dense<2147483647> : vector<256x128xi32>
    %reduce_min3A_78 = vector.multi_reduction <minsi>, %select_n3A_76, %reduce_min3A_77 [0] : vector<49x256x128xi32> to vector<256x128xi32>
    %reduce_min3A_79 = arith.constant dense<2147483647> : vector<256xi32>
    %reduce_min3A_80 = vector.multi_reduction <minsi>, %reduce_min3A_78, %reduce_min3A_79 [1] : vector<256x128xi32> to vector<256xi32>
    %broadcast_in_dim3A_81 = vector.shape_cast %reduce_min3A_80 : vector<256xi32> to vector<256x1xi32>
    %broadcast_in_dim3A_82 = vector.shape_cast %broadcast_in_dim3A_81 : vector<256x1xi32> to vector<1x256x1xi32>
    %eq3A_83 = vector.broadcast %broadcast_in_dim3A_82 : vector<1x256x1xi32> to vector<49x256x128xi32>
    %eq3A_84 = arith.cmpi eq, %add3A, %eq3A_83 : vector<49x256x128xi32>
    %jit3A_85 = arith.constant -3.000000e+38 : f32
    %broadcast_in_dim3A_86 = vector.broadcast %jit3A_85 : f32 to vector<49x256x128xf32>
    %select_n3A_87 = arith.select %eq3A_84, %broadcast_in_dim3A_86, %select_n3A_65 : vector<49x256x128xi1>, vector<49x256x128xf32>
    %reduce_max3A_88 = arith.constant dense<0xFF800000> : vector<256x128xf32>
    %reduce_max3A_89 = vector.multi_reduction <maximumf>, %select_n3A_87, %reduce_max3A_88 [0] : vector<49x256x128xf32> to vector<256x128xf32>
    %reduce_max3A_90 = arith.constant dense<0xFF800000> : vector<256xf32>
    %reduce_max3A_91 = vector.multi_reduction <maximumf>, %reduce_max3A_89, %reduce_max3A_90 [1] : vector<256x128xf32> to vector<256xf32>
    %broadcast_in_dim3A_92 = vector.shape_cast %reduce_max3A_91 : vector<256xf32> to vector<256x1xf32>
    %broadcast_in_dim3A_93 = vector.shape_cast %broadcast_in_dim3A_92 : vector<256x1xf32> to vector<1x256x1xf32>
    %eq3A_94 = vector.broadcast %broadcast_in_dim3A_93 : vector<1x256x1xf32> to vector<49x256x128xf32>
    %eq3A_95 = arith.cmpf oeq, %select_n3A_87, %eq3A_94 : vector<49x256x128xf32>
    %jit3A_96 = arith.constant 1073741824 : i32
    %broadcast_in_dim3A_97 = vector.broadcast %jit3A_96 : i32 to vector<49x256x128xi32>
    %select_n3A_98 = arith.select %eq3A_95, %add3A, %broadcast_in_dim3A_97 : vector<49x256x128xi1>, vector<49x256x128xi32>
    %reduce_min3A_99 = arith.constant dense<2147483647> : vector<256x128xi32>
    %reduce_min3A_100 = vector.multi_reduction <minsi>, %select_n3A_98, %reduce_min3A_99 [0] : vector<49x256x128xi32> to vector<256x128xi32>
    %reduce_min3A_101 = arith.constant dense<2147483647> : vector<256xi32>
    %reduce_min3A_102 = vector.multi_reduction <minsi>, %reduce_min3A_100, %reduce_min3A_101 [1] : vector<256x128xi32> to vector<256xi32>
    %broadcast_in_dim3A_103 = vector.shape_cast %reduce_min3A_102 : vector<256xi32> to vector<256x1xi32>
    %broadcast_in_dim3A_104 = vector.shape_cast %broadcast_in_dim3A_103 : vector<256x1xi32> to vector<1x256x1xi32>
    %eq3A_105 = vector.broadcast %broadcast_in_dim3A_104 : vector<1x256x1xi32> to vector<49x256x128xi32>
    %eq3A_106 = arith.cmpi eq, %add3A, %eq3A_105 : vector<49x256x128xi32>
    %jit3A_107 = arith.constant -3.000000e+38 : f32
    %broadcast_in_dim3A_108 = vector.broadcast %jit3A_107 : f32 to vector<49x256x128xf32>
    %select_n3A_109 = arith.select %eq3A_106, %broadcast_in_dim3A_108, %select_n3A_87 : vector<49x256x128xi1>, vector<49x256x128xf32>
    %reduce_max3A_110 = arith.constant dense<0xFF800000> : vector<256x128xf32>
    %reduce_max3A_111 = vector.multi_reduction <maximumf>, %select_n3A_109, %reduce_max3A_110 [0] : vector<49x256x128xf32> to vector<256x128xf32>
    %reduce_max3A_112 = arith.constant dense<0xFF800000> : vector<256xf32>
    %reduce_max3A_113 = vector.multi_reduction <maximumf>, %reduce_max3A_111, %reduce_max3A_112 [1] : vector<256x128xf32> to vector<256xf32>
    %broadcast_in_dim3A_114 = vector.shape_cast %reduce_max3A_113 : vector<256xf32> to vector<256x1xf32>
    %broadcast_in_dim3A_115 = vector.shape_cast %broadcast_in_dim3A_114 : vector<256x1xf32> to vector<1x256x1xf32>
    %eq3A_116 = vector.broadcast %broadcast_in_dim3A_115 : vector<1x256x1xf32> to vector<49x256x128xf32>
    %eq3A_117 = arith.cmpf oeq, %select_n3A_109, %eq3A_116 : vector<49x256x128xf32>
    %jit3A_118 = arith.constant 1073741824 : i32
    %broadcast_in_dim3A_119 = vector.broadcast %jit3A_118 : i32 to vector<49x256x128xi32>
    %select_n3A_120 = arith.select %eq3A_117, %add3A, %broadcast_in_dim3A_119 : vector<49x256x128xi1>, vector<49x256x128xi32>
    %reduce_min3A_121 = arith.constant dense<2147483647> : vector<256x128xi32>
    %reduce_min3A_122 = vector.multi_reduction <minsi>, %select_n3A_120, %reduce_min3A_121 [0] : vector<49x256x128xi32> to vector<256x128xi32>
    %reduce_min3A_123 = arith.constant dense<2147483647> : vector<256xi32>
    %reduce_min3A_124 = vector.multi_reduction <minsi>, %reduce_min3A_122, %reduce_min3A_123 [1] : vector<256x128xi32> to vector<256xi32>
    %broadcast_in_dim3A_125 = vector.shape_cast %reduce_min3A_124 : vector<256xi32> to vector<256x1xi32>
    %broadcast_in_dim3A_126 = vector.shape_cast %broadcast_in_dim3A_125 : vector<256x1xi32> to vector<1x256x1xi32>
    %eq3A_127 = vector.broadcast %broadcast_in_dim3A_126 : vector<1x256x1xi32> to vector<49x256x128xi32>
    %eq3A_128 = arith.cmpi eq, %add3A, %eq3A_127 : vector<49x256x128xi32>
    %jit3A_129 = arith.constant -3.000000e+38 : f32
    %broadcast_in_dim3A_130 = vector.broadcast %jit3A_129 : f32 to vector<49x256x128xf32>
    %select_n3A_131 = arith.select %eq3A_128, %broadcast_in_dim3A_130, %select_n3A_109 : vector<49x256x128xi1>, vector<49x256x128xf32>
    %reduce_max3A_132 = arith.constant dense<0xFF800000> : vector<256x128xf32>
    %reduce_max3A_133 = vector.multi_reduction <maximumf>, %select_n3A_131, %reduce_max3A_132 [0] : vector<49x256x128xf32> to vector<256x128xf32>
    %reduce_max3A_134 = arith.constant dense<0xFF800000> : vector<256xf32>
    %reduce_max3A_135 = vector.multi_reduction <maximumf>, %reduce_max3A_133, %reduce_max3A_134 [1] : vector<256x128xf32> to vector<256xf32>
    %broadcast_in_dim3A_136 = vector.shape_cast %reduce_max3A_135 : vector<256xf32> to vector<256x1xf32>
    %broadcast_in_dim3A_137 = vector.shape_cast %broadcast_in_dim3A_136 : vector<256x1xf32> to vector<1x256x1xf32>
    %eq3A_138 = vector.broadcast %broadcast_in_dim3A_137 : vector<1x256x1xf32> to vector<49x256x128xf32>
    %eq3A_139 = arith.cmpf oeq, %select_n3A_131, %eq3A_138 : vector<49x256x128xf32>
    %jit3A_140 = arith.constant 1073741824 : i32
    %broadcast_in_dim3A_141 = vector.broadcast %jit3A_140 : i32 to vector<49x256x128xi32>
    %select_n3A_142 = arith.select %eq3A_139, %add3A, %broadcast_in_dim3A_141 : vector<49x256x128xi1>, vector<49x256x128xi32>
    %reduce_min3A_143 = arith.constant dense<2147483647> : vector<256x128xi32>
    %reduce_min3A_144 = vector.multi_reduction <minsi>, %select_n3A_142, %reduce_min3A_143 [0] : vector<49x256x128xi32> to vector<256x128xi32>
    %reduce_min3A_145 = arith.constant dense<2147483647> : vector<256xi32>
    %reduce_min3A_146 = vector.multi_reduction <minsi>, %reduce_min3A_144, %reduce_min3A_145 [1] : vector<256x128xi32> to vector<256xi32>
    %broadcast_in_dim3A_147 = vector.shape_cast %reduce_min3A_146 : vector<256xi32> to vector<256x1xi32>
    %broadcast_in_dim3A_148 = vector.shape_cast %broadcast_in_dim3A_147 : vector<256x1xi32> to vector<1x256x1xi32>
    %eq3A_149 = vector.broadcast %broadcast_in_dim3A_148 : vector<1x256x1xi32> to vector<49x256x128xi32>
    %eq3A_150 = arith.cmpi eq, %add3A, %eq3A_149 : vector<49x256x128xi32>
    %jit3A_151 = arith.constant -3.000000e+38 : f32
    %broadcast_in_dim3A_152 = vector.broadcast %jit3A_151 : f32 to vector<49x256x128xf32>
    %select_n3A_153 = arith.select %eq3A_150, %broadcast_in_dim3A_152, %select_n3A_131 : vector<49x256x128xi1>, vector<49x256x128xf32>
    %reduce_max3A_154 = arith.constant dense<0xFF800000> : vector<256x128xf32>
    %reduce_max3A_155 = vector.multi_reduction <maximumf>, %select_n3A_153, %reduce_max3A_154 [0] : vector<49x256x128xf32> to vector<256x128xf32>
    %reduce_max3A_156 = arith.constant dense<0xFF800000> : vector<256xf32>
    %reduce_max3A_157 = vector.multi_reduction <maximumf>, %reduce_max3A_155, %reduce_max3A_156 [1] : vector<256x128xf32> to vector<256xf32>
    %broadcast_in_dim3A_158 = vector.shape_cast %reduce_max3A_157 : vector<256xf32> to vector<256x1xf32>
    %broadcast_in_dim3A_159 = vector.shape_cast %broadcast_in_dim3A_158 : vector<256x1xf32> to vector<1x256x1xf32>
    %eq3A_160 = vector.broadcast %broadcast_in_dim3A_159 : vector<1x256x1xf32> to vector<49x256x128xf32>
    %eq3A_161 = arith.cmpf oeq, %select_n3A_153, %eq3A_160 : vector<49x256x128xf32>
    %jit3A_162 = arith.constant 1073741824 : i32
    %broadcast_in_dim3A_163 = vector.broadcast %jit3A_162 : i32 to vector<49x256x128xi32>
    %select_n3A_164 = arith.select %eq3A_161, %add3A, %broadcast_in_dim3A_163 : vector<49x256x128xi1>, vector<49x256x128xi32>
    %reduce_min3A_165 = arith.constant dense<2147483647> : vector<256x128xi32>
    %reduce_min3A_166 = vector.multi_reduction <minsi>, %select_n3A_164, %reduce_min3A_165 [0] : vector<49x256x128xi32> to vector<256x128xi32>
    %reduce_min3A_167 = arith.constant dense<2147483647> : vector<256xi32>
    %reduce_min3A_168 = vector.multi_reduction <minsi>, %reduce_min3A_166, %reduce_min3A_167 [1] : vector<256x128xi32> to vector<256xi32>
    %broadcast_in_dim3A_169 = vector.shape_cast %reduce_min3A_168 : vector<256xi32> to vector<256x1xi32>
    %broadcast_in_dim3A_170 = vector.shape_cast %broadcast_in_dim3A_169 : vector<256x1xi32> to vector<1x256x1xi32>
    %eq3A_171 = vector.broadcast %broadcast_in_dim3A_170 : vector<1x256x1xi32> to vector<49x256x128xi32>
    %eq3A_172 = arith.cmpi eq, %add3A, %eq3A_171 : vector<49x256x128xi32>
    %jit3A_173 = arith.constant -3.000000e+38 : f32
    %broadcast_in_dim3A_174 = vector.broadcast %jit3A_173 : f32 to vector<49x256x128xf32>
    %select_n3A_175 = arith.select %eq3A_172, %broadcast_in_dim3A_174, %select_n3A_153 : vector<49x256x128xi1>, vector<49x256x128xf32>
    %reduce_max3A_176 = arith.constant dense<0xFF800000> : vector<256x128xf32>
    %reduce_max3A_177 = vector.multi_reduction <maximumf>, %select_n3A_175, %reduce_max3A_176 [0] : vector<49x256x128xf32> to vector<256x128xf32>
    %reduce_max3A_178 = arith.constant dense<0xFF800000> : vector<256xf32>
    %reduce_max3A_179 = vector.multi_reduction <maximumf>, %reduce_max3A_177, %reduce_max3A_178 [1] : vector<256x128xf32> to vector<256xf32>
    %broadcast_in_dim3A_180 = vector.shape_cast %reduce_max3A_179 : vector<256xf32> to vector<256x1xf32>
    %broadcast_in_dim3A_181 = vector.shape_cast %broadcast_in_dim3A_180 : vector<256x1xf32> to vector<1x256x1xf32>
    %eq3A_182 = vector.broadcast %broadcast_in_dim3A_181 : vector<1x256x1xf32> to vector<49x256x128xf32>
    %eq3A_183 = arith.cmpf oeq, %select_n3A_175, %eq3A_182 : vector<49x256x128xf32>
    %jit3A_184 = arith.constant 1073741824 : i32
    %broadcast_in_dim3A_185 = vector.broadcast %jit3A_184 : i32 to vector<49x256x128xi32>
    %select_n3A_186 = arith.select %eq3A_183, %add3A, %broadcast_in_dim3A_185 : vector<49x256x128xi1>, vector<49x256x128xi32>
    %reduce_min3A_187 = arith.constant dense<2147483647> : vector<256x128xi32>
    %reduce_min3A_188 = vector.multi_reduction <minsi>, %select_n3A_186, %reduce_min3A_187 [0] : vector<49x256x128xi32> to vector<256x128xi32>
    %reduce_min3A_189 = arith.constant dense<2147483647> : vector<256xi32>
    %reduce_min3A_190 = vector.multi_reduction <minsi>, %reduce_min3A_188, %reduce_min3A_189 [1] : vector<256x128xi32> to vector<256xi32>
    %broadcast_in_dim3A_191 = vector.shape_cast %reduce_min3A_190 : vector<256xi32> to vector<256x1xi32>
    %broadcast_in_dim3A_192 = vector.shape_cast %broadcast_in_dim3A_191 : vector<256x1xi32> to vector<1x256x1xi32>
    %eq3A_193 = vector.broadcast %broadcast_in_dim3A_192 : vector<1x256x1xi32> to vector<49x256x128xi32>
    %eq3A_194 = arith.cmpi eq, %add3A, %eq3A_193 : vector<49x256x128xi32>
    %jit3A_195 = arith.constant -3.000000e+38 : f32
    %broadcast_in_dim3A_196 = vector.broadcast %jit3A_195 : f32 to vector<49x256x128xf32>
    %select_n3A_197 = arith.select %eq3A_194, %broadcast_in_dim3A_196, %select_n3A_175 : vector<49x256x128xi1>, vector<49x256x128xf32>
    %reduce_max3A_198 = arith.constant dense<0xFF800000> : vector<256x128xf32>
    %reduce_max3A_199 = vector.multi_reduction <maximumf>, %select_n3A_197, %reduce_max3A_198 [0] : vector<49x256x128xf32> to vector<256x128xf32>
    %reduce_max3A_200 = arith.constant dense<0xFF800000> : vector<256xf32>
    %reduce_max3A_201 = vector.multi_reduction <maximumf>, %reduce_max3A_199, %reduce_max3A_200 [1] : vector<256x128xf32> to vector<256xf32>
    %broadcast_in_dim3A_202 = vector.shape_cast %reduce_max3A_201 : vector<256xf32> to vector<256x1xf32>
    %broadcast_in_dim3A_203 = vector.shape_cast %broadcast_in_dim3A_202 : vector<256x1xf32> to vector<1x256x1xf32>
    %eq3A_204 = vector.broadcast %broadcast_in_dim3A_203 : vector<1x256x1xf32> to vector<49x256x128xf32>
    %eq3A_205 = arith.cmpf oeq, %select_n3A_197, %eq3A_204 : vector<49x256x128xf32>
    %jit3A_206 = arith.constant 1073741824 : i32
    %broadcast_in_dim3A_207 = vector.broadcast %jit3A_206 : i32 to vector<49x256x128xi32>
    %select_n3A_208 = arith.select %eq3A_205, %add3A, %broadcast_in_dim3A_207 : vector<49x256x128xi1>, vector<49x256x128xi32>
    %reduce_min3A_209 = arith.constant dense<2147483647> : vector<256x128xi32>
    %reduce_min3A_210 = vector.multi_reduction <minsi>, %select_n3A_208, %reduce_min3A_209 [0] : vector<49x256x128xi32> to vector<256x128xi32>
    %reduce_min3A_211 = arith.constant dense<2147483647> : vector<256xi32>
    %reduce_min3A_212 = vector.multi_reduction <minsi>, %reduce_min3A_210, %reduce_min3A_211 [1] : vector<256x128xi32> to vector<256xi32>
    %broadcast_in_dim3A_213 = vector.shape_cast %reduce_min3A_212 : vector<256xi32> to vector<256x1xi32>
    %broadcast_in_dim3A_214 = vector.shape_cast %broadcast_in_dim3A_213 : vector<256x1xi32> to vector<1x256x1xi32>
    %eq3A_215 = vector.broadcast %broadcast_in_dim3A_214 : vector<1x256x1xi32> to vector<49x256x128xi32>
    %eq3A_216 = arith.cmpi eq, %add3A, %eq3A_215 : vector<49x256x128xi32>
    %jit3A_217 = arith.constant -3.000000e+38 : f32
    %broadcast_in_dim3A_218 = vector.broadcast %jit3A_217 : f32 to vector<49x256x128xf32>
    %select_n3A_219 = arith.select %eq3A_216, %broadcast_in_dim3A_218, %select_n3A_197 : vector<49x256x128xi1>, vector<49x256x128xf32>
    %reduce_max3A_220 = arith.constant dense<0xFF800000> : vector<256x128xf32>
    %reduce_max3A_221 = vector.multi_reduction <maximumf>, %select_n3A_219, %reduce_max3A_220 [0] : vector<49x256x128xf32> to vector<256x128xf32>
    %reduce_max3A_222 = arith.constant dense<0xFF800000> : vector<256xf32>
    %reduce_max3A_223 = vector.multi_reduction <maximumf>, %reduce_max3A_221, %reduce_max3A_222 [1] : vector<256x128xf32> to vector<256xf32>
    %broadcast_in_dim3A_224 = vector.shape_cast %reduce_max3A_223 : vector<256xf32> to vector<256x1xf32>
    %broadcast_in_dim3A_225 = vector.shape_cast %broadcast_in_dim3A_224 : vector<256x1xf32> to vector<1x256x1xf32>
    %eq3A_226 = vector.broadcast %broadcast_in_dim3A_225 : vector<1x256x1xf32> to vector<49x256x128xf32>
    %eq3A_227 = arith.cmpf oeq, %select_n3A_219, %eq3A_226 : vector<49x256x128xf32>
    %jit3A_228 = arith.constant 1073741824 : i32
    %broadcast_in_dim3A_229 = vector.broadcast %jit3A_228 : i32 to vector<49x256x128xi32>
    %select_n3A_230 = arith.select %eq3A_227, %add3A, %broadcast_in_dim3A_229 : vector<49x256x128xi1>, vector<49x256x128xi32>
    %reduce_min3A_231 = arith.constant dense<2147483647> : vector<256x128xi32>
    %reduce_min3A_232 = vector.multi_reduction <minsi>, %select_n3A_230, %reduce_min3A_231 [0] : vector<49x256x128xi32> to vector<256x128xi32>
    %reduce_min3A_233 = arith.constant dense<2147483647> : vector<256xi32>
    %reduce_min3A_234 = vector.multi_reduction <minsi>, %reduce_min3A_232, %reduce_min3A_233 [1] : vector<256x128xi32> to vector<256xi32>
    %broadcast_in_dim3A_235 = vector.shape_cast %reduce_min3A_234 : vector<256xi32> to vector<256x1xi32>
    %broadcast_in_dim3A_236 = vector.shape_cast %broadcast_in_dim3A_235 : vector<256x1xi32> to vector<1x256x1xi32>
    %eq3A_237 = vector.broadcast %broadcast_in_dim3A_236 : vector<1x256x1xi32> to vector<49x256x128xi32>
    %eq3A_238 = arith.cmpi eq, %add3A, %eq3A_237 : vector<49x256x128xi32>
    %jit3A_239 = arith.constant -3.000000e+38 : f32
    %broadcast_in_dim3A_240 = vector.broadcast %jit3A_239 : f32 to vector<49x256x128xf32>
    %select_n3A_241 = arith.select %eq3A_238, %broadcast_in_dim3A_240, %select_n3A_219 : vector<49x256x128xi1>, vector<49x256x128xf32>
    %reduce_max3A_242 = arith.constant dense<0xFF800000> : vector<256x128xf32>
    %reduce_max3A_243 = vector.multi_reduction <maximumf>, %select_n3A_241, %reduce_max3A_242 [0] : vector<49x256x128xf32> to vector<256x128xf32>
    %reduce_max3A_244 = arith.constant dense<0xFF800000> : vector<256xf32>
    %reduce_max3A_245 = vector.multi_reduction <maximumf>, %reduce_max3A_243, %reduce_max3A_244 [1] : vector<256x128xf32> to vector<256xf32>
    %broadcast_in_dim3A_246 = vector.shape_cast %reduce_max3A_245 : vector<256xf32> to vector<256x1xf32>
    %broadcast_in_dim3A_247 = vector.shape_cast %broadcast_in_dim3A_246 : vector<256x1xf32> to vector<1x256x1xf32>
    %eq3A_248 = vector.broadcast %broadcast_in_dim3A_247 : vector<1x256x1xf32> to vector<49x256x128xf32>
    %eq3A_249 = arith.cmpf oeq, %select_n3A_241, %eq3A_248 : vector<49x256x128xf32>
    %jit3A_250 = arith.constant 1073741824 : i32
    %broadcast_in_dim3A_251 = vector.broadcast %jit3A_250 : i32 to vector<49x256x128xi32>
    %select_n3A_252 = arith.select %eq3A_249, %add3A, %broadcast_in_dim3A_251 : vector<49x256x128xi1>, vector<49x256x128xi32>
    %reduce_min3A_253 = arith.constant dense<2147483647> : vector<256x128xi32>
    %reduce_min3A_254 = vector.multi_reduction <minsi>, %select_n3A_252, %reduce_min3A_253 [0] : vector<49x256x128xi32> to vector<256x128xi32>
    %reduce_min3A_255 = arith.constant dense<2147483647> : vector<256xi32>
    %reduce_min3A_256 = vector.multi_reduction <minsi>, %reduce_min3A_254, %reduce_min3A_255 [1] : vector<256x128xi32> to vector<256xi32>
    %broadcast_in_dim3A_257 = vector.shape_cast %reduce_min3A_256 : vector<256xi32> to vector<256x1xi32>
    %broadcast_in_dim3A_258 = vector.shape_cast %broadcast_in_dim3A_257 : vector<256x1xi32> to vector<1x256x1xi32>
    %eq3A_259 = vector.broadcast %broadcast_in_dim3A_258 : vector<1x256x1xi32> to vector<49x256x128xi32>
    %eq3A_260 = arith.cmpi eq, %add3A, %eq3A_259 : vector<49x256x128xi32>
    %jit3A_261 = arith.constant -3.000000e+38 : f32
    %broadcast_in_dim3A_262 = vector.broadcast %jit3A_261 : f32 to vector<49x256x128xf32>
    %select_n3A_263 = arith.select %eq3A_260, %broadcast_in_dim3A_262, %select_n3A_241 : vector<49x256x128xi1>, vector<49x256x128xf32>
    %reduce_max3A_264 = arith.constant dense<0xFF800000> : vector<256x128xf32>
    %reduce_max3A_265 = vector.multi_reduction <maximumf>, %select_n3A_263, %reduce_max3A_264 [0] : vector<49x256x128xf32> to vector<256x128xf32>
    %reduce_max3A_266 = arith.constant dense<0xFF800000> : vector<256xf32>
    %reduce_max3A_267 = vector.multi_reduction <maximumf>, %reduce_max3A_265, %reduce_max3A_266 [1] : vector<256x128xf32> to vector<256xf32>
    %broadcast_in_dim3A_268 = vector.shape_cast %reduce_max3A_267 : vector<256xf32> to vector<256x1xf32>
    %broadcast_in_dim3A_269 = vector.shape_cast %broadcast_in_dim3A_268 : vector<256x1xf32> to vector<1x256x1xf32>
    %eq3A_270 = vector.broadcast %broadcast_in_dim3A_269 : vector<1x256x1xf32> to vector<49x256x128xf32>
    %eq3A_271 = arith.cmpf oeq, %select_n3A_263, %eq3A_270 : vector<49x256x128xf32>
    %jit3A_272 = arith.constant 1073741824 : i32
    %broadcast_in_dim3A_273 = vector.broadcast %jit3A_272 : i32 to vector<49x256x128xi32>
    %select_n3A_274 = arith.select %eq3A_271, %add3A, %broadcast_in_dim3A_273 : vector<49x256x128xi1>, vector<49x256x128xi32>
    %reduce_min3A_275 = arith.constant dense<2147483647> : vector<256x128xi32>
    %reduce_min3A_276 = vector.multi_reduction <minsi>, %select_n3A_274, %reduce_min3A_275 [0] : vector<49x256x128xi32> to vector<256x128xi32>
    %reduce_min3A_277 = arith.constant dense<2147483647> : vector<256xi32>
    %reduce_min3A_278 = vector.multi_reduction <minsi>, %reduce_min3A_276, %reduce_min3A_277 [1] : vector<256x128xi32> to vector<256xi32>
    %broadcast_in_dim3A_279 = vector.shape_cast %reduce_min3A_278 : vector<256xi32> to vector<256x1xi32>
    %broadcast_in_dim3A_280 = vector.shape_cast %broadcast_in_dim3A_279 : vector<256x1xi32> to vector<1x256x1xi32>
    %eq3A_281 = vector.broadcast %broadcast_in_dim3A_280 : vector<1x256x1xi32> to vector<49x256x128xi32>
    %eq3A_282 = arith.cmpi eq, %add3A, %eq3A_281 : vector<49x256x128xi32>
    %jit3A_283 = arith.constant -3.000000e+38 : f32
    %broadcast_in_dim3A_284 = vector.broadcast %jit3A_283 : f32 to vector<49x256x128xf32>
    %select_n3A_285 = arith.select %eq3A_282, %broadcast_in_dim3A_284, %select_n3A_263 : vector<49x256x128xi1>, vector<49x256x128xf32>
    %reduce_max3A_286 = arith.constant dense<0xFF800000> : vector<256x128xf32>
    %reduce_max3A_287 = vector.multi_reduction <maximumf>, %select_n3A_285, %reduce_max3A_286 [0] : vector<49x256x128xf32> to vector<256x128xf32>
    %reduce_max3A_288 = arith.constant dense<0xFF800000> : vector<256xf32>
    %reduce_max3A_289 = vector.multi_reduction <maximumf>, %reduce_max3A_287, %reduce_max3A_288 [1] : vector<256x128xf32> to vector<256xf32>
    %broadcast_in_dim3A_290 = vector.shape_cast %reduce_max3A_289 : vector<256xf32> to vector<256x1xf32>
    %broadcast_in_dim3A_291 = vector.shape_cast %broadcast_in_dim3A_290 : vector<256x1xf32> to vector<1x256x1xf32>
    %eq3A_292 = vector.broadcast %broadcast_in_dim3A_291 : vector<1x256x1xf32> to vector<49x256x128xf32>
    %eq3A_293 = arith.cmpf oeq, %select_n3A_285, %eq3A_292 : vector<49x256x128xf32>
    %jit3A_294 = arith.constant 1073741824 : i32
    %broadcast_in_dim3A_295 = vector.broadcast %jit3A_294 : i32 to vector<49x256x128xi32>
    %select_n3A_296 = arith.select %eq3A_293, %add3A, %broadcast_in_dim3A_295 : vector<49x256x128xi1>, vector<49x256x128xi32>
    %reduce_min3A_297 = arith.constant dense<2147483647> : vector<256x128xi32>
    %reduce_min3A_298 = vector.multi_reduction <minsi>, %select_n3A_296, %reduce_min3A_297 [0] : vector<49x256x128xi32> to vector<256x128xi32>
    %reduce_min3A_299 = arith.constant dense<2147483647> : vector<256xi32>
    %reduce_min3A_300 = vector.multi_reduction <minsi>, %reduce_min3A_298, %reduce_min3A_299 [1] : vector<256x128xi32> to vector<256xi32>
    %broadcast_in_dim3A_301 = vector.shape_cast %reduce_min3A_300 : vector<256xi32> to vector<256x1xi32>
    %broadcast_in_dim3A_302 = vector.shape_cast %broadcast_in_dim3A_301 : vector<256x1xi32> to vector<1x256x1xi32>
    %eq3A_303 = vector.broadcast %broadcast_in_dim3A_302 : vector<1x256x1xi32> to vector<49x256x128xi32>
    %eq3A_304 = arith.cmpi eq, %add3A, %eq3A_303 : vector<49x256x128xi32>
    %jit3A_305 = arith.constant -3.000000e+38 : f32
    %broadcast_in_dim3A_306 = vector.broadcast %jit3A_305 : f32 to vector<49x256x128xf32>
    %select_n3A_307 = arith.select %eq3A_304, %broadcast_in_dim3A_306, %select_n3A_285 : vector<49x256x128xi1>, vector<49x256x128xf32>
    %reduce_max3A_308 = arith.constant dense<0xFF800000> : vector<256x128xf32>
    %reduce_max3A_309 = vector.multi_reduction <maximumf>, %select_n3A_307, %reduce_max3A_308 [0] : vector<49x256x128xf32> to vector<256x128xf32>
    %reduce_max3A_310 = arith.constant dense<0xFF800000> : vector<256xf32>
    %reduce_max3A_311 = vector.multi_reduction <maximumf>, %reduce_max3A_309, %reduce_max3A_310 [1] : vector<256x128xf32> to vector<256xf32>
    %broadcast_in_dim3A_312 = vector.shape_cast %reduce_max3A_311 : vector<256xf32> to vector<256x1xf32>
    %broadcast_in_dim3A_313 = vector.shape_cast %broadcast_in_dim3A_312 : vector<256x1xf32> to vector<1x256x1xf32>
    %eq3A_314 = vector.broadcast %broadcast_in_dim3A_313 : vector<1x256x1xf32> to vector<49x256x128xf32>
    %eq3A_315 = arith.cmpf oeq, %select_n3A_307, %eq3A_314 : vector<49x256x128xf32>
    %jit3A_316 = arith.constant 1073741824 : i32
    %broadcast_in_dim3A_317 = vector.broadcast %jit3A_316 : i32 to vector<49x256x128xi32>
    %select_n3A_318 = arith.select %eq3A_315, %add3A, %broadcast_in_dim3A_317 : vector<49x256x128xi1>, vector<49x256x128xi32>
    %reduce_min3A_319 = arith.constant dense<2147483647> : vector<256x128xi32>
    %reduce_min3A_320 = vector.multi_reduction <minsi>, %select_n3A_318, %reduce_min3A_319 [0] : vector<49x256x128xi32> to vector<256x128xi32>
    %reduce_min3A_321 = arith.constant dense<2147483647> : vector<256xi32>
    %reduce_min3A_322 = vector.multi_reduction <minsi>, %reduce_min3A_320, %reduce_min3A_321 [1] : vector<256x128xi32> to vector<256xi32>
    %broadcast_in_dim3A_323 = vector.shape_cast %reduce_min3A_322 : vector<256xi32> to vector<256x1xi32>
    %broadcast_in_dim3A_324 = vector.shape_cast %broadcast_in_dim3A_323 : vector<256x1xi32> to vector<1x256x1xi32>
    %eq3A_325 = vector.broadcast %broadcast_in_dim3A_324 : vector<1x256x1xi32> to vector<49x256x128xi32>
    %eq3A_326 = arith.cmpi eq, %add3A, %eq3A_325 : vector<49x256x128xi32>
    %jit3A_327 = arith.constant -3.000000e+38 : f32
    %broadcast_in_dim3A_328 = vector.broadcast %jit3A_327 : f32 to vector<49x256x128xf32>
    %select_n3A_329 = arith.select %eq3A_326, %broadcast_in_dim3A_328, %select_n3A_307 : vector<49x256x128xi1>, vector<49x256x128xf32>
    %reduce_max3A_330 = arith.constant dense<0xFF800000> : vector<256x128xf32>
    %reduce_max3A_331 = vector.multi_reduction <maximumf>, %select_n3A_329, %reduce_max3A_330 [0] : vector<49x256x128xf32> to vector<256x128xf32>
    %reduce_max3A_332 = arith.constant dense<0xFF800000> : vector<256xf32>
    %reduce_max3A_333 = vector.multi_reduction <maximumf>, %reduce_max3A_331, %reduce_max3A_332 [1] : vector<256x128xf32> to vector<256xf32>
    %broadcast_in_dim3A_334 = vector.shape_cast %reduce_max3A_333 : vector<256xf32> to vector<256x1xf32>
    %broadcast_in_dim3A_335 = vector.shape_cast %broadcast_in_dim3A_334 : vector<256x1xf32> to vector<1x256x1xf32>
    %eq3A_336 = vector.broadcast %broadcast_in_dim3A_335 : vector<1x256x1xf32> to vector<49x256x128xf32>
    %eq3A_337 = arith.cmpf oeq, %select_n3A_329, %eq3A_336 : vector<49x256x128xf32>
    %jit3A_338 = arith.constant 1073741824 : i32
    %broadcast_in_dim3A_339 = vector.broadcast %jit3A_338 : i32 to vector<49x256x128xi32>
    %select_n3A_340 = arith.select %eq3A_337, %add3A, %broadcast_in_dim3A_339 : vector<49x256x128xi1>, vector<49x256x128xi32>
    %reduce_min3A_341 = arith.constant dense<2147483647> : vector<256x128xi32>
    %reduce_min3A_342 = vector.multi_reduction <minsi>, %select_n3A_340, %reduce_min3A_341 [0] : vector<49x256x128xi32> to vector<256x128xi32>
    %reduce_min3A_343 = arith.constant dense<2147483647> : vector<256xi32>
    %reduce_min3A_344 = vector.multi_reduction <minsi>, %reduce_min3A_342, %reduce_min3A_343 [1] : vector<256x128xi32> to vector<256xi32>
    %broadcast_in_dim3A_345 = vector.shape_cast %reduce_min3A_344 : vector<256xi32> to vector<256x1xi32>
    %concatenate3A = tpu.concatenate %broadcast_in_dim3A_15, %broadcast_in_dim3A_37, %broadcast_in_dim3A_59, %broadcast_in_dim3A_81, %broadcast_in_dim3A_103, %broadcast_in_dim3A_125, %broadcast_in_dim3A_147, %broadcast_in_dim3A_169, %broadcast_in_dim3A_191, %broadcast_in_dim3A_213, %broadcast_in_dim3A_235, %broadcast_in_dim3A_257, %broadcast_in_dim3A_279, %broadcast_in_dim3A_301, %broadcast_in_dim3A_323, %broadcast_in_dim3A_345 in 1 : vector<256x1xi32>, vector<256x1xi32>, vector<256x1xi32>, vector<256x1xi32>, vector<256x1xi32>, vector<256x1xi32>, vector<256x1xi32>, vector<256x1xi32>, vector<256x1xi32>, vector<256x1xi32>, vector<256x1xi32>, vector<256x1xi32>, vector<256x1xi32>, vector<256x1xi32>, vector<256x1xi32>, vector<256x1xi32> -> vector<256x16xi32>
    %iota3A_346 = tpu.iota {dimensions = array<i32: 2>} : vector<256x16x16xi32>
    %broadcast_in_dim3A_347 = vector.shape_cast %concatenate3A : vector<256x16xi32> to vector<256x16x1xi32>
    %mul3A_348 = arith.constant 128 : i32
    %mul3A_349 = vector.broadcast %mul3A_348 : i32 to vector<256x16x16xi32>
    %mul3A_350 = arith.muli %mul3A_349, %iota3A_346 : vector<256x16x16xi32>
    %add3A_351 = vector.broadcast %broadcast_in_dim3A_347 : vector<256x16x1xi32> to vector<256x16x16xi32>
    %add3A_352 = arith.addi %add3A_351, %mul3A_350 : vector<256x16x16xi32>
    %iota3A_353 = tpu.iota {dimensions = array<i32: 0>} : vector<256x16x16xi32>
    %swap3A = arith.constant 0 : index
    %swap3A_354 = arith.constant 0 : index
    %swap3A_355 = arith.constant 0 : index
    %swap3A_356 = vector.load %arg1[%swap3A, %swap3A_354, %swap3A_355] : memref<256x16x16xi32, #tpu.memory_space<vmem>>, vector<256x16x16xi32>
    tpu.vector_store %arg1[%swap3A, %swap3A_354, %swap3A_355], %add3A_352 {strides = array<i32>} : memref<256x16x16xi32, #tpu.memory_space<vmem>>, vector<256x16x16xi32>,
    %mul3A_357 = arith.constant 100352 : i32
    %mul3A_358 = vector.broadcast %mul3A_357 : i32 to vector<256x16x16xi32>
    %mul3A_359 = arith.muli %iota3A_353, %mul3A_358 : vector<256x16x16xi32>
    %add3A_360 = arith.addi %add3A_352, %mul3A_359 : vector<256x16x16xi32>
    %swap3A_361 = arith.constant 0 : index
    %swap3A_362 = arith.constant 0 : index
    %swap3A_363 = arith.constant 0 : index
    %swap3A_364 = vector.load %arg2[%swap3A_361, %swap3A_362, %swap3A_363] : memref<256x16x16xi32, #tpu.memory_space<vmem>>, vector<256x16x16xi32>
    tpu.vector_store %arg2[%swap3A_361, %swap3A_362, %swap3A_363], %add3A_360 {strides = array<i32>} : memref<256x16x16xi32, #tpu.memory_space<vmem>>, vector<256x16x16xi32>,
    return
  }
}

module attributes {stable_mosaic.version = 14 : i64} {
  func.func @_phase_a_body(%arg0: i32, %arg1: memref<256x1024xf32, #tpu.memory_space<vmem>>, %arg2: memref<2048x512xf32, #tpu.memory_space<vmem>>, %arg3: memref<512x1024xf32, #tpu.memory_space<vmem>>, %arg4: memref<256x2048xf32, #tpu.memory_space<vmem>>, %arg5: memref<1x256x128xf32, #tpu.memory_space<vmem>>, %arg6: memref<256x512xf32, #tpu.memory_space<vmem>>, %arg7: memref<256x128xf32, #tpu.memory_space<vmem>>) attributes {dimension_semantics = [#tpu.dimension_semantics<arbitrary>], iteration_bounds = array<i64: 49>, scalar_prefetch = 0 : i64, scratch_operands = 2 : i64, tpu.core_type = #tpu.core_type<tc>, window_params = [{pipeline_mode = #tpu.pipeline_mode<synchronous>, transform_indices = @transform_0, window_bounds = array<i64: 256, 1024>}, {transform_indices = @transform_1, window_bounds = array<i64: 2048, 512>}, {pipeline_mode = #tpu.pipeline_mode<synchronous>, transform_indices = @transform_2, window_bounds = array<i64: 512, 1024>}, {transform_indices = @transform_3, window_bounds = array<i64: 256, 2048>}, {transform_indices = @transform_4, window_bounds = array<i64: 1, 256, 128>}]} {
    %eq3A = arith.constant 0 : i32
    %eq3A_0 = arith.cmpi eq, %arg0, %eq3A : i32
    %convert_element_type3A = arith.extui %eq3A_0 : i1 to i32
    %cond3A = arith.constant 0 : i32
    %cond3A_1 = arith.cmpi ne, %convert_element_type3A, %cond3A : i32
    scf.if %cond3A_1 {
      %get3A_34 = arith.constant 0 : index
      %get3A_35 = arith.constant 0 : index
      %get3A_36 = vector.load %arg1[%get3A_34, %get3A_35] : memref<256x1024xf32, #tpu.memory_space<vmem>>, vector<256x1024xf32>
      %get3A_37 = arith.constant 0 : index
      %get3A_38 = arith.constant 0 : index
      %get3A_39 = vector.load %arg3[%get3A_37, %get3A_38] : memref<512x1024xf32, #tpu.memory_space<vmem>>, vector<512x1024xf32>
      %dot_general3A_40 = arith.constant dense<0.000000e+00> : vector<256x512xf32>
      %dot_general3A_41 = tpu.matmul %get3A_36, %get3A_39, %dot_general3A_40 {dimension_numbers = #tpu.dot_dimension_numbers<[1], [1], [0], [0], [0, 0, 1, 0], [], []>, precision = #tpu.contract_precision<fp32>, transpose_lhs_hint = false} : vector<256x1024xf32>, vector<512x1024xf32>, vector<256x512xf32> -> vector<256x512xf32>
      %swap3A_42 = arith.constant 0 : index
      %swap3A_43 = arith.constant 0 : index
      %swap3A_44 = vector.load %arg6[%swap3A_42, %swap3A_43] : memref<256x512xf32, #tpu.memory_space<vmem>>, vector<256x512xf32>
      tpu.vector_store %arg6[%swap3A_42, %swap3A_43], %dot_general3A_41 {strides = array<i32>} : memref<256x512xf32, #tpu.memory_space<vmem>>, vector<256x512xf32>,
      %mul3A_45 = arith.mulf %dot_general3A_41, %dot_general3A_41 : vector<256x512xf32>
      %reduce_sum3A = arith.constant dense<0.000000e+00> : vector<256xf32>
      %reduce_sum3A_46 = vector.multi_reduction <add>, %mul3A_45, %reduce_sum3A [1] : vector<256x512xf32> to vector<256xf32>
      %broadcast_in_dim3A_47 = vector.shape_cast %reduce_sum3A_46 : vector<256xf32> to vector<256x1xf32>
      %sqrt3A_48 = math.sqrt %broadcast_in_dim3A_47 : vector<256x1xf32>
      %broadcast_in_dim3A_49 = vector.shape_cast %sqrt3A_48 : vector<256x1xf32> to vector<256x1xf32>
      %broadcast_in_dim3A_50 = vector.broadcast %broadcast_in_dim3A_49 : vector<256x1xf32> to vector<256x128xf32>
      %swap3A_51 = arith.constant 0 : index
      %swap3A_52 = arith.constant 0 : index
      %swap3A_53 = vector.load %arg7[%swap3A_51, %swap3A_52] : memref<256x128xf32, #tpu.memory_space<vmem>>, vector<256x128xf32>
      tpu.vector_store %arg7[%swap3A_51, %swap3A_52], %broadcast_in_dim3A_50 {strides = array<i32>} : memref<256x128xf32, #tpu.memory_space<vmem>>, vector<256x128xf32>,
    } else {
    }
    %get3A = arith.constant 0 : index
    %get3A_2 = arith.constant 0 : index
    %get3A_3 = vector.load %arg2[%get3A, %get3A_2] : memref<2048x512xf32, #tpu.memory_space<vmem>>, vector<2048x512xf32>
    %get3A_4 = arith.constant 0 : index
    %get3A_5 = arith.constant 0 : index
    %get3A_6 = vector.load %arg6[%get3A_4, %get3A_5] : memref<256x512xf32, #tpu.memory_space<vmem>>, vector<256x512xf32>
    %dot_general3A = arith.constant dense<0.000000e+00> : vector<256x2048xf32>
    %dot_general3A_7 = tpu.matmul %get3A_6, %get3A_3, %dot_general3A {dimension_numbers = #tpu.dot_dimension_numbers<[1], [1], [0], [0], [0, 0, 1, 0], [], []>, precision = #tpu.contract_precision<fp32>, transpose_lhs_hint = false} : vector<256x512xf32>, vector<2048x512xf32>, vector<256x2048xf32> -> vector<256x2048xf32>
    %mul3A = arith.mulf %get3A_3, %get3A_3 : vector<2048x512xf32>
    %broadcast_in_dim3A = arith.constant 1.000000e+00 : f32
    %broadcast_in_dim3A_8 = vector.broadcast %broadcast_in_dim3A : f32 to vector<8x512xf32>
    %dot_general3A_9 = arith.constant dense<0.000000e+00> : vector<8x2048xf32>
    %dot_general3A_10 = tpu.matmul %broadcast_in_dim3A_8, %mul3A, %dot_general3A_9 {dimension_numbers = #tpu.dot_dimension_numbers<[1], [1], [0], [0], [0, 0, 1, 0], [], []>, precision = #tpu.contract_precision<fp32>, transpose_lhs_hint = false} : vector<8x512xf32>, vector<2048x512xf32>, vector<8x2048xf32> -> vector<8x2048xf32>
    %slice3A = vector.extract_strided_slice %dot_general3A_10 {offsets = [0, 0], sizes = [1, 2048], strides = [1, 1]} : vector<8x2048xf32> to vector<1x2048xf32>
    %sqrt3A = math.sqrt %slice3A : vector<1x2048xf32>
    %get3A_11 = arith.constant 0 : index
    %get3A_12 = arith.constant 0 : index
    %get3A_13 = vector.load %arg7[%get3A_11, %get3A_12] : memref<256x128xf32, #tpu.memory_space<vmem>>, vector<256x1xf32>
    %mul3A_14 = vector.broadcast %get3A_13 : vector<256x1xf32> to vector<256x2048xf32>
    %mul3A_15 = vector.broadcast %sqrt3A : vector<1x2048xf32> to vector<256x2048xf32>
    %mul3A_16 = arith.mulf %mul3A_14, %mul3A_15 : vector<256x2048xf32>
    %add3A = arith.constant 9.99999993E-9 : f32
    %add3A_17 = vector.broadcast %add3A : f32 to vector<256x2048xf32>
    %add3A_18 = arith.addf %mul3A_16, %add3A_17 : vector<256x2048xf32>
    %div3A = arith.divf %dot_general3A_7, %add3A_18 : vector<256x2048xf32>
    %mul3A_19 = arith.constant 2048 : i32
    %mul3A_20 = arith.muli %mul3A_19, %arg0 : i32
    %iota3A = tpu.iota {dimensions = array<i32: 1>} : vector<256x2048xi32>
    %add3A_21 = vector.broadcast %mul3A_20 : i32 to vector<256x2048xi32>
    %add3A_22 = arith.addi %add3A_21, %iota3A : vector<256x2048xi32>
    %lt3A = arith.constant 100000 : i32
    %lt3A_23 = vector.broadcast %lt3A : i32 to vector<256x2048xi32>
    %lt3A_24 = arith.cmpi slt, %add3A_22, %lt3A_23 : vector<256x2048xi32>
    %jit3A = arith.constant -3.000000e+38 : f32
    %broadcast_in_dim3A_25 = vector.broadcast %jit3A : f32 to vector<256x2048xf32>
    %select_n3A = arith.select %lt3A_24, %div3A, %broadcast_in_dim3A_25 : vector<256x2048xi1>, vector<256x2048xf32>
    %swap3A = arith.constant 0 : index
    %swap3A_26 = arith.constant 0 : index
    %swap3A_27 = vector.load %arg4[%swap3A, %swap3A_26] : memref<256x2048xf32, #tpu.memory_space<vmem>>, vector<256x2048xf32>
    tpu.vector_store %arg4[%swap3A, %swap3A_26], %select_n3A {strides = array<i32>} : memref<256x2048xf32, #tpu.memory_space<vmem>>, vector<256x2048xf32>,
    %reshape3A = vector.shape_cast %select_n3A : vector<256x2048xf32> to vector<256x16x128xf32>
    %reduce_max3A = arith.constant dense<0xFF800000> : vector<256x128xf32>
    %reduce_max3A_28 = vector.multi_reduction <maximumf>, %reshape3A, %reduce_max3A [1] : vector<256x16x128xf32> to vector<256x128xf32>
    %broadcast_in_dim3A_29 = vector.shape_cast %reduce_max3A_28 : vector<256x128xf32> to vector<1x256x128xf32>
    %swap3A_30 = arith.constant 0 : index
    %swap3A_31 = arith.constant 0 : index
    %swap3A_32 = arith.constant 0 : index
    %swap3A_33 = vector.load %arg5[%swap3A_30, %swap3A_31, %swap3A_32] : memref<1x256x128xf32, #tpu.memory_space<vmem>>, vector<1x256x128xf32>
    tpu.vector_store %arg5[%swap3A_30, %swap3A_31, %swap3A_32], %broadcast_in_dim3A_29 {strides = array<i32>} : memref<1x256x128xf32, #tpu.memory_space<vmem>>, vector<1x256x128xf32>,
    return
  }
  func.func @transform_0(%arg0: i32) -> (i32, i32) {
    %c0_i32 = arith.constant 0 : i32
    %c0_i32_0 = arith.constant 0 : i32
    %c0_i32_1 = arith.constant 0 : i32
    return %c0_i32, %c0_i32_0 : i32, i32
  }
  func.func @transform_1(%arg0: i32) -> (i32, i32) {
    %c0_i32 = arith.constant 0 : i32
    %c0_i32_0 = arith.constant 0 : i32
    return %arg0, %c0_i32 : i32, i32
  }
  func.func @transform_2(%arg0: i32) -> (i32, i32) {
    %c0_i32 = arith.constant 0 : i32
    %c0_i32_0 = arith.constant 0 : i32
    %c0_i32_1 = arith.constant 0 : i32
    return %c0_i32, %c0_i32_0 : i32, i32
  }
  func.func @transform_3(%arg0: i32) -> (i32, i32) {
    %c0_i32 = arith.constant 0 : i32
    %c0_i32_0 = arith.constant 0 : i32
    return %c0_i32, %arg0 : i32, i32
  }
  func.func @transform_4(%arg0: i32) -> (i32, i32, i32) {
    %c0_i32 = arith.constant 0 : i32
    %c0_i32_0 = arith.constant 0 : i32
    %c0_i32_1 = arith.constant 0 : i32
    return %arg0, %c0_i32, %c0_i32_0 : i32, i32, i32
  }
}

module attributes {stable_mosaic.version = 14 : i64} {
  func.func @_phase_d_body(%arg0: memref<256x256xf32, #tpu.memory_space<vmem>>, %arg1: memref<256x256xi32, #tpu.memory_space<vmem>>, %arg2: memref<256x16x16xf32, #tpu.memory_space<vmem>>, %arg3: memref<256x16xi32, #tpu.memory_space<vmem>>) attributes {dimension_semantics = [], scalar_prefetch = 0 : i64, scratch_operands = 0 : i64, tpu.core_type = #tpu.core_type<tc>} {
    %get3A = arith.constant 0 : index
    %get3A_0 = arith.constant 0 : index
    %get3A_1 = vector.load %arg0[%get3A, %get3A_0] : memref<256x256xf32, #tpu.memory_space<vmem>>, vector<256x256xf32>
    %get3A_2 = arith.constant 0 : index
    %get3A_3 = arith.constant 0 : index
    %get3A_4 = vector.load %arg1[%get3A_2, %get3A_3] : memref<256x256xi32, #tpu.memory_space<vmem>>, vector<256x256xi32>
    %reduce_max3A = arith.constant dense<0xFF800000> : vector<256xf32>
    %reduce_max3A_5 = vector.multi_reduction <maximumf>, %get3A_1, %reduce_max3A [1] : vector<256x256xf32> to vector<256xf32>
    %broadcast_in_dim3A = vector.shape_cast %reduce_max3A_5 : vector<256xf32> to vector<256x1xf32>
    %eq3A = vector.broadcast %broadcast_in_dim3A : vector<256x1xf32> to vector<256x256xf32>
    %eq3A_6 = arith.cmpf oeq, %get3A_1, %eq3A : vector<256x256xf32>
    %jit3A = arith.constant 1073741824 : i32
    %broadcast_in_dim3A_7 = vector.broadcast %jit3A : i32 to vector<256x256xi32>
    %select_n3A = arith.select %eq3A_6, %get3A_4, %broadcast_in_dim3A_7 : vector<256x256xi1>, vector<256x256xi32>
    %reduce_min3A = arith.constant dense<2147483647> : vector<256xi32>
    %reduce_min3A_8 = vector.multi_reduction <minsi>, %select_n3A, %reduce_min3A [1] : vector<256x256xi32> to vector<256xi32>
    %broadcast_in_dim3A_9 = vector.shape_cast %reduce_min3A_8 : vector<256xi32> to vector<256x1xi32>
    %eq3A_10 = vector.broadcast %broadcast_in_dim3A_9 : vector<256x1xi32> to vector<256x256xi32>
    %eq3A_11 = arith.cmpi eq, %get3A_4, %eq3A_10 : vector<256x256xi32>
    %jit3A_12 = arith.constant -3.000000e+38 : f32
    %broadcast_in_dim3A_13 = vector.broadcast %jit3A_12 : f32 to vector<256x256xf32>
    %select_n3A_14 = arith.select %eq3A_11, %broadcast_in_dim3A_13, %get3A_1 : vector<256x256xi1>, vector<256x256xf32>
    %reduce_max3A_15 = arith.constant dense<0xFF800000> : vector<256xf32>
    %reduce_max3A_16 = vector.multi_reduction <maximumf>, %select_n3A_14, %reduce_max3A_15 [1] : vector<256x256xf32> to vector<256xf32>
    %broadcast_in_dim3A_17 = vector.shape_cast %reduce_max3A_16 : vector<256xf32> to vector<256x1xf32>
    %eq3A_18 = vector.broadcast %broadcast_in_dim3A_17 : vector<256x1xf32> to vector<256x256xf32>
    %eq3A_19 = arith.cmpf oeq, %select_n3A_14, %eq3A_18 : vector<256x256xf32>
    %jit3A_20 = arith.constant 1073741824 : i32
    %broadcast_in_dim3A_21 = vector.broadcast %jit3A_20 : i32 to vector<256x256xi32>
    %select_n3A_22 = arith.select %eq3A_19, %get3A_4, %broadcast_in_dim3A_21 : vector<256x256xi1>, vector<256x256xi32>
    %reduce_min3A_23 = arith.constant dense<2147483647> : vector<256xi32>
    %reduce_min3A_24 = vector.multi_reduction <minsi>, %select_n3A_22, %reduce_min3A_23 [1] : vector<256x256xi32> to vector<256xi32>
    %broadcast_in_dim3A_25 = vector.shape_cast %reduce_min3A_24 : vector<256xi32> to vector<256x1xi32>
    %eq3A_26 = vector.broadcast %broadcast_in_dim3A_25 : vector<256x1xi32> to vector<256x256xi32>
    %eq3A_27 = arith.cmpi eq, %get3A_4, %eq3A_26 : vector<256x256xi32>
    %jit3A_28 = arith.constant -3.000000e+38 : f32
    %broadcast_in_dim3A_29 = vector.broadcast %jit3A_28 : f32 to vector<256x256xf32>
    %select_n3A_30 = arith.select %eq3A_27, %broadcast_in_dim3A_29, %select_n3A_14 : vector<256x256xi1>, vector<256x256xf32>
    %reduce_max3A_31 = arith.constant dense<0xFF800000> : vector<256xf32>
    %reduce_max3A_32 = vector.multi_reduction <maximumf>, %select_n3A_30, %reduce_max3A_31 [1] : vector<256x256xf32> to vector<256xf32>
    %broadcast_in_dim3A_33 = vector.shape_cast %reduce_max3A_32 : vector<256xf32> to vector<256x1xf32>
    %eq3A_34 = vector.broadcast %broadcast_in_dim3A_33 : vector<256x1xf32> to vector<256x256xf32>
    %eq3A_35 = arith.cmpf oeq, %select_n3A_30, %eq3A_34 : vector<256x256xf32>
    %jit3A_36 = arith.constant 1073741824 : i32
    %broadcast_in_dim3A_37 = vector.broadcast %jit3A_36 : i32 to vector<256x256xi32>
    %select_n3A_38 = arith.select %eq3A_35, %get3A_4, %broadcast_in_dim3A_37 : vector<256x256xi1>, vector<256x256xi32>
    %reduce_min3A_39 = arith.constant dense<2147483647> : vector<256xi32>
    %reduce_min3A_40 = vector.multi_reduction <minsi>, %select_n3A_38, %reduce_min3A_39 [1] : vector<256x256xi32> to vector<256xi32>
    %broadcast_in_dim3A_41 = vector.shape_cast %reduce_min3A_40 : vector<256xi32> to vector<256x1xi32>
    %eq3A_42 = vector.broadcast %broadcast_in_dim3A_41 : vector<256x1xi32> to vector<256x256xi32>
    %eq3A_43 = arith.cmpi eq, %get3A_4, %eq3A_42 : vector<256x256xi32>
    %jit3A_44 = arith.constant -3.000000e+38 : f32
    %broadcast_in_dim3A_45 = vector.broadcast %jit3A_44 : f32 to vector<256x256xf32>
    %select_n3A_46 = arith.select %eq3A_43, %broadcast_in_dim3A_45, %select_n3A_30 : vector<256x256xi1>, vector<256x256xf32>
    %reduce_max3A_47 = arith.constant dense<0xFF800000> : vector<256xf32>
    %reduce_max3A_48 = vector.multi_reduction <maximumf>, %select_n3A_46, %reduce_max3A_47 [1] : vector<256x256xf32> to vector<256xf32>
    %broadcast_in_dim3A_49 = vector.shape_cast %reduce_max3A_48 : vector<256xf32> to vector<256x1xf32>
    %eq3A_50 = vector.broadcast %broadcast_in_dim3A_49 : vector<256x1xf32> to vector<256x256xf32>
    %eq3A_51 = arith.cmpf oeq, %select_n3A_46, %eq3A_50 : vector<256x256xf32>
    %jit3A_52 = arith.constant 1073741824 : i32
    %broadcast_in_dim3A_53 = vector.broadcast %jit3A_52 : i32 to vector<256x256xi32>
    %select_n3A_54 = arith.select %eq3A_51, %get3A_4, %broadcast_in_dim3A_53 : vector<256x256xi1>, vector<256x256xi32>
    %reduce_min3A_55 = arith.constant dense<2147483647> : vector<256xi32>
    %reduce_min3A_56 = vector.multi_reduction <minsi>, %select_n3A_54, %reduce_min3A_55 [1] : vector<256x256xi32> to vector<256xi32>
    %broadcast_in_dim3A_57 = vector.shape_cast %reduce_min3A_56 : vector<256xi32> to vector<256x1xi32>
    %eq3A_58 = vector.broadcast %broadcast_in_dim3A_57 : vector<256x1xi32> to vector<256x256xi32>
    %eq3A_59 = arith.cmpi eq, %get3A_4, %eq3A_58 : vector<256x256xi32>
    %jit3A_60 = arith.constant -3.000000e+38 : f32
    %broadcast_in_dim3A_61 = vector.broadcast %jit3A_60 : f32 to vector<256x256xf32>
    %select_n3A_62 = arith.select %eq3A_59, %broadcast_in_dim3A_61, %select_n3A_46 : vector<256x256xi1>, vector<256x256xf32>
    %reduce_max3A_63 = arith.constant dense<0xFF800000> : vector<256xf32>
    %reduce_max3A_64 = vector.multi_reduction <maximumf>, %select_n3A_62, %reduce_max3A_63 [1] : vector<256x256xf32> to vector<256xf32>
    %broadcast_in_dim3A_65 = vector.shape_cast %reduce_max3A_64 : vector<256xf32> to vector<256x1xf32>
    %eq3A_66 = vector.broadcast %broadcast_in_dim3A_65 : vector<256x1xf32> to vector<256x256xf32>
    %eq3A_67 = arith.cmpf oeq, %select_n3A_62, %eq3A_66 : vector<256x256xf32>
    %jit3A_68 = arith.constant 1073741824 : i32
    %broadcast_in_dim3A_69 = vector.broadcast %jit3A_68 : i32 to vector<256x256xi32>
    %select_n3A_70 = arith.select %eq3A_67, %get3A_4, %broadcast_in_dim3A_69 : vector<256x256xi1>, vector<256x256xi32>
    %reduce_min3A_71 = arith.constant dense<2147483647> : vector<256xi32>
    %reduce_min3A_72 = vector.multi_reduction <minsi>, %select_n3A_70, %reduce_min3A_71 [1] : vector<256x256xi32> to vector<256xi32>
    %broadcast_in_dim3A_73 = vector.shape_cast %reduce_min3A_72 : vector<256xi32> to vector<256x1xi32>
    %eq3A_74 = vector.broadcast %broadcast_in_dim3A_73 : vector<256x1xi32> to vector<256x256xi32>
    %eq3A_75 = arith.cmpi eq, %get3A_4, %eq3A_74 : vector<256x256xi32>
    %jit3A_76 = arith.constant -3.000000e+38 : f32
    %broadcast_in_dim3A_77 = vector.broadcast %jit3A_76 : f32 to vector<256x256xf32>
    %select_n3A_78 = arith.select %eq3A_75, %broadcast_in_dim3A_77, %select_n3A_62 : vector<256x256xi1>, vector<256x256xf32>
    %reduce_max3A_79 = arith.constant dense<0xFF800000> : vector<256xf32>
    %reduce_max3A_80 = vector.multi_reduction <maximumf>, %select_n3A_78, %reduce_max3A_79 [1] : vector<256x256xf32> to vector<256xf32>
    %broadcast_in_dim3A_81 = vector.shape_cast %reduce_max3A_80 : vector<256xf32> to vector<256x1xf32>
    %eq3A_82 = vector.broadcast %broadcast_in_dim3A_81 : vector<256x1xf32> to vector<256x256xf32>
    %eq3A_83 = arith.cmpf oeq, %select_n3A_78, %eq3A_82 : vector<256x256xf32>
    %jit3A_84 = arith.constant 1073741824 : i32
    %broadcast_in_dim3A_85 = vector.broadcast %jit3A_84 : i32 to vector<256x256xi32>
    %select_n3A_86 = arith.select %eq3A_83, %get3A_4, %broadcast_in_dim3A_85 : vector<256x256xi1>, vector<256x256xi32>
    %reduce_min3A_87 = arith.constant dense<2147483647> : vector<256xi32>
    %reduce_min3A_88 = vector.multi_reduction <minsi>, %select_n3A_86, %reduce_min3A_87 [1] : vector<256x256xi32> to vector<256xi32>
    %broadcast_in_dim3A_89 = vector.shape_cast %reduce_min3A_88 : vector<256xi32> to vector<256x1xi32>
    %eq3A_90 = vector.broadcast %broadcast_in_dim3A_89 : vector<256x1xi32> to vector<256x256xi32>
    %eq3A_91 = arith.cmpi eq, %get3A_4, %eq3A_90 : vector<256x256xi32>
    %jit3A_92 = arith.constant -3.000000e+38 : f32
    %broadcast_in_dim3A_93 = vector.broadcast %jit3A_92 : f32 to vector<256x256xf32>
    %select_n3A_94 = arith.select %eq3A_91, %broadcast_in_dim3A_93, %select_n3A_78 : vector<256x256xi1>, vector<256x256xf32>
    %reduce_max3A_95 = arith.constant dense<0xFF800000> : vector<256xf32>
    %reduce_max3A_96 = vector.multi_reduction <maximumf>, %select_n3A_94, %reduce_max3A_95 [1] : vector<256x256xf32> to vector<256xf32>
    %broadcast_in_dim3A_97 = vector.shape_cast %reduce_max3A_96 : vector<256xf32> to vector<256x1xf32>
    %eq3A_98 = vector.broadcast %broadcast_in_dim3A_97 : vector<256x1xf32> to vector<256x256xf32>
    %eq3A_99 = arith.cmpf oeq, %select_n3A_94, %eq3A_98 : vector<256x256xf32>
    %jit3A_100 = arith.constant 1073741824 : i32
    %broadcast_in_dim3A_101 = vector.broadcast %jit3A_100 : i32 to vector<256x256xi32>
    %select_n3A_102 = arith.select %eq3A_99, %get3A_4, %broadcast_in_dim3A_101 : vector<256x256xi1>, vector<256x256xi32>
    %reduce_min3A_103 = arith.constant dense<2147483647> : vector<256xi32>
    %reduce_min3A_104 = vector.multi_reduction <minsi>, %select_n3A_102, %reduce_min3A_103 [1] : vector<256x256xi32> to vector<256xi32>
    %broadcast_in_dim3A_105 = vector.shape_cast %reduce_min3A_104 : vector<256xi32> to vector<256x1xi32>
    %eq3A_106 = vector.broadcast %broadcast_in_dim3A_105 : vector<256x1xi32> to vector<256x256xi32>
    %eq3A_107 = arith.cmpi eq, %get3A_4, %eq3A_106 : vector<256x256xi32>
    %jit3A_108 = arith.constant -3.000000e+38 : f32
    %broadcast_in_dim3A_109 = vector.broadcast %jit3A_108 : f32 to vector<256x256xf32>
    %select_n3A_110 = arith.select %eq3A_107, %broadcast_in_dim3A_109, %select_n3A_94 : vector<256x256xi1>, vector<256x256xf32>
    %reduce_max3A_111 = arith.constant dense<0xFF800000> : vector<256xf32>
    %reduce_max3A_112 = vector.multi_reduction <maximumf>, %select_n3A_110, %reduce_max3A_111 [1] : vector<256x256xf32> to vector<256xf32>
    %broadcast_in_dim3A_113 = vector.shape_cast %reduce_max3A_112 : vector<256xf32> to vector<256x1xf32>
    %eq3A_114 = vector.broadcast %broadcast_in_dim3A_113 : vector<256x1xf32> to vector<256x256xf32>
    %eq3A_115 = arith.cmpf oeq, %select_n3A_110, %eq3A_114 : vector<256x256xf32>
    %jit3A_116 = arith.constant 1073741824 : i32
    %broadcast_in_dim3A_117 = vector.broadcast %jit3A_116 : i32 to vector<256x256xi32>
    %select_n3A_118 = arith.select %eq3A_115, %get3A_4, %broadcast_in_dim3A_117 : vector<256x256xi1>, vector<256x256xi32>
    %reduce_min3A_119 = arith.constant dense<2147483647> : vector<256xi32>
    %reduce_min3A_120 = vector.multi_reduction <minsi>, %select_n3A_118, %reduce_min3A_119 [1] : vector<256x256xi32> to vector<256xi32>
    %broadcast_in_dim3A_121 = vector.shape_cast %reduce_min3A_120 : vector<256xi32> to vector<256x1xi32>
    %eq3A_122 = vector.broadcast %broadcast_in_dim3A_121 : vector<256x1xi32> to vector<256x256xi32>
    %eq3A_123 = arith.cmpi eq, %get3A_4, %eq3A_122 : vector<256x256xi32>
    %jit3A_124 = arith.constant -3.000000e+38 : f32
    %broadcast_in_dim3A_125 = vector.broadcast %jit3A_124 : f32 to vector<256x256xf32>
    %select_n3A_126 = arith.select %eq3A_123, %broadcast_in_dim3A_125, %select_n3A_110 : vector<256x256xi1>, vector<256x256xf32>
    %reduce_max3A_127 = arith.constant dense<0xFF800000> : vector<256xf32>
    %reduce_max3A_128 = vector.multi_reduction <maximumf>, %select_n3A_126, %reduce_max3A_127 [1] : vector<256x256xf32> to vector<256xf32>
    %broadcast_in_dim3A_129 = vector.shape_cast %reduce_max3A_128 : vector<256xf32> to vector<256x1xf32>
    %eq3A_130 = vector.broadcast %broadcast_in_dim3A_129 : vector<256x1xf32> to vector<256x256xf32>
    %eq3A_131 = arith.cmpf oeq, %select_n3A_126, %eq3A_130 : vector<256x256xf32>
    %jit3A_132 = arith.constant 1073741824 : i32
    %broadcast_in_dim3A_133 = vector.broadcast %jit3A_132 : i32 to vector<256x256xi32>
    %select_n3A_134 = arith.select %eq3A_131, %get3A_4, %broadcast_in_dim3A_133 : vector<256x256xi1>, vector<256x256xi32>
    %reduce_min3A_135 = arith.constant dense<2147483647> : vector<256xi32>
    %reduce_min3A_136 = vector.multi_reduction <minsi>, %select_n3A_134, %reduce_min3A_135 [1] : vector<256x256xi32> to vector<256xi32>
    %broadcast_in_dim3A_137 = vector.shape_cast %reduce_min3A_136 : vector<256xi32> to vector<256x1xi32>
    %eq3A_138 = vector.broadcast %broadcast_in_dim3A_137 : vector<256x1xi32> to vector<256x256xi32>
    %eq3A_139 = arith.cmpi eq, %get3A_4, %eq3A_138 : vector<256x256xi32>
    %jit3A_140 = arith.constant -3.000000e+38 : f32
    %broadcast_in_dim3A_141 = vector.broadcast %jit3A_140 : f32 to vector<256x256xf32>
    %select_n3A_142 = arith.select %eq3A_139, %broadcast_in_dim3A_141, %select_n3A_126 : vector<256x256xi1>, vector<256x256xf32>
    %reduce_max3A_143 = arith.constant dense<0xFF800000> : vector<256xf32>
    %reduce_max3A_144 = vector.multi_reduction <maximumf>, %select_n3A_142, %reduce_max3A_143 [1] : vector<256x256xf32> to vector<256xf32>
    %broadcast_in_dim3A_145 = vector.shape_cast %reduce_max3A_144 : vector<256xf32> to vector<256x1xf32>
    %eq3A_146 = vector.broadcast %broadcast_in_dim3A_145 : vector<256x1xf32> to vector<256x256xf32>
    %eq3A_147 = arith.cmpf oeq, %select_n3A_142, %eq3A_146 : vector<256x256xf32>
    %jit3A_148 = arith.constant 1073741824 : i32
    %broadcast_in_dim3A_149 = vector.broadcast %jit3A_148 : i32 to vector<256x256xi32>
    %select_n3A_150 = arith.select %eq3A_147, %get3A_4, %broadcast_in_dim3A_149 : vector<256x256xi1>, vector<256x256xi32>
    %reduce_min3A_151 = arith.constant dense<2147483647> : vector<256xi32>
    %reduce_min3A_152 = vector.multi_reduction <minsi>, %select_n3A_150, %reduce_min3A_151 [1] : vector<256x256xi32> to vector<256xi32>
    %broadcast_in_dim3A_153 = vector.shape_cast %reduce_min3A_152 : vector<256xi32> to vector<256x1xi32>
    %eq3A_154 = vector.broadcast %broadcast_in_dim3A_153 : vector<256x1xi32> to vector<256x256xi32>
    %eq3A_155 = arith.cmpi eq, %get3A_4, %eq3A_154 : vector<256x256xi32>
    %jit3A_156 = arith.constant -3.000000e+38 : f32
    %broadcast_in_dim3A_157 = vector.broadcast %jit3A_156 : f32 to vector<256x256xf32>
    %select_n3A_158 = arith.select %eq3A_155, %broadcast_in_dim3A_157, %select_n3A_142 : vector<256x256xi1>, vector<256x256xf32>
    %reduce_max3A_159 = arith.constant dense<0xFF800000> : vector<256xf32>
    %reduce_max3A_160 = vector.multi_reduction <maximumf>, %select_n3A_158, %reduce_max3A_159 [1] : vector<256x256xf32> to vector<256xf32>
    %broadcast_in_dim3A_161 = vector.shape_cast %reduce_max3A_160 : vector<256xf32> to vector<256x1xf32>
    %eq3A_162 = vector.broadcast %broadcast_in_dim3A_161 : vector<256x1xf32> to vector<256x256xf32>
    %eq3A_163 = arith.cmpf oeq, %select_n3A_158, %eq3A_162 : vector<256x256xf32>
    %jit3A_164 = arith.constant 1073741824 : i32
    %broadcast_in_dim3A_165 = vector.broadcast %jit3A_164 : i32 to vector<256x256xi32>
    %select_n3A_166 = arith.select %eq3A_163, %get3A_4, %broadcast_in_dim3A_165 : vector<256x256xi1>, vector<256x256xi32>
    %reduce_min3A_167 = arith.constant dense<2147483647> : vector<256xi32>
    %reduce_min3A_168 = vector.multi_reduction <minsi>, %select_n3A_166, %reduce_min3A_167 [1] : vector<256x256xi32> to vector<256xi32>
    %broadcast_in_dim3A_169 = vector.shape_cast %reduce_min3A_168 : vector<256xi32> to vector<256x1xi32>
    %eq3A_170 = vector.broadcast %broadcast_in_dim3A_169 : vector<256x1xi32> to vector<256x256xi32>
    %eq3A_171 = arith.cmpi eq, %get3A_4, %eq3A_170 : vector<256x256xi32>
    %jit3A_172 = arith.constant -3.000000e+38 : f32
    %broadcast_in_dim3A_173 = vector.broadcast %jit3A_172 : f32 to vector<256x256xf32>
    %select_n3A_174 = arith.select %eq3A_171, %broadcast_in_dim3A_173, %select_n3A_158 : vector<256x256xi1>, vector<256x256xf32>
    %reduce_max3A_175 = arith.constant dense<0xFF800000> : vector<256xf32>
    %reduce_max3A_176 = vector.multi_reduction <maximumf>, %select_n3A_174, %reduce_max3A_175 [1] : vector<256x256xf32> to vector<256xf32>
    %broadcast_in_dim3A_177 = vector.shape_cast %reduce_max3A_176 : vector<256xf32> to vector<256x1xf32>
    %eq3A_178 = vector.broadcast %broadcast_in_dim3A_177 : vector<256x1xf32> to vector<256x256xf32>
    %eq3A_179 = arith.cmpf oeq, %select_n3A_174, %eq3A_178 : vector<256x256xf32>
    %jit3A_180 = arith.constant 1073741824 : i32
    %broadcast_in_dim3A_181 = vector.broadcast %jit3A_180 : i32 to vector<256x256xi32>
    %select_n3A_182 = arith.select %eq3A_179, %get3A_4, %broadcast_in_dim3A_181 : vector<256x256xi1>, vector<256x256xi32>
    %reduce_min3A_183 = arith.constant dense<2147483647> : vector<256xi32>
    %reduce_min3A_184 = vector.multi_reduction <minsi>, %select_n3A_182, %reduce_min3A_183 [1] : vector<256x256xi32> to vector<256xi32>
    %broadcast_in_dim3A_185 = vector.shape_cast %reduce_min3A_184 : vector<256xi32> to vector<256x1xi32>
    %eq3A_186 = vector.broadcast %broadcast_in_dim3A_185 : vector<256x1xi32> to vector<256x256xi32>
    %eq3A_187 = arith.cmpi eq, %get3A_4, %eq3A_186 : vector<256x256xi32>
    %jit3A_188 = arith.constant -3.000000e+38 : f32
    %broadcast_in_dim3A_189 = vector.broadcast %jit3A_188 : f32 to vector<256x256xf32>
    %select_n3A_190 = arith.select %eq3A_187, %broadcast_in_dim3A_189, %select_n3A_174 : vector<256x256xi1>, vector<256x256xf32>
    %reduce_max3A_191 = arith.constant dense<0xFF800000> : vector<256xf32>
    %reduce_max3A_192 = vector.multi_reduction <maximumf>, %select_n3A_190, %reduce_max3A_191 [1] : vector<256x256xf32> to vector<256xf32>
    %broadcast_in_dim3A_193 = vector.shape_cast %reduce_max3A_192 : vector<256xf32> to vector<256x1xf32>
    %eq3A_194 = vector.broadcast %broadcast_in_dim3A_193 : vector<256x1xf32> to vector<256x256xf32>
    %eq3A_195 = arith.cmpf oeq, %select_n3A_190, %eq3A_194 : vector<256x256xf32>
    %jit3A_196 = arith.constant 1073741824 : i32
    %broadcast_in_dim3A_197 = vector.broadcast %jit3A_196 : i32 to vector<256x256xi32>
    %select_n3A_198 = arith.select %eq3A_195, %get3A_4, %broadcast_in_dim3A_197 : vector<256x256xi1>, vector<256x256xi32>
    %reduce_min3A_199 = arith.constant dense<2147483647> : vector<256xi32>
    %reduce_min3A_200 = vector.multi_reduction <minsi>, %select_n3A_198, %reduce_min3A_199 [1] : vector<256x256xi32> to vector<256xi32>
    %broadcast_in_dim3A_201 = vector.shape_cast %reduce_min3A_200 : vector<256xi32> to vector<256x1xi32>
    %eq3A_202 = vector.broadcast %broadcast_in_dim3A_201 : vector<256x1xi32> to vector<256x256xi32>
    %eq3A_203 = arith.cmpi eq, %get3A_4, %eq3A_202 : vector<256x256xi32>
    %jit3A_204 = arith.constant -3.000000e+38 : f32
    %broadcast_in_dim3A_205 = vector.broadcast %jit3A_204 : f32 to vector<256x256xf32>
    %select_n3A_206 = arith.select %eq3A_203, %broadcast_in_dim3A_205, %select_n3A_190 : vector<256x256xi1>, vector<256x256xf32>
    %reduce_max3A_207 = arith.constant dense<0xFF800000> : vector<256xf32>
    %reduce_max3A_208 = vector.multi_reduction <maximumf>, %select_n3A_206, %reduce_max3A_207 [1] : vector<256x256xf32> to vector<256xf32>
    %broadcast_in_dim3A_209 = vector.shape_cast %reduce_max3A_208 : vector<256xf32> to vector<256x1xf32>
    %eq3A_210 = vector.broadcast %broadcast_in_dim3A_209 : vector<256x1xf32> to vector<256x256xf32>
    %eq3A_211 = arith.cmpf oeq, %select_n3A_206, %eq3A_210 : vector<256x256xf32>
    %jit3A_212 = arith.constant 1073741824 : i32
    %broadcast_in_dim3A_213 = vector.broadcast %jit3A_212 : i32 to vector<256x256xi32>
    %select_n3A_214 = arith.select %eq3A_211, %get3A_4, %broadcast_in_dim3A_213 : vector<256x256xi1>, vector<256x256xi32>
    %reduce_min3A_215 = arith.constant dense<2147483647> : vector<256xi32>
    %reduce_min3A_216 = vector.multi_reduction <minsi>, %select_n3A_214, %reduce_min3A_215 [1] : vector<256x256xi32> to vector<256xi32>
    %broadcast_in_dim3A_217 = vector.shape_cast %reduce_min3A_216 : vector<256xi32> to vector<256x1xi32>
    %eq3A_218 = vector.broadcast %broadcast_in_dim3A_217 : vector<256x1xi32> to vector<256x256xi32>
    %eq3A_219 = arith.cmpi eq, %get3A_4, %eq3A_218 : vector<256x256xi32>
    %jit3A_220 = arith.constant -3.000000e+38 : f32
    %broadcast_in_dim3A_221 = vector.broadcast %jit3A_220 : f32 to vector<256x256xf32>
    %select_n3A_222 = arith.select %eq3A_219, %broadcast_in_dim3A_221, %select_n3A_206 : vector<256x256xi1>, vector<256x256xf32>
    %reduce_max3A_223 = arith.constant dense<0xFF800000> : vector<256xf32>
    %reduce_max3A_224 = vector.multi_reduction <maximumf>, %select_n3A_222, %reduce_max3A_223 [1] : vector<256x256xf32> to vector<256xf32>
    %broadcast_in_dim3A_225 = vector.shape_cast %reduce_max3A_224 : vector<256xf32> to vector<256x1xf32>
    %eq3A_226 = vector.broadcast %broadcast_in_dim3A_225 : vector<256x1xf32> to vector<256x256xf32>
    %eq3A_227 = arith.cmpf oeq, %select_n3A_222, %eq3A_226 : vector<256x256xf32>
    %jit3A_228 = arith.constant 1073741824 : i32
    %broadcast_in_dim3A_229 = vector.broadcast %jit3A_228 : i32 to vector<256x256xi32>
    %select_n3A_230 = arith.select %eq3A_227, %get3A_4, %broadcast_in_dim3A_229 : vector<256x256xi1>, vector<256x256xi32>
    %reduce_min3A_231 = arith.constant dense<2147483647> : vector<256xi32>
    %reduce_min3A_232 = vector.multi_reduction <minsi>, %select_n3A_230, %reduce_min3A_231 [1] : vector<256x256xi32> to vector<256xi32>
    %broadcast_in_dim3A_233 = vector.shape_cast %reduce_min3A_232 : vector<256xi32> to vector<256x1xi32>
    %eq3A_234 = vector.broadcast %broadcast_in_dim3A_233 : vector<256x1xi32> to vector<256x256xi32>
    %eq3A_235 = arith.cmpi eq, %get3A_4, %eq3A_234 : vector<256x256xi32>
    %jit3A_236 = arith.constant -3.000000e+38 : f32
    %broadcast_in_dim3A_237 = vector.broadcast %jit3A_236 : f32 to vector<256x256xf32>
    %select_n3A_238 = arith.select %eq3A_235, %broadcast_in_dim3A_237, %select_n3A_222 : vector<256x256xi1>, vector<256x256xf32>
    %reduce_max3A_239 = arith.constant dense<0xFF800000> : vector<256xf32>
    %reduce_max3A_240 = vector.multi_reduction <maximumf>, %select_n3A_238, %reduce_max3A_239 [1] : vector<256x256xf32> to vector<256xf32>
    %broadcast_in_dim3A_241 = vector.shape_cast %reduce_max3A_240 : vector<256xf32> to vector<256x1xf32>
    %eq3A_242 = vector.broadcast %broadcast_in_dim3A_241 : vector<256x1xf32> to vector<256x256xf32>
    %eq3A_243 = arith.cmpf oeq, %select_n3A_238, %eq3A_242 : vector<256x256xf32>
    %jit3A_244 = arith.constant 1073741824 : i32
    %broadcast_in_dim3A_245 = vector.broadcast %jit3A_244 : i32 to vector<256x256xi32>
    %select_n3A_246 = arith.select %eq3A_243, %get3A_4, %broadcast_in_dim3A_245 : vector<256x256xi1>, vector<256x256xi32>
    %reduce_min3A_247 = arith.constant dense<2147483647> : vector<256xi32>
    %reduce_min3A_248 = vector.multi_reduction <minsi>, %select_n3A_246, %reduce_min3A_247 [1] : vector<256x256xi32> to vector<256xi32>
    %broadcast_in_dim3A_249 = vector.shape_cast %reduce_min3A_248 : vector<256xi32> to vector<256x1xi32>
    %concatenate3A = tpu.concatenate %broadcast_in_dim3A, %broadcast_in_dim3A_17, %broadcast_in_dim3A_33, %broadcast_in_dim3A_49, %broadcast_in_dim3A_65, %broadcast_in_dim3A_81, %broadcast_in_dim3A_97, %broadcast_in_dim3A_113, %broadcast_in_dim3A_129, %broadcast_in_dim3A_145, %broadcast_in_dim3A_161, %broadcast_in_dim3A_177, %broadcast_in_dim3A_193, %broadcast_in_dim3A_209, %broadcast_in_dim3A_225, %broadcast_in_dim3A_241 in 1 : vector<256x1xf32>, vector<256x1xf32>, vector<256x1xf32>, vector<256x1xf32>, vector<256x1xf32>, vector<256x1xf32>, vector<256x1xf32>, vector<256x1xf32>, vector<256x1xf32>, vector<256x1xf32>, vector<256x1xf32>, vector<256x1xf32>, vector<256x1xf32>, vector<256x1xf32>, vector<256x1xf32>, vector<256x1xf32> -> vector<256x16xf32>
    %concatenate3A_250 = tpu.concatenate %broadcast_in_dim3A_9, %broadcast_in_dim3A_25, %broadcast_in_dim3A_41, %broadcast_in_dim3A_57, %broadcast_in_dim3A_73, %broadcast_in_dim3A_89, %broadcast_in_dim3A_105, %broadcast_in_dim3A_121, %broadcast_in_dim3A_137, %broadcast_in_dim3A_153, %broadcast_in_dim3A_169, %broadcast_in_dim3A_185, %broadcast_in_dim3A_201, %broadcast_in_dim3A_217, %broadcast_in_dim3A_233, %broadcast_in_dim3A_249 in 1 : vector<256x1xi32>, vector<256x1xi32>, vector<256x1xi32>, vector<256x1xi32>, vector<256x1xi32>, vector<256x1xi32>, vector<256x1xi32>, vector<256x1xi32>, vector<256x1xi32>, vector<256x1xi32>, vector<256x1xi32>, vector<256x1xi32>, vector<256x1xi32>, vector<256x1xi32>, vector<256x1xi32>, vector<256x1xi32> -> vector<256x16xi32>
    %mul3A = arith.constant 8.000000e+00 : f32
    %mul3A_251 = vector.broadcast %mul3A : f32 to vector<256x16xf32>
    %mul3A_252 = arith.mulf %mul3A_251, %concatenate3A : vector<256x16xf32>
    %reduce_max3A_253 = arith.constant dense<0xFF800000> : vector<256xf32>
    %reduce_max3A_254 = vector.multi_reduction <maximumf>, %mul3A_252, %reduce_max3A_253 [1] : vector<256x16xf32> to vector<256xf32>
    %broadcast_in_dim3A_255 = vector.shape_cast %reduce_max3A_254 : vector<256xf32> to vector<256x1xf32>
    %sub3A = vector.broadcast %broadcast_in_dim3A_255 : vector<256x1xf32> to vector<256x16xf32>
    %sub3A_256 = arith.subf %mul3A_252, %sub3A : vector<256x16xf32>
    %exp3A = math.exp %sub3A_256 : vector<256x16xf32>
    %reduce_sum3A = arith.constant dense<0.000000e+00> : vector<256xf32>
    %reduce_sum3A_257 = vector.multi_reduction <add>, %exp3A, %reduce_sum3A [1] : vector<256x16xf32> to vector<256xf32>
    %broadcast_in_dim3A_258 = vector.shape_cast %reduce_sum3A_257 : vector<256xf32> to vector<256x1xf32>
    %div3A = vector.broadcast %broadcast_in_dim3A_258 : vector<256x1xf32> to vector<256x16xf32>
    %div3A_259 = arith.divf %exp3A, %div3A : vector<256x16xf32>
    %broadcast_in_dim3A_260 = vector.shape_cast %div3A_259 : vector<256x16xf32> to vector<256x16x1xf32>
    %broadcast_in_dim3A_261 = vector.shape_cast %broadcast_in_dim3A_260 : vector<256x16x1xf32> to vector<256x16x1xf32>
    %broadcast_in_dim3A_262 = vector.broadcast %broadcast_in_dim3A_261 : vector<256x16x1xf32> to vector<256x16x16xf32>
    %swap3A = arith.constant 0 : index
    %swap3A_263 = arith.constant 0 : index
    %swap3A_264 = arith.constant 0 : index
    %swap3A_265 = vector.load %arg2[%swap3A, %swap3A_263, %swap3A_264] : memref<256x16x16xf32, #tpu.memory_space<vmem>>, vector<256x16x16xf32>
    tpu.vector_store %arg2[%swap3A, %swap3A_263, %swap3A_264], %broadcast_in_dim3A_262 {strides = array<i32>} : memref<256x16x16xf32, #tpu.memory_space<vmem>>, vector<256x16x16xf32>,
    %swap3A_266 = arith.constant 0 : index
    %swap3A_267 = arith.constant 0 : index
    %swap3A_268 = vector.load %arg3[%swap3A_266, %swap3A_267] : memref<256x16xi32, #tpu.memory_space<vmem>>, vector<256x16xi32>
    tpu.vector_store %arg3[%swap3A_266, %swap3A_267], %concatenate3A_250 {strides = array<i32>} : memref<256x16xi32, #tpu.memory_space<vmem>>, vector<256x16xi32>,
    return
  }
}

</mosaic_0001>

<sc_bundles>
// kernel: kernel.10.cloned.1.call-start
scs
__scs_entry_jumppad:
0x0: {  	(pc) =	sbr.rel $0x88, $3  }
0x1: {  	(tag) =	ssettag $0x0;
	lr =	simm.s32 $0x1  }
0x2: {  	[smem:$0x3F9E] =	sst lr;
	_ =	strace $0xD0000000  }
0x3: {  	_ = 	snop  }
0x4: {  	_ = 	snop  }
0x5: {  	_ = 	snop  }
0x6: {  	_ = 	snop  }
0x7: {  	_ = 	snop  }
__scs_overlays_trampoline_lowered:
0x8: {  	[smem:$0x3FAD] =	sst s0  }
0x9: {  	[smem:$0x3FAE] =	sst s1  }
0xa: {  	[smem:$0x3FAF] =	sst s2  }
0xb: {  	[smem:$0x3FB0] =	sst s3  }
0xc: {  	[smem:$0x3FB1] =	sst s4  }
0xd: {  	[smem:$0x3FB2] =	sst s5  }
0xe: {  	[smem:$0x3FB3] =	sst s6  }
0xf: {  	[smem:$0x3FB4] =	sst s7  }
0x10: {  	[smem:$0x3FB5] =	sst s8  }
0x11: {  	[smem:$0x3FB6] =	sst s9;
	s0 =	simm.s32 @!p0 $0x0  }
0x12: {  	s1 =	sld [smem:$0x3F9C];
	s0 =	simm.s32 @p0 $0x1  }
0x13: {  	[smem:$0x3FB7] =	sst s0;
	s0 =	simm.s32 @!p1 $0x0  }
0x14: {  	s2 =	sld [smem:$0x3F9B];
	s0 =	simm.s32 @p1 $0x1  }
0x15: {  	[smem:$0x3FB8] =	sst s0;
	s0 =	simm.s32 @!p2 $0x0  }
0x16: {  	s3 =	sld [smem:$0x3FDB];
	s0 =	simm.s32 @p2 $0x1  }
0x17: {  	s4 =	simm.s32 $0x1BF5;
	[smem:$0x3FBA] =	sst s0  }
0x18: {  	s0 =	sld [smem:$0x3F9D];
	_ =	swait.ge [sflag:s4], $0x0  }
0x19: {  	s7 =	sld [smem:$0x3F9E]  }
0x1a: {  	s8 =	sadd.s32 $0xFFFFE003, lr  }
0x1b: {  	s9 =	sadd.s32 $0xFFFFFEF7, lr;
	s5 =	simm.s32 $0xFFFFFFFF;
	p2 =	slt.u32 s8, $0xFFFFF086  }
0x1c: {  	p1 =	slt.u32 s9, $0xF7A;
	s5 =	simm.s32 @!p2 $0x0  }
0x1d: {  	s5 =	simm.s32 @p1 $0x1;
	p0 =	seq.s32 s7, s2  }
0x1e: {  	s7 =	smul.u32 @!p0 $0xF7A, s2;
	p2 =	seq.s32 @!p0 s5, $0x0  }
0x1f: {  	s9 =	smul.u32 $0xF7A, s1;
	s8 =	simm.s32 @!p0 $0x1BF5;
	p2 =	por !p2, p0  }
0x20: {  	[sflag:s8] =	ssyncset.s32 @!p0 $0xFFFFF086;
	s6 =	sadd.s32 @!p0 s3, s7;
	s7 =	simm.s32 @!p0 $0x108  }
0x21: {  	s3 =	sadd.s32 s3, s9;
	s6 =	sadd.s32 @!p0 $0x88, s6;
	s7 =	simm.s32 @p2 $0x1082  }
0x22: {  	[simem:s7], [sflag:s8] =	dma.local @!p0 [hbm:s6], $0xF7A  }
0x23: {  	s9 =	sor.u32 $0xD0000000, s2;
	s6 =	simm.s32 $0x108;
	_ =	swait.ge @!p0 [sflag:s8], $0x0  }
0x24: {  	s3 =	sadd.s32 $0x88, s3;
	s6 =	simm.s32 @!p1 $0x1082;
	[sflag:s4] =	ssyncset.s32 $0xFFFFF086  }
0x25: {  	[simem:s6], [sflag:s4] =	dma.local [hbm:s3], $0xF7A  }
0x26: {  	[smem:$0x3F9E] =	sst s1;
	(tag) =	ssettag s2;
	_ =	strace s9  }
0x27: {  	s1 =	sld [smem:$0x3FAE]  }
0x28: {  	s2 =	sld [smem:$0x3FAF]  }
0x29: {  	s4 =	sld [smem:$0x3FB1]  }
0x2a: {  	p0 =	seq.s32 s5, $0x0;
	s5 =	sld [smem:$0x3FB2]  }
0x2b: {  	s6 =	sld [smem:$0x3FB3]  }
0x2c: {  	s7 =	sld [smem:$0x3FB4]  }
0x2d: {  	s3 =	simm.s32 $0x108;
	s8 =	sld [smem:$0x3FB5]  }
0x2e: {  	s3 =	simm.s32 @!p0 $0x1082;
	s9 =	sld [smem:$0x3FB6]  }
0x2f: {  	lr =	sadd.s32 s0, s3;
	s0 =	sld [smem:$0x3FAD]  }
0x30: {  	s3 =	sld [smem:$0x3FB0]  }
0x31: {  	[smem:$0x3FB9] =	sst s10  }
0x32: {  	s10 =	sld [smem:$0x3FB7];
	_ =	sdelay $0x3  }
0x33: {  	p0 =	seq.s32 s10, $0x1;
	s10 =	sld [smem:$0x3FB9];
	_ =	sdelay $0x3  }
0x34: {  	[smem:$0x3FB9] =	sst s10  }
0x35: {  	s10 =	sld [smem:$0x3FB8];
	_ =	sdelay $0x3  }
0x36: {  	p1 =	seq.s32 s10, $0x1;
	s10 =	sld [smem:$0x3FB9];
	_ =	sdelay $0x3  }
0x37: {  	[smem:$0x3FB9] =	sst s10  }
0x38: {  	s10 =	sld [smem:$0x3FBA]  }
0x39: {  	_ = 	snop;
	(pc) =	sbr.ind lr, $3  }
0x3a: {  	_ = 	snop  }
0x3b: {  	_ = 	snop  }
0x3c: {  	p2 =	seq.s32 s10, $0x1;
	s10 =	sld [smem:$0x3FB9]  }
0x3d: {  	_ =	shalt  }
0x3e: {  	_ =	shalt  }
0x3f: {  	_ =	shalt  }
0x40: {  	_ =	shalt  }
0x41: {  	_ =	shalt  }
0x42: {  	_ =	shalt  }
0x43: {  	_ =	shalt  }
0x44: {  	_ =	shalt  }
0x45: {  	_ =	shalt  }
0x46: {  	_ =	shalt  }
0x47: {  	_ =	shalt  }
0x48: {  	_ =	shalt  }
0x49: {  	_ =	shalt  }
0x4a: {  	_ =	shalt  }
0x4b: {  	_ =	shalt  }
0x4c: {  	_ =	shalt  }
0x4d: {  	_ =	shalt  }
0x4e: {  	_ =	shalt  }
0x4f: {  	_ =	shalt  }
0x50: {  	_ =	shalt  }
0x51: {  	_ =	shalt  }
0x52: {  	_ =	shalt  }
0x53: {  	_ =	shalt  }
0x54: {  	_ =	shalt  }
0x55: {  	_ =	shalt  }
0x56: {  	_ =	shalt  }
0x57: {  	_ =	shalt  }
0x58: {  	_ =	shalt  }
0x59: {  	_ =	shalt  }
0x5a: {  	_ =	shalt  }
0x5b: {  	_ =	shalt  }
0x5c: {  	_ =	shalt  }
0x5d: {  	_ =	shalt  }
0x5e: {  	_ =	shalt  }
0x5f: {  	_ =	shalt  }
0x60: {  	_ =	shalt  }
0x61: {  	_ =	shalt  }
0x62: {  	_ =	shalt  }
0x63: {  	_ =	shalt  }
0x64: {  	_ =	shalt  }
0x65: {  	_ =	shalt  }
0x66: {  	_ =	shalt  }
0x67: {  	_ =	shalt  }
0x68: {  	_ =	shalt  }
0x69: {  	_ =	shalt  }
0x6a: {  	_ =	shalt  }
0x6b: {  	_ =	shalt  }
0x6c: {  	_ =	shalt  }
0x6d: {  	_ =	shalt  }
0x6e: {  	_ =	shalt  }
0x6f: {  	_ =	shalt  }
0x70: {  	_ =	shalt  }
0x71: {  	_ =	shalt  }
0x72: {  	_ =	shalt  }
0x73: {  	_ =	shalt  }
0x74: {  	_ =	shalt  }
0x75: {  	_ =	shalt  }
0x76: {  	_ =	shalt  }
0x77: {  	_ =	shalt  }
0x78: {  	_ =	shalt  }
0x79: {  	_ =	shalt  }
0x7a: {  	_ =	shalt  }
0x7b: {  	_ =	shalt  }
0x7c: {  	_ =	shalt  }
0x7d: {  	_ =	shalt  }
0x7e: {  	_ =	shalt  }
0x7f: {  	_ =	shalt  }
0x80: {  	_ =	shalt  }
0x81: {  	_ =	shalt  }
0x82: {  	_ =	shalt  }
0x83: {  	_ =	shalt  }
0x84: {  	_ =	shalt  }
0x85: {  	_ =	shalt  }
0x86: {  	_ =	shalt  }
0x87: {  	_ =	shalt  }
.Lfunc_end0:
.L_simem_size_0:
called_computation.3_lowered:
.L_overlay_start_0:
0x88: {  	s2 =	sld [smem:$0x3FD9]  }
0x89: {  	s3 =	sld [smem:$0x3FFE];
	_ =	sdelay $0x1  }
0x8a: {  	s1 =	srdreg.scid  }
0x8b: {  	s0 =	sand.u32 $0x1, s1  }
0x8c: {  	s17 =	sshll.u32 s0, $0xA;
	s2 =	sadd.s32 s3, s2  }
0x8d: {  	s2 =	sadd.s32 s2, s17  }
0x8e: {  	[smem:$0x3FC5] =	sst s2  }
0x8f: {  	_ = 	snop  }
0x90: {  	s2 =	sld [smem:$0x3FC8]  }
0x91: {  	s18 =	sld [smem:$0x3FD0];
	(tm) =	ssettm $0x1  }
0x92: {  	s4 =	sld [smem:$0x3FFB];
	_ =	sdelay $0x3  }
0x93: {  	_ =	strace s4  }
0x94: {  	s4 =	sld [smem:$0x3FFC];
	_ =	sdelay $0x3  }
0x95: {  	_ =	strace s4  }
0x96: {  	s4 =	sld [smem:$0x3FFD];
	_ =	sdelay $0x3  }
0x97: {  	_ =	strace s4  }
0x98: {  	_ =	strace $0x8FFFFFFF  }
0x99: {  	s19 =	sld [smem:$0x3FDB];
	_ =	sdelay $0x1  }
0x9a: {  	s5 =	simm.s32 $_scs_section_size  }
0x9b: {  	s6 =	simm.s32 $_size__tile_overlayer_lowered;
	s7 =	simm.s32 $_tile_overlayer_lowered  }
0x9c: {  	s22 =	simm.s32 $0x1BFF;
	s21 =	sshll.u32 s7, $0x1;
	s4 =	sadd.s32 s5, s19  }
0x9d: {  	s8 =	simm.s32 $0x0;
	s20 =	sshll.u32 s6, $0x1;
	s6 =	sadd.s32 s21, s4  }
0x9e: {  	[timem:s8], [sflag:s22] =	dma.local [hbm:s6], s20  }
0x9f: {  	_ =	swait.ge [sflag:s22], s20  }
0xa0: {  	s5 =	ssub.s32 $0x0, s20;
	[sflag:s22] =	ssyncset.done $0x0  }
0xa1: {  	[sflag:s22] =	ssyncadd.s32 s5;
	_ =	sdelay $0x1  }
0xa2: {  	s23 =	simm.s32 $0x1B8B  }
0xa3: {  	_ =	swait.ge [sflag:s23], $0x1  }
0xa4: {  	[sflag:s23] =	ssyncset.done $0x0  }
0xa5: {  	s25 =	simm.s32 $0x1B8E;
	s24 =	sld [smem:$0x3FFE];
	[sflag:s23] =	ssyncadd.s32 $0xFFFFFFFF  }
0xa6: {  	s26 =	simm.s32 $execute0_lowered;
	[smem:$0x3FD2] =	sst s25  }
0xa7: {  	s6 =	sshll.u32 s26, $0x1;
	_ =	strace $0x8000004F;
	[dreg:$0x1] =	wrdreg $0xFFFFFFFF  }
0xa8: {  	s28 =	simm.s32 $_size_execute0_lowered;
	s4 =	sadd.s32 s4, s6;
	[dreg:$0x0] =	wrdreg $0x0  }
0xa9: {  	s6 =	sshll.u32 s28, $0x1;
	[dreg:$0x2] =	wrdreg s4  }
0xaa: {  	[dreg:$0x3] =	wrdreg s6  }
0xab: {  	[dreg:$0x4] =	wrdreg $0xC0  }
0xac: {  	_ =	task [dreg:s8], $0x5FFFF  }
0xad: {  	[dreg:$0x1] =	wrdreg $0xFFFFFFFF  }
0xae: {  	[dreg:$0x0] =	wrdreg $0x60  }
0xaf: {  	[dreg:$0x2] =	wrdreg s2  }
0xb0: {  	[dreg:$0x3] =	wrdreg s24  }
0xb1: {  	[dreg:$0x4] =	wrdreg s18  }
0xb2: {  	[dreg:$0x5] =	wrdreg $0x9  }
0xb3: {  	_ =	task.clear_ibuf [dreg:s8], $0x6FFFF;
	_ =	strace $0x9000004F  }
0xb4: {  	s29 =	simm.s32 $0x9;
	_ =	strace $0x80000051  }
0xb5: {  	_ =	swait.ge [sflag:s29], $0x1  }
0xb6: {  	[sflag:s29] =	ssyncadd.s32 $0xFFFFFFFF  }
0xb7: {  	_ =	strace $0x90000051  }
0xb8: {  	_ =	sfence  }
0xb9: {  	s30 =	sld [smem:$0x0];
	_ =	sdelay $0x2  }
0xba: {  	s31 =	sshll.u32 s1, $0xD;
	s1 =	sshrl.u32 s1, $0x2  }
0xbb: {  	s3 =	sand.u32 $0x4000, s31;
	s1 =	sadd.s32 s1, s30  }
0xbc: {  	s0 =	sor.u32 s3, s0;
	s1 =	sshll.u32 s1, $0x11  }
0xbd: {  	s0 =	sor.u32 s1, s0  }
0xbe: {  	s0 =	sadd.s32 $0x8F2B, s0  }
0xbf: {  	[sflag:s0] =	ssyncadd.remote.s32 $0x1  }
0xc0: {  	_ =	sfence.sel $0xFFFF  }
0xc1: {  	[dreg:$0x0] =	wrdreg $0xFFFFFFFF;
	(pc) =	sbr.abs _section_cstart, $3  }
0xc2: {  	[dreg:$0x1] =	wrdreg $0xFFFFFFFF  }
0xc3: {  	_ =	task.clear_ibuf [dreg:s8], $0x2FFFF;
	_ =	strace $0x9FFFFFFF  }
0xc4: {  	(tm) =	ssettm $0x7FFFFFFF  }
0xc5: {  	_ =	shalt  }
tec
execute0_lowered:
.L_overlay_start_1:
0x0: {  	(tag) =	ssettag $0x1  }
0x1: {  	s1 =	rddreg [dreg:$0x0]  }
0x2: {  	s0 =	rddreg [dreg:$0x1]  }
0x3: {  	s2 =	rddreg [dreg:$0x2]  }
0x4: {  	s4 =	srdreg.scid;
	s5 =	stileid.u32  }
0x5: {  	s3 =	simm.s32 $0x0;
	s9 =	simm.s32 $0x2;
	s19 =	simm.s32 $0x13880  }
0x6: {  	s20 =	simm.s32 $0x1;
	s21 =	simm.s32 $0x14080;
	s22 =	simm.s32 $0x0  }
0x7: {  	s4 =	sand.u32 $0x1, s4;
	s5 =	sshll.u32 s5, $0x1;
	[smem:$0x7FF] =	sst s3  }
0x8: {  	s7 =	sor.u32 s4, s5;
	_ =	strace $0x80000050;
	s4 =	ssub.s32 $0x2, s4  }
0x9: {  	s5 =	sshll.u32 s7, $0x4;
	s6 =	sshll.u32 s7, $0xB;
	s8 =	sshrl.u32 s4, $0x1  }
0xa: {  	v2 =	vlaneseq.u32;
	s31 =	sshll.u32 s7, $0x9;
	s5 =	sadd.s32 s5, s0;
	s0 =	sadd.s32 s6, s0  }
0xb: {  	vm0 =	vmmov $0xffff;
	v1 =	vshrl.u32 v2, $0x3;
	s8 =	ssub.s32 s4, s8;
	s6 =	sadd.s32 $0x100, s1;
	s7 =	sadd.s32 s2, s31  }
0xc: {  	v0 =	vand.u32 $0x7, v2;
	v2 =	vor.u32 $0x8, v2;
	v1 =	vmul.u32 $0x8, v1;
	s4 =	sadd.s32 $0x12000, s5;
	s5 =	sadd.s32 $0x2000, s0;
	s8 =	smax.u32 s8, $0x1  }
.LBB2_1:
0xd: {  	[tilespmem:s3], [sflag:$0x2] =	stream.linear.gather [hbm4b:s4+s3], $0x80, $0x38;
	[tilespmem:$0x15080] =	vst v63  }
0xe: {  	_ =	swait.ge [sflag:s9], $0x80  }
0xf: {  	[sflag:s9] =	ssyncset.done $0x0  }
0x10: {  	s0 =	simm.s32 $0x80;
	[sflag:s9] =	ssyncadd.s32 $0xFFFFFF80  }
0x11: {  	[tilespmem:s0], [sflag:$0x2] =	stream.linear.gather [hbm4b:s5+s3], $0x4000, $0x38;
	[tilespmem:$0x15080] =	vst v63  }
0x12: {  	_ =	swait.ge [sflag:s9], $0x4000  }
0x13: {  	[sflag:s9] =	ssyncset.done $0x0  }
0x14: {  	[sflag:s9] =	ssyncadd.s32 $0xFFFFC000  }
0x15: {  	v3 =	vld [tilespmem:$0x0];
	_ =	sdelay $0x4  }
0x16: {  	v4 =	vshll.u32 v3, $0x2  }
0x17: {  	v3 =	vand.u32 $0x7, v3;
	v4 =	vand.u32 $0xFFFFFFE0, v4  }
0x18: {  	v3 =	vor.u32 v3, v4  }
0x19: {  	v4 =	vperm.xlane v3, v0;
	_ =	sdelay $0x1  }
0x1a: {  	v4 =	vadd.s32 v1, v4;
	_ =	sdelay $0x1  }
0x1b: {  	v3 =	vperm.xlane v3, v2;
	_ =	sdelay $0x1  }
0x1c: {  	s14 =	simm.s32 $0x4080;
	v3 =	vadd.s32 v1, v3  }
0x1d: {  	[tilespmem:s14], [sflag:$0x1] =	stream.indirect_vreg.gather [hbm4b:s1+s3], $0x80, v4, vm0, $0xb8;
	[tilespmem:$0x15080] =	vst v63  }
0x1e: {  	s15 =	simm.s32 $0x4880  }
0x1f: {  	[tilespmem:s15], [sflag:$0x1] =	stream.indirect_vreg.gather [hbm4b:s6+s3], $0x80, v4, vm0, $0xb8;
	[tilespmem:$0x15080] =	vst v63  }
0x20: {  	s16 =	simm.s32 $0x5080  }
0x21: {  	[tilespmem:s16], [sflag:$0x1] =	stream.indirect_vreg.gather [hbm4b:s1+s3], $0x80, v3, vm0, $0xb8;
	[tilespmem:$0x15080] =	vst v63  }
0x22: {  	s17 =	simm.s32 $0x5880  }
0x23: {  	[tilespmem:s17], [sflag:$0x1] =	stream.indirect_vreg.gather [hbm4b:s6+s3], $0x80, v3, vm0, $0xb8;
	[tilespmem:$0x15080] =	vst v63  }
0x24: {  	v3 =	vld [tilespmem:$0x10];
	_ =	sdelay $0x4  }
0x25: {  	v57 =	vshll.u32 v3, $0x2  }
0x26: {  	v3 =	vand.u32 $0x7, v3;
	v4 =	vand.u32 $0xFFFFFFE0, v57  }
0x27: {  	v3 =	vor.u32 v3, v4  }
0x28: {  	v4 =	vperm.xlane v3, v0;
	_ =	sdelay $0x1  }
0x29: {  	v4 =	vadd.s32 v1, v4;
	_ =	sdelay $0x1  }
0x2a: {  	v3 =	vperm.xlane v3, v2;
	_ =	sdelay $0x1  }
0x2b: {  	s18 =	simm.s32 $0x6080;
	v3 =	vadd.s32 v1, v3  }
0x2c: {  	[tilespmem:s18], [sflag:$0x1] =	stream.indirect_vreg.gather [hbm4b:s1+s3], $0x80, v4, vm0, $0xb8;
	[tilespmem:$0x15080] =	vst v63  }
0x2d: {  	s23 =	simm.s32 $0x6880  }
0x2e: {  	[tilespmem:s23], [sflag:$0x1] =	stream.indirect_vreg.gather [hbm4b:s6+s3], $0x80, v4, vm0, $0xb8;
	[tilespmem:$0x15080] =	vst v63  }
0x2f: {  	s24 =	simm.s32 $0x7080  }
0x30: {  	[tilespmem:s24], [sflag:$0x1] =	stream.indirect_vreg.gather [hbm4b:s1+s3], $0x80, v3, vm0, $0xb8;
	[tilespmem:$0x15080] =	vst v63  }
0x31: {  	s25 =	simm.s32 $0x7880  }
0x32: {  	[tilespmem:s25], [sflag:$0x1] =	stream.indirect_vreg.gather [hbm4b:s6+s3], $0x80, v3, vm0, $0xb8;
	[tilespmem:$0x15080] =	vst v63  }
0x33: {  	v3 =	vld [tilespmem:$0x20];
	_ =	sdelay $0x4  }
0x34: {  	v58 =	vshll.u32 v3, $0x2  }
0x35: {  	v3 =	vand.u32 $0x7, v3;
	v4 =	vand.u32 $0xFFFFFFE0, v58  }
0x36: {  	v3 =	vor.u32 v3, v4  }
0x37: {  	v4 =	vperm.xlane v3, v0;
	_ =	sdelay $0x1  }
0x38: {  	v4 =	vadd.s32 v1, v4;
	_ =	sdelay $0x1  }
0x39: {  	v3 =	vperm.xlane v3, v2;
	_ =	sdelay $0x1  }
0x3a: {  	s26 =	simm.s32 $0x8080;
	v3 =	vadd.s32 v1, v3  }
0x3b: {  	[tilespmem:s26], [sflag:$0x1] =	stream.indirect_vreg.gather [hbm4b:s1+s3], $0x80, v4, vm0, $0xb8;
	[tilespmem:$0x15080] =	vst v63  }
0x3c: {  	s28 =	simm.s32 $0x8880  }
0x3d: {  	[tilespmem:s28], [sflag:$0x1] =	stream.indirect_vreg.gather [hbm4b:s6+s3], $0x80, v4, vm0, $0xb8;
	[tilespmem:$0x15080] =	vst v63  }
0x3e: {  	s29 =	simm.s32 $0x9080  }
0x3f: {  	[tilespmem:s29], [sflag:$0x1] =	stream.indirect_vreg.gather [hbm4b:s1+s3], $0x80, v3, vm0, $0xb8;
	[tilespmem:$0x15080] =	vst v63  }
0x40: {  	s30 =	simm.s32 $0x9880  }
0x41: {  	[tilespmem:s30], [sflag:$0x1] =	stream.indirect_vreg.gather [hbm4b:s6+s3], $0x80, v3, vm0, $0xb8;
	[tilespmem:$0x15080] =	vst v63  }
0x42: {  	v3 =	vld [tilespmem:$0x30];
	_ =	sdelay $0x4  }
0x43: {  	v59 =	vshll.u32 v3, $0x2  }
0x44: {  	v3 =	vand.u32 $0x7, v3;
	v4 =	vand.u32 $0xFFFFFFE0, v59  }
0x45: {  	v3 =	vor.u32 v3, v4  }
0x46: {  	v4 =	vperm.xlane v3, v0;
	_ =	sdelay $0x1  }
0x47: {  	v4 =	vadd.s32 v1, v4;
	_ =	sdelay $0x1  }
0x48: {  	v3 =	vperm.xlane v3, v2;
	_ =	sdelay $0x1  }
0x49: {  	s31 =	simm.s32 $0xA080;
	v3 =	vadd.s32 v1, v3  }
0x4a: {  	[tilespmem:s31], [sflag:$0x1] =	stream.indirect_vreg.gather [hbm4b:s1+s3], $0x80, v4, vm0, $0xb8;
	[tilespmem:$0x15080] =	vst v63  }
0x4b: {  	s2 =	simm.s32 $0xA880  }
0x4c: {  	[tilespmem:s2], [sflag:$0x1] =	stream.indirect_vreg.gather [hbm4b:s6+s3], $0x80, v4, vm0, $0xb8;
	[tilespmem:$0x15080] =	vst v63  }
0x4d: {  	s10 =	simm.s32 $0xB080  }
0x4e: {  	[tilespmem:s10], [sflag:$0x1] =	stream.indirect_vreg.gather [hbm4b:s1+s3], $0x80, v3, vm0, $0xb8;
	[tilespmem:$0x15080] =	vst v63  }
0x4f: {  	s11 =	simm.s32 $0xB880  }
0x50: {  	[tilespmem:s11], [sflag:$0x1] =	stream.indirect_vreg.gather [hbm4b:s6+s3], $0x80, v3, vm0, $0xb8;
	[tilespmem:$0x15080] =	vst v63  }
0x51: {  	v3 =	vld [tilespmem:$0x40];
	_ =	sdelay $0x4  }
0x52: {  	v60 =	vshll.u32 v3, $0x2  }
0x53: {  	v3 =	vand.u32 $0x7, v3;
	v4 =	vand.u32 $0xFFFFFFE0, v60  }
0x54: {  	v3 =	vor.u32 v3, v4  }
0x55: {  	v4 =	vperm.xlane v3, v0;
	_ =	sdelay $0x1  }
0x56: {  	v4 =	vadd.s32 v1, v4;
	_ =	sdelay $0x1  }
0x57: {  	v3 =	vperm.xlane v3, v2;
	_ =	sdelay $0x1  }
0x58: {  	s12 =	simm.s32 $0xC080;
	v3 =	vadd.s32 v1, v3  }
0x59: {  	[tilespmem:s12], [sflag:$0x1] =	stream.indirect_vreg.gather [hbm4b:s1+s3], $0x80, v4, vm0, $0xb8;
	[tilespmem:$0x15080] =	vst v63  }
0x5a: {  	s13 =	simm.s32 $0xC880  }
0x5b: {  	[tilespmem:s13], [sflag:$0x1] =	stream.indirect_vreg.gather [hbm4b:s6+s3], $0x80, v4, vm0, $0xb8;
	[tilespmem:$0x15080] =	vst v63  }
0x5c: {  	s14 =	simm.s32 $0xD080  }
0x5d: {  	[tilespmem:s14], [sflag:$0x1] =	stream.indirect_vreg.gather [hbm4b:s1+s3], $0x80, v3, vm0, $0xb8;
	[tilespmem:$0x15080] =	vst v63  }
0x5e: {  	s15 =	simm.s32 $0xD880  }
0x5f: {  	[tilespmem:s15], [sflag:$0x1] =	stream.indirect_vreg.gather [hbm4b:s6+s3], $0x80, v3, vm0, $0xb8;
	[tilespmem:$0x15080] =	vst v63  }
0x60: {  	v3 =	vld [tilespmem:$0x50];
	_ =	sdelay $0x4  }
0x61: {  	v61 =	vshll.u32 v3, $0x2  }
0x62: {  	v3 =	vand.u32 $0x7, v3;
	v4 =	vand.u32 $0xFFFFFFE0, v61  }
0x63: {  	v3 =	vor.u32 v3, v4  }
0x64: {  	v4 =	vperm.xlane v3, v0;
	_ =	sdelay $0x1  }
0x65: {  	v4 =	vadd.s32 v1, v4;
	_ =	sdelay $0x1  }
0x66: {  	v3 =	vperm.xlane v3, v2;
	_ =	sdelay $0x1  }
0x67: {  	s16 =	simm.s32 $0xE080;
	v3 =	vadd.s32 v1, v3  }
0x68: {  	[tilespmem:s16], [sflag:$0x1] =	stream.indirect_vreg.gather [hbm4b:s1+s3], $0x80, v4, vm0, $0xb8;
	[tilespmem:$0x15080] =	vst v63  }
0x69: {  	s17 =	simm.s32 $0xE880  }
0x6a: {  	[tilespmem:s17], [sflag:$0x1] =	stream.indirect_vreg.gather [hbm4b:s6+s3], $0x80, v4, vm0, $0xb8;
	[tilespmem:$0x15080] =	vst v63  }
0x6b: {  	s18 =	simm.s32 $0xF080  }
0x6c: {  	[tilespmem:s18], [sflag:$0x1] =	stream.indirect_vreg.gather [hbm4b:s1+s3], $0x80, v3, vm0, $0xb8;
	[tilespmem:$0x15080] =	vst v63  }
0x6d: {  	s23 =	simm.s32 $0xF880  }
0x6e: {  	[tilespmem:s23], [sflag:$0x1] =	stream.indirect_vreg.gather [hbm4b:s6+s3], $0x80, v3, vm0, $0xb8;
	[tilespmem:$0x15080] =	vst v63  }
0x6f: {  	v3 =	vld [tilespmem:$0x60];
	_ =	sdelay $0x4  }
0x70: {  	v62 =	vshll.u32 v3, $0x2  }
0x71: {  	v3 =	vand.u32 $0x7, v3;
	v4 =	vand.u32 $0xFFFFFFE0, v62  }
0x72: {  	v3 =	vor.u32 v3, v4  }
0x73: {  	v4 =	vperm.xlane v3, v0;
	_ =	sdelay $0x1  }
0x74: {  	v4 =	vadd.s32 v1, v4;
	_ =	sdelay $0x1  }
0x75: {  	v3 =	vperm.xlane v3, v2;
	_ =	sdelay $0x1  }
0x76: {  	s24 =	simm.s32 $0x10080;
	v3 =	vadd.s32 v1, v3  }
0x77: {  	[tilespmem:s24], [sflag:$0x1] =	stream.indirect_vreg.gather [hbm4b:s1+s3], $0x80, v4, vm0, $0xb8;
	[tilespmem:$0x15080] =	vst v63  }
0x78: {  	s25 =	simm.s32 $0x10880  }
0x79: {  	[tilespmem:s25], [sflag:$0x1] =	stream.indirect_vreg.gather [hbm4b:s6+s3], $0x80, v4, vm0, $0xb8;
	[tilespmem:$0x15080] =	vst v63  }
0x7a: {  	s26 =	simm.s32 $0x11080  }
0x7b: {  	[tilespmem:s26], [sflag:$0x1] =	stream.indirect_vreg.gather [hbm4b:s1+s3], $0x80, v3, vm0, $0xb8;
	[tilespmem:$0x15080] =	vst v63  }
0x7c: {  	s28 =	simm.s32 $0x11880  }
0x7d: {  	[tilespmem:s28], [sflag:$0x1] =	stream.indirect_vreg.gather [hbm4b:s6+s3], $0x80, v3, vm0, $0xb8;
	[tilespmem:$0x15080] =	vst v63  }
0x7e: {  	v3 =	vld [tilespmem:$0x70];
	_ =	sdelay $0x4  }
0x7f: {  	v63 =	vshll.u32 v3, $0x2  }
0x80: {  	v3 =	vand.u32 $0x7, v3;
	v4 =	vand.u32 $0xFFFFFFE0, v63  }
0x81: {  	v3 =	vor.u32 v3, v4  }
0x82: {  	v4 =	vperm.xlane v3, v0;
	_ =	sdelay $0x1  }
0x83: {  	v4 =	vadd.s32 v1, v4;
	_ =	sdelay $0x1  }
0x84: {  	v3 =	vperm.xlane v3, v2;
	_ =	sdelay $0x1  }
0x85: {  	s29 =	simm.s32 $0x12080;
	v3 =	vadd.s32 v1, v3  }
0x86: {  	[tilespmem:s29], [sflag:$0x1] =	stream.indirect_vreg.gather [hbm4b:s1+s3], $0x80, v4, vm0, $0xb8;
	[tilespmem:$0x15080] =	vst v63  }
0x87: {  	s30 =	simm.s32 $0x12880  }
0x88: {  	[tilespmem:s30], [sflag:$0x1] =	stream.indirect_vreg.gather [hbm4b:s6+s3], $0x80, v4, vm0, $0xb8;
	[tilespmem:$0x15080] =	vst v63  }
0x89: {  	s31 =	simm.s32 $0x13080  }
0x8a: {  	[tilespmem:s31], [sflag:$0x1] =	stream.indirect_vreg.gather [hbm4b:s1+s3], $0x80, v3, vm0, $0xb8;
	[tilespmem:$0x15080] =	vst v63  }
0x8b: {  	_ = 	snop  }
0x8c: {  	[tilespmem:s19], [sflag:$0x1] =	stream.indirect_vreg.gather [hbm4b:s6+s3], $0x80, v3, vm0, $0xb8;
	[tilespmem:$0x15080] =	vst v63  }
0x8d: {  	_ =	swait.ge [sflag:s20], $0x10000  }
0x8e: {  	[sflag:s20] =	ssyncset.done $0x0  }
0x8f: {  	s23 =	simm.s32 $0x0;
	[sflag:s20] =	ssyncadd.s32 $0xFFFF0000  }
.LBB2_2:
0x90: {  	s0 =	sshll.u32 s23, $0xD  }
0x91: {  	s2 =	sand.u32 $0x3FFFE000, s0  }
0x92: {  	s24 =	sshra.s32 s0, $0x2;
	s2 =	sadd.s32 $0x4080, s2  }
0x93: {  	s10 =	sor.u32 $0x80, s24;
	[dreg:$0x5] =	wrdreg s2  }
0x94: {  	s11 =	simm.s32 $0x0;
	[dreg:$0x4] =	wrdreg s10  }
0x95: {  	s12 =	sand.u32 $0xC00, s11;
	s2 =	rddreg [dreg:$0x5]  }
0x96: {  	s13 =	sand.u32 $0x70, s11;
	v5 =	vld [tilespmem:s24+$0x100];
	s10 =	rddreg [dreg:$0x4];
	s2 =	sadd.s32 s12, s2  }
0x97: {  	v4 =	vld [tilespmem:s10+$0x0];
	s2 =	sadd.s32 s13, s2  }
0x98: {  	v3 =	vld [tilespmem:s2+$0x0]  }
0x99: {  	v6 =	vld [tilespmem:s2+$0x80]  }
0x9a: {  	v7 =	vld [tilespmem:s24+$0x180]  }
0x9b: {  	v8 =	vld [tilespmem:s2+$0x100]  }
0x9c: {  	s29 =	sor.u32 $0x1600, s0;
	v9 =	vld [tilespmem:s24+$0x200]  }
0x9d: {  	s14 =	sor.u32 $0x1200, s0;
	s25 =	sand.u32 $0xF000, s29;
	s10 =	sor.u32 $0x1000, s0;
	v10 =	vld [tilespmem:s2+$0x180]  }
0x9e: {  	s15 =	sor.u32 $0x1400, s0;
	s26 =	sadd.s32 $0x4080, s25;
	s16 =	sand.u32 $0x3FFFF000, s10;
	v44 =	vld [tilespmem:s2+$0x200];
	v3 =	vmul.f32 v3, v4;
	v4 =	vmul.f32 v6, v5  }
0x9f: {  	s17 =	sand.u32 $0xF000, s14;
	[dreg:$0x9] =	wrdreg s26;
	s11 =	sadd.s32 $0x4080, s16;
	v5 =	vld [tilespmem:s24+$0x280]  }
0xa0: {  	v45 =	vld [tilespmem:s24+$0x300];
	s16 =	sand.u32 $0xF000, s15;
	[dreg:$0x6] =	wrdreg s11;
	s11 =	sadd.s32 $0x4080, s17;
	v3 =	vadd.f32 v4, v3;
	v4 =	vmul.f32 v8, v7  }
0xa1: {  	v46 =	vld [tilespmem:s2+$0x280];
	s18 =	sadd.s32 $0x4080, s16;
	[dreg:$0x7] =	wrdreg s11  }
0xa2: {  	v47 =	vld [tilespmem:s24+$0x380];
	s16 =	sor.u32 $0x1800, s0;
	[dreg:$0x8] =	wrdreg s18;
	v3 =	vadd.f32 v4, v3;
	v4 =	vmul.f32 v10, v9  }
0xa3: {  	s25 =	sshra.s32 s10, $0x2;
	v48 =	vld [tilespmem:s2+$0x300];
	s17 =	sand.u32 $0xF000, s16;
	s26 =	rddreg [dreg:$0x6]  }
0xa4: {  	v49 =	vld [tilespmem:s2+$0x380];
	s11 =	sadd.s32 $0x4080, s17;
	s28 =	rddreg [dreg:$0x7];
	s18 =	sadd.s32 s12, s26;
	v3 =	vadd.f32 v4, v3;
	v4 =	vmul.f32 v44, v5  }
0xa5: {  	[dreg:$0xa] =	wrdreg s11;
	s11 =	sor.u32 $0x1A00, s0;
	s2 =	sadd.s32 s13, s18;
	v5 =	vld [tilespmem:s24+$0x400]  }
0xa6: {  	v50 =	vld [tilespmem:s25+$0x80];
	s17 =	sadd.s32 s12, s28;
	s28 =	sshra.s32 s15, $0x2;
	s30 =	sand.u32 $0xF000, s11;
	v3 =	vadd.f32 v4, v3;
	v4 =	vmul.f32 v46, v45  }
0xa7: {  	v51 =	vld [tilespmem:s2+$0x0];
	s2 =	sadd.s32 s13, s17;
	s26 =	sadd.s32 $0x4080, s30;
	s30 =	rddreg [dreg:$0x8]  }
0xa8: {  	v53 =	vld [tilespmem:s2+$0x80];
	[dreg:$0xb] =	wrdreg s26;
	s26 =	sshra.s32 s14, $0x2;
	s15 =	sadd.s32 s12, s30;
	v3 =	vadd.f32 v4, v3;
	v4 =	vmul.f32 v48, v47  }
0xa9: {  	s10 =	sor.u32 $0x1C00, s0;
	v52 =	vld [tilespmem:s26+$0x80];
	s2 =	sadd.s32 s13, s15  }
0xaa: {  	s29 =	sshra.s32 s29, $0x2;
	s31 =	sand.u32 $0xF000, s10;
	s18 =	rddreg [dreg:$0x9];
	v54 =	vld [tilespmem:s2+$0x100];
	v3 =	vadd.f32 v4, v3;
	v4 =	vmul.f32 v49, v5  }
0xab: {  	s17 =	sadd.s32 $0x4080, s31;
	s31 =	rddreg [dreg:$0xa];
	s18 =	sadd.s32 s12, s18;
	v5 =	vld [tilespmem:s28+$0x80]  }
0xac: {  	v55 =	vld [tilespmem:s29+$0x80];
	[dreg:$0xc] =	wrdreg s17;
	s15 =	sadd.s32 s13, s18;
	v3 =	vadd.f32 v4, v3;
	v4 =	vmul.f32 v51, v50  }
0xad: {  	s30 =	sshra.s32 s16, $0x2;
	s16 =	sadd.s32 s12, s31;
	s17 =	rddreg [dreg:$0xb];
	v56 =	vld [tilespmem:s15+$0x180]  }
0xae: {  	s14 =	sor.u32 $0x1E00, s0;
	v57 =	vld [tilespmem:s30+$0x80];
	s0 =	sadd.s32 s13, s16;
	s17 =	sadd.s32 s12, s17;
	v3 =	vadd.f32 v4, v3;
	v4 =	vmul.f32 v53, v52  }
0xaf: {  	s18 =	sand.u32 $0xF000, s14;
	v58 =	vld [tilespmem:s0+$0x200];
	s0 =	sadd.s32 s13, s17  }
0xb0: {  	s31 =	sshra.s32 s11, $0x2;
	s16 =	rddreg [dreg:$0xc];
	s15 =	sadd.s32 $0x4080, s18;
	v59 =	vld [tilespmem:s0+$0x280];
	v3 =	vadd.f32 v4, v3;
	v4 =	vmul.f32 v54, v5  }
0xb1: {  	[dreg:$0xd] =	wrdreg s15;
	s0 =	sshra.s32 s10, $0x2;
	s10 =	sadd.s32 s12, s16;
	v5 =	vld [tilespmem:s31+$0x80]  }
0xb2: {  	s18 =	rddreg [dreg:$0xd];
	v60 =	vld [tilespmem:s0+$0x80];
	s2 =	sadd.s32 s13, s10;
	v3 =	vadd.f32 v4, v3;
	v4 =	vmul.f32 v56, v55  }
0xb3: {  	s15 =	sadd.s32 s12, s18;
	v61 =	vld [tilespmem:s2+$0x300];
	s2 =	sshra.s32 s14, $0x2  }
0xb4: {  	s10 =	sadd.s32 s13, s15;
	v62 =	vld [tilespmem:s2+$0x80];
	v3 =	vadd.f32 v4, v3;
	v4 =	vmul.f32 v58, v57  }
0xb5: {  	v63 =	vld [tilespmem:s10+$0x380]  }
0xb6: {  	s16 =	sshll.u32 s23, $0x7;
	v3 =	vadd.f32 v4, v3;
	v4 =	vmul.f32 v59, v5  }
0xb7: {  	s11 =	sand.u32 $0x3FFFFF80, s16  }
0xb8: {  	s17 =	sadd.s32 $0x14080, s11;
	s15 =	rddreg [dreg:$0x4];
	v3 =	vadd.f32 v4, v3;
	v4 =	vmul.f32 v61, v60  }
0xb9: {  	s18 =	simm.s32 $0x10;
	[dreg:$0xe] =	wrdreg s17  }
0xba: {  	s14 =	sand.u32 $0x70, s18;
	s11 =	simm.s32 $0x80;
	s16 =	rddreg [dreg:$0xe];
	v3 =	vadd.f32 v4, v3;
	v4 =	vmul.f32 v63, v62  }
0xbb: {  	s17 =	rddreg [dreg:$0x5];
	s10 =	sand.u32 $0xC00, s11;
	s18 =	sadd.s32 s12, s16  }
0xbc: {  	s16 =	sadd.s32 s10, s17;
	s12 =	simm.s32 $0x20;
	s13 =	sadd.s32 s13, s18;
	v3 =	vadd.f32 v4, v3  }
.LBB2_3:
0xbd: {  	_ = 	snop  }
0xbe: {  	s16 =	sadd.s32 s14, s16;
	[tilespmem:s13+$0x0] =	vst v3  }
0xbf: {  	v3 =	vld [tilespmem:s16+$0x0]  }
0xc0: {  	v4 =	vld [tilespmem:s15+$0x0]  }
0xc1: {  	v5 =	vld [tilespmem:s24+$0x100]  }
0xc2: {  	v6 =	vld [tilespmem:s16+$0x80]  }
0xc3: {  	v7 =	vld [tilespmem:s24+$0x180]  }
0xc4: {  	v8 =	vld [tilespmem:s16+$0x100]  }
0xc5: {  	v9 =	vld [tilespmem:s24+$0x200]  }
0xc6: {  	v10 =	vld [tilespmem:s16+$0x180]  }
0xc7: {  	v44 =	vld [tilespmem:s16+$0x200];
	v3 =	vmul.f32 v3, v4;
	v4 =	vmul.f32 v6, v5  }
0xc8: {  	v5 =	vld [tilespmem:s24+$0x280]  }
0xc9: {  	v45 =	vld [tilespmem:s24+$0x300];
	v3 =	vadd.f32 v4, v3;
	v4 =	vmul.f32 v8, v7  }
0xca: {  	v46 =	vld [tilespmem:s16+$0x280]  }
0xcb: {  	v47 =	vld [tilespmem:s24+$0x380];
	v3 =	vadd.f32 v4, v3;
	v4 =	vmul.f32 v10, v9  }
0xcc: {  	v48 =	vld [tilespmem:s16+$0x300]  }
0xcd: {  	s17 =	rddreg [dreg:$0x6];
	v49 =	vld [tilespmem:s16+$0x380];
	v3 =	vadd.f32 v4, v3;
	v4 =	vmul.f32 v44, v5  }
0xce: {  	s13 =	smov.u32 s14;
	s14 =	sadd.s32 s10, s17;
	v5 =	vld [tilespmem:s24+$0x400]  }
0xcf: {  	s18 =	rddreg [dreg:$0x7];
	v50 =	vld [tilespmem:s25+$0x80];
	s14 =	sadd.s32 s13, s14;
	v3 =	vadd.f32 v4, v3;
	v4 =	vmul.f32 v46, v45  }
0xd0: {  	s17 =	sadd.s32 s10, s18;
	s16 =	rddreg [dreg:$0x8];
	v51 =	vld [tilespmem:s14+$0x0]  }
0xd1: {  	v52 =	vld [tilespmem:s26+$0x80];
	s14 =	sadd.s32 s13, s17;
	s16 =	sadd.s32 s10, s16;
	v3 =	vadd.f32 v4, v3;
	v4 =	vmul.f32 v48, v47  }
0xd2: {  	v53 =	vld [tilespmem:s14+$0x80];
	s14 =	sadd.s32 s13, s16  }
0xd3: {  	s18 =	rddreg [dreg:$0x9];
	v54 =	vld [tilespmem:s14+$0x100];
	v3 =	vadd.f32 v4, v3;
	v4 =	vmul.f32 v49, v5  }
0xd4: {  	s17 =	sadd.s32 s10, s18;
	v5 =	vld [tilespmem:s28+$0x80]  }
0xd5: {  	v55 =	vld [tilespmem:s29+$0x80];
	s16 =	rddreg [dreg:$0xa];
	s14 =	sadd.s32 s13, s17;
	v3 =	vadd.f32 v4, v3;
	v4 =	vmul.f32 v51, v50  }
0xd6: {  	s18 =	rddreg [dreg:$0xb];
	s16 =	sadd.s32 s10, s16;
	v56 =	vld [tilespmem:s14+$0x180]  }
0xd7: {  	v57 =	vld [tilespmem:s30+$0x80];
	s17 =	sadd.s32 s10, s18;
	s14 =	sadd.s32 s13, s16;
	v3 =	vadd.f32 v4, v3;
	v4 =	vmul.f32 v53, v52  }
0xd8: {  	v58 =	vld [tilespmem:s14+$0x200];
	s14 =	sadd.s32 s13, s17  }
0xd9: {  	s16 =	rddreg [dreg:$0xc];
	v59 =	vld [tilespmem:s14+$0x280];
	v3 =	vadd.f32 v4, v3;
	v4 =	vmul.f32 v54, v5  }
0xda: {  	s16 =	sadd.s32 s10, s16;
	v5 =	vld [tilespmem:s31+$0x80]  }
0xdb: {  	v60 =	vld [tilespmem:s0+$0x80];
	s18 =	rddreg [dreg:$0xd];
	s14 =	sadd.s32 s13, s16;
	v3 =	vadd.f32 v4, v3;
	v4 =	vmul.f32 v56, v55  }
0xdc: {  	s17 =	sadd.s32 s10, s18;
	v61 =	vld [tilespmem:s14+$0x300]  }
0xdd: {  	v62 =	vld [tilespmem:s2+$0x80];
	s14 =	sadd.s32 s13, s17;
	v3 =	vadd.f32 v4, v3;
	v4 =	vmul.f32 v58, v57  }
0xde: {  	v63 =	vld [tilespmem:s14+$0x380]  }
0xdf: {  	v3 =	vadd.f32 v4, v3;
	v4 =	vmul.f32 v59, v5  }
0xe0: {  	p0 =	sne.s32 s12, $0x1F0  }
.Ltmp0:
0xe1: {  	v3 =	vadd.f32 v4, v3;
	v4 =	vmul.f32 v61, v60;
	(pc) =	sbr.rel @p0 .LBB2_3-.Ltmp0, $4  }
0xe2: {  	s18 =	rddreg [dreg:$0xe]  }
0xe3: {  	s11 =	sadd.s32 $0x80, s11;
	s15 =	rddreg [dreg:$0x4];
	s18 =	sadd.s32 s10, s18;
	v3 =	vadd.f32 v4, v3;
	v4 =	vmul.f32 v63, v62  }
0xe4: {  	s10 =	sand.u32 $0xC00, s11;
	s17 =	rddreg [dreg:$0x5];
	s13 =	sadd.s32 s13, s18  }
0xe5: {  	s14 =	sand.u32 $0x70, s12;
	s16 =	sadd.s32 s10, s17;
	s12 =	sadd.s32 $0x10, s12;
	v3 =	vadd.f32 v4, v3  }
0xe6: {  	_ = 	snop  }
0xe7: {  	s11 =	sadd.s32 s14, s16;
	[tilespmem:s13+$0x0] =	vst v3  }
0xe8: {  	v3 =	vld [tilespmem:s11+$0x0]  }
0xe9: {  	v4 =	vld [tilespmem:s15+$0x0]  }
0xea: {  	v5 =	vld [tilespmem:s24+$0x100]  }
0xeb: {  	v6 =	vld [tilespmem:s11+$0x80]  }
0xec: {  	v7 =	vld [tilespmem:s24+$0x180]  }
0xed: {  	v8 =	vld [tilespmem:s11+$0x100]  }
0xee: {  	v9 =	vld [tilespmem:s24+$0x200]  }
0xef: {  	v10 =	vld [tilespmem:s11+$0x180]  }
0xf0: {  	v26 =	vld [tilespmem:s24+$0x280];
	v3 =	vmul.f32 v3, v4;
	v25 =	vmul.f32 v6, v5  }
0xf1: {  	v27 =	vld [tilespmem:s11+$0x200]  }
0xf2: {  	v29 =	vld [tilespmem:s24+$0x300];
	v28 =	vmul.f32 v8, v7;
	v3 =	vadd.f32 v25, v3  }
0xf3: {  	v30 =	vld [tilespmem:s11+$0x280]  }
0xf4: {  	v32 =	vld [tilespmem:s24+$0x380];
	v31 =	vmul.f32 v10, v9;
	v3 =	vadd.f32 v28, v3  }
0xf5: {  	v33 =	vld [tilespmem:s11+$0x300]  }
0xf6: {  	s12 =	rddreg [dreg:$0x6];
	v35 =	vld [tilespmem:s24+$0x400];
	v34 =	vmul.f32 v27, v26;
	v3 =	vadd.f32 v31, v3  }
0xf7: {  	s18 =	sadd.s32 s10, s12;
	v36 =	vld [tilespmem:s11+$0x380]  }
0xf8: {  	s17 =	rddreg [dreg:$0x7];
	v38 =	vld [tilespmem:s25+$0x80];
	s11 =	sadd.s32 s14, s18;
	v37 =	vmul.f32 v30, v29;
	v3 =	vadd.f32 v34, v3  }
0xf9: {  	s25 =	sadd.s32 s10, s17;
	v39 =	vld [tilespmem:s11+$0x0]  }
0xfa: {  	s24 =	rddreg [dreg:$0x8];
	v41 =	vld [tilespmem:s26+$0x80];
	s11 =	sadd.s32 s14, s25;
	v40 =	vmul.f32 v33, v32;
	v3 =	vadd.f32 v37, v3  }
0xfb: {  	s12 =	sadd.s32 s10, s24;
	v42 =	vld [tilespmem:s11+$0x80]  }
0xfc: {  	s26 =	rddreg [dreg:$0x9];
	v44 =	vld [tilespmem:s28+$0x80];
	s11 =	sadd.s32 s14, s12;
	v43 =	vmul.f32 v36, v35;
	v3 =	vadd.f32 v40, v3  }
0xfd: {  	s16 =	sadd.s32 s10, s26;
	v45 =	vld [tilespmem:s11+$0x100]  }
0xfe: {  	s15 =	rddreg [dreg:$0xa];
	v47 =	vld [tilespmem:s29+$0x80];
	s11 =	sadd.s32 s14, s16;
	v46 =	vmul.f32 v39, v38;
	v3 =	vadd.f32 v43, v3  }
0xff: {  	s18 =	sadd.s32 s10, s15;
	v48 =	vld [tilespmem:s11+$0x180]  }
0x100: {  	s17 =	rddreg [dreg:$0xb];
	v50 =	vld [tilespmem:s30+$0x80];
	s11 =	sadd.s32 s14, s18;
	v49 =	vmul.f32 v42, v41;
	v3 =	vadd.f32 v46, v3  }
0x101: {  	s25 =	sadd.s32 s10, s17;
	v51 =	vld [tilespmem:s11+$0x200]  }
0x102: {  	v53 =	vld [tilespmem:s31+$0x80];
	s24 =	rddreg [dreg:$0xc];
	s11 =	sadd.s32 s14, s25;
	v52 =	vmul.f32 v45, v44;
	v3 =	vadd.f32 v49, v3  }
0x103: {  	s28 =	sadd.s32 s10, s24;
	v54 =	vld [tilespmem:s11+$0x280]  }
0x104: {  	v56 =	vld [tilespmem:s0+$0x80];
	s26 =	rddreg [dreg:$0xd];
	s29 =	sadd.s32 s14, s28;
	v55 =	vmul.f32 v48, v47;
	v3 =	vadd.f32 v52, v3  }
0x105: {  	s30 =	sadd.s32 s10, s26;
	v57 =	vld [tilespmem:s29+$0x300]  }
0x106: {  	v59 =	vld [tilespmem:s2+$0x80];
	s0 =	sadd.s32 s14, s30;
	v58 =	vmul.f32 v51, v50;
	v3 =	vadd.f32 v55, v3  }
0x107: {  	v60 =	vld [tilespmem:s0+$0x380]  }
0x108: {  	v61 =	vmul.f32 v54, v53;
	v3 =	vadd.f32 v58, v3;
	_ =	sdelay $0x1  }
0x109: {  	s23 =	sadd.s32 $0x1, s23;
	v62 =	vmul.f32 v57, v56;
	v3 =	vadd.f32 v61, v3  }
0x10a: {  	p0 =	sne.s32 s23, $0x8  }
.Ltmp1:
0x10b: {  	v63 =	vmul.f32 v60, v59;
	v3 =	vadd.f32 v62, v3;
	(pc) =	sbr.rel @p0 .LBB2_2-.Ltmp1, $4  }
0x10c: {  	s31 =	rddreg [dreg:$0xe]  }
0x10d: {  	s0 =	sadd.s32 s10, s31;
	v3 =	vadd.f32 v63, v3  }
0x10e: {  	s0 =	sadd.s32 s14, s0  }
0x10f: {  	[tilespmem:s0+$0x0] =	vst v3  }
0x110: {  	s22 =	sadd.s32 $0x1, s22  }
0x111: {  	p0 =	sne.s32 s22, s8  }
.Ltmp2:
0x112: {  	_ = 	snop;
	(pc) =	sbr.rel @p0 .LBB2_1-.Ltmp2, $4  }
0x113: {  	[hbm4b:s7+s3] =	stream.linear.scatter [tilespmem:s21], [sflag:$0x2], $0x1000, $0x38;
	[tilespmem:$0x15080] =	vst v63  }
0x114: {  	_ =	swait.ge [sflag:s9], $0x1000  }
0x115: {  	[sflag:s9] =	ssyncset.done $0x0  }
0x116: {  	[sflag:s9] =	ssyncadd.s32 $0xFFFFF000  }
0x117: {  	_ =	sfence.sel $0x180000  }
0x118: {  	[bflag:$0x0] =	sbarrier.arrive $0xFFFF  }
0x119: {  	_ =	strace $0x90000050  }
0x11a: {  	s0 =	stileid.u32;
	[bflag:$0x2] =	sbarrier.arrive $0xFFFF  }
0x11b: {  	p0 =	sne.s32 s0, $0x0;
	s0 =	rddreg [dreg:$0x3]  }
0x11c: {  	s0 =	sadd.s32 @!p0 $0x100000, s0  }
0x11d: {  	[sflag:s0] =	ssyncadd.tile.s32 @!p0 $0x1;
	_ =	shalt  }
.Lfunc_end2:
_tile_overlayer_lowered:
.L_overlay_start_2:
0x11e: {  	(tag) =	ssettag $0x2  }
0x11f: {  	s0 =	rddreg [dreg:$0x0];
	s2 =	stileid.u32  }
0x120: {  	s1 =	rddreg [dreg:$0x1];
	p0 =	sne.s32 s2, $0x0  }
0x121: {  	s3 =	rddreg [dreg:$0x2];
	[bflag:$0x3] =	sbarrier.arrive $0xFFFF;
	s2 =	simm.s32 @!p0 $0x1C02  }
0x122: {  	[timem:s3], [sflag:s2] =	dma.local @!p0 [hbm:s0], s1  }
0x123: {  	s0 =	simm.s32 @!p0 $0x2  }
0x124: {  	_ =	swait.ge @!p0 [sflag:s0], s1  }
0x125: {  	s1 =	ssub.s32 @!p0 $0x0, s1;
	[sflag:s0] =	ssyncset.done @!p0 $0x0  }
0x126: {  	[sflag:s0] =	ssyncadd.s32 @!p0 s1  }
0x127: {  	[bflag:$0x3] =	sbarrier.arrive $0xFFFF  }
0x128: {  	_ =	shalt  }

// kernel: kernel.7.cloned.1.call-start
scs
__scs_entry_jumppad:
0x0: {  	(pc) =	sbr.rel $0x88, $3  }
0x1: {  	(tag) =	ssettag $0x0;
	lr =	simm.s32 $0x1  }
0x2: {  	[smem:$0x3F9E] =	sst lr;
	_ =	strace $0xD0000000  }
0x3: {  	_ = 	snop  }
0x4: {  	_ = 	snop  }
0x5: {  	_ = 	snop  }
0x6: {  	_ = 	snop  }
0x7: {  	_ = 	snop  }
__scs_overlays_trampoline_lowered:
0x8: {  	[smem:$0x3FAD] =	sst s0  }
0x9: {  	[smem:$0x3FAE] =	sst s1  }
0xa: {  	[smem:$0x3FAF] =	sst s2  }
0xb: {  	[smem:$0x3FB0] =	sst s3  }
0xc: {  	[smem:$0x3FB1] =	sst s4  }
0xd: {  	[smem:$0x3FB2] =	sst s5  }
0xe: {  	[smem:$0x3FB3] =	sst s6  }
0xf: {  	[smem:$0x3FB4] =	sst s7  }
0x10: {  	[smem:$0x3FB5] =	sst s8  }
0x11: {  	[smem:$0x3FB6] =	sst s9;
	s0 =	simm.s32 @!p0 $0x0  }
0x12: {  	s1 =	sld [smem:$0x3F9C];
	s0 =	simm.s32 @p0 $0x1  }
0x13: {  	[smem:$0x3FB7] =	sst s0;
	s0 =	simm.s32 @!p1 $0x0  }
0x14: {  	s2 =	sld [smem:$0x3F9B];
	s0 =	simm.s32 @p1 $0x1  }
0x15: {  	[smem:$0x3FB8] =	sst s0;
	s0 =	simm.s32 @!p2 $0x0  }
0x16: {  	s3 =	sld [smem:$0x3FDB];
	s0 =	simm.s32 @p2 $0x1  }
0x17: {  	s4 =	simm.s32 $0x1BF5;
	[smem:$0x3FBA] =	sst s0  }
0x18: {  	s0 =	sld [smem:$0x3F9D];
	_ =	swait.ge [sflag:s4], $0x0  }
0x19: {  	s7 =	sld [smem:$0x3F9E]  }
0x1a: {  	s8 =	sadd.s32 $0xFFFFE003, lr  }
0x1b: {  	s9 =	sadd.s32 $0xFFFFFEF7, lr;
	s5 =	simm.s32 $0xFFFFFFFF;
	p2 =	slt.u32 s8, $0xFFFFF086  }
0x1c: {  	p1 =	slt.u32 s9, $0xF7A;
	s5 =	simm.s32 @!p2 $0x0  }
0x1d: {  	s5 =	simm.s32 @p1 $0x1;
	p0 =	seq.s32 s7, s2  }
0x1e: {  	s7 =	smul.u32 @!p0 $0xF7A, s2;
	p2 =	seq.s32 @!p0 s5, $0x0  }
0x1f: {  	s9 =	smul.u32 $0xF7A, s1;
	s8 =	simm.s32 @!p0 $0x1BF5;
	p2 =	por !p2, p0  }
0x20: {  	[sflag:s8] =	ssyncset.s32 @!p0 $0xFFFFF086;
	s6 =	sadd.s32 @!p0 s3, s7;
	s7 =	simm.s32 @!p0 $0x108  }
0x21: {  	s3 =	sadd.s32 s3, s9;
	s6 =	sadd.s32 @!p0 $0x88, s6;
	s7 =	simm.s32 @p2 $0x1082  }
0x22: {  	[simem:s7], [sflag:s8] =	dma.local @!p0 [hbm:s6], $0xF7A  }
0x23: {  	s9 =	sor.u32 $0xD0000000, s2;
	s6 =	simm.s32 $0x108;
	_ =	swait.ge @!p0 [sflag:s8], $0x0  }
0x24: {  	s3 =	sadd.s32 $0x88, s3;
	s6 =	simm.s32 @!p1 $0x1082;
	[sflag:s4] =	ssyncset.s32 $0xFFFFF086  }
0x25: {  	[simem:s6], [sflag:s4] =	dma.local [hbm:s3], $0xF7A  }
0x26: {  	[smem:$0x3F9E] =	sst s1;
	(tag) =	ssettag s2;
	_ =	strace s9  }
0x27: {  	s1 =	sld [smem:$0x3FAE]  }
0x28: {  	s2 =	sld [smem:$0x3FAF]  }
0x29: {  	s4 =	sld [smem:$0x3FB1]  }
0x2a: {  	p0 =	seq.s32 s5, $0x0;
	s5 =	sld [smem:$0x3FB2]  }
0x2b: {  	s6 =	sld [smem:$0x3FB3]  }
0x2c: {  	s7 =	sld [smem:$0x3FB4]  }
0x2d: {  	s3 =	simm.s32 $0x108;
	s8 =	sld [smem:$0x3FB5]  }
0x2e: {  	s3 =	simm.s32 @!p0 $0x1082;
	s9 =	sld [smem:$0x3FB6]  }
0x2f: {  	lr =	sadd.s32 s0, s3;
	s0 =	sld [smem:$0x3FAD]  }
0x30: {  	s3 =	sld [smem:$0x3FB0]  }
0x31: {  	[smem:$0x3FB9] =	sst s10  }
0x32: {  	s10 =	sld [smem:$0x3FB7];
	_ =	sdelay $0x3  }
0x33: {  	p0 =	seq.s32 s10, $0x1;
	s10 =	sld [smem:$0x3FB9];
	_ =	sdelay $0x3  }
0x34: {  	[smem:$0x3FB9] =	sst s10  }
0x35: {  	s10 =	sld [smem:$0x3FB8];
	_ =	sdelay $0x3  }
0x36: {  	p1 =	seq.s32 s10, $0x1;
	s10 =	sld [smem:$0x3FB9];
	_ =	sdelay $0x3  }
0x37: {  	[smem:$0x3FB9] =	sst s10  }
0x38: {  	s10 =	sld [smem:$0x3FBA]  }
0x39: {  	_ = 	snop;
	(pc) =	sbr.ind lr, $3  }
0x3a: {  	_ = 	snop  }
0x3b: {  	_ = 	snop  }
0x3c: {  	p2 =	seq.s32 s10, $0x1;
	s10 =	sld [smem:$0x3FB9]  }
0x3d: {  	_ =	shalt  }
0x3e: {  	_ =	shalt  }
0x3f: {  	_ =	shalt  }
0x40: {  	_ =	shalt  }
0x41: {  	_ =	shalt  }
0x42: {  	_ =	shalt  }
0x43: {  	_ =	shalt  }
0x44: {  	_ =	shalt  }
0x45: {  	_ =	shalt  }
0x46: {  	_ =	shalt  }
0x47: {  	_ =	shalt  }
0x48: {  	_ =	shalt  }
0x49: {  	_ =	shalt  }
0x4a: {  	_ =	shalt  }
0x4b: {  	_ =	shalt  }
0x4c: {  	_ =	shalt  }
0x4d: {  	_ =	shalt  }
0x4e: {  	_ =	shalt  }
0x4f: {  	_ =	shalt  }
0x50: {  	_ =	shalt  }
0x51: {  	_ =	shalt  }
0x52: {  	_ =	shalt  }
0x53: {  	_ =	shalt  }
0x54: {  	_ =	shalt  }
0x55: {  	_ =	shalt  }
0x56: {  	_ =	shalt  }
0x57: {  	_ =	shalt  }
0x58: {  	_ =	shalt  }
0x59: {  	_ =	shalt  }
0x5a: {  	_ =	shalt  }
0x5b: {  	_ =	shalt  }
0x5c: {  	_ =	shalt  }
0x5d: {  	_ =	shalt  }
0x5e: {  	_ =	shalt  }
0x5f: {  	_ =	shalt  }
0x60: {  	_ =	shalt  }
0x61: {  	_ =	shalt  }
0x62: {  	_ =	shalt  }
0x63: {  	_ =	shalt  }
0x64: {  	_ =	shalt  }
0x65: {  	_ =	shalt  }
0x66: {  	_ =	shalt  }
0x67: {  	_ =	shalt  }
0x68: {  	_ =	shalt  }
0x69: {  	_ =	shalt  }
0x6a: {  	_ =	shalt  }
0x6b: {  	_ =	shalt  }
0x6c: {  	_ =	shalt  }
0x6d: {  	_ =	shalt  }
0x6e: {  	_ =	shalt  }
0x6f: {  	_ =	shalt  }
0x70: {  	_ =	shalt  }
0x71: {  	_ =	shalt  }
0x72: {  	_ =	shalt  }
0x73: {  	_ =	shalt  }
0x74: {  	_ =	shalt  }
0x75: {  	_ =	shalt  }
0x76: {  	_ =	shalt  }
0x77: {  	_ =	shalt  }
0x78: {  	_ =	shalt  }
0x79: {  	_ =	shalt  }
0x7a: {  	_ =	shalt  }
0x7b: {  	_ =	shalt  }
0x7c: {  	_ =	shalt  }
0x7d: {  	_ =	shalt  }
0x7e: {  	_ =	shalt  }
0x7f: {  	_ =	shalt  }
0x80: {  	_ =	shalt  }
0x81: {  	_ =	shalt  }
0x82: {  	_ =	shalt  }
0x83: {  	_ =	shalt  }
0x84: {  	_ =	shalt  }
0x85: {  	_ =	shalt  }
0x86: {  	_ =	shalt  }
0x87: {  	_ =	shalt  }
.Lfunc_end0:
.L_simem_size_0:
called_computation.2_lowered:
.L_overlay_start_0:
0x88: {  	s2 =	sld [smem:$0x3FD9]  }
0x89: {  	s3 =	sld [smem:$0x3FFE];
	_ =	sdelay $0x1  }
0x8a: {  	s1 =	srdreg.scid  }
0x8b: {  	s0 =	sand.u32 $0x1, s1  }
0x8c: {  	s17 =	sshll.u32 s0, $0xA;
	s2 =	sadd.s32 s3, s2  }
0x8d: {  	s2 =	sadd.s32 s2, s17  }
0x8e: {  	[smem:$0x3FC5] =	sst s2  }
0x8f: {  	_ = 	snop  }
0x90: {  	s2 =	sld [smem:$0x3FD0];
	(tm) =	ssettm $0x1  }
0x91: {  	s18 =	sld [smem:$0x3FFB];
	_ =	sdelay $0x3  }
0x92: {  	_ =	strace s18  }
0x93: {  	s3 =	sld [smem:$0x3FFC];
	_ =	sdelay $0x3  }
0x94: {  	_ =	strace s3  }
0x95: {  	s3 =	sld [smem:$0x3FFD];
	_ =	sdelay $0x3  }
0x96: {  	_ =	strace s3  }
0x97: {  	_ =	strace $0x8FFFFFFF  }
0x98: {  	s19 =	sld [smem:$0x3FDB];
	_ =	sdelay $0x1  }
0x99: {  	s4 =	simm.s32 $_scs_section_size  }
0x9a: {  	s5 =	simm.s32 $_size__tile_overlayer_lowered;
	s6 =	simm.s32 $_tile_overlayer_lowered  }
0x9b: {  	s22 =	simm.s32 $0x1BFF;
	s21 =	sshll.u32 s6, $0x1;
	s3 =	sadd.s32 s4, s19  }
0x9c: {  	s7 =	simm.s32 $0x0;
	s20 =	sshll.u32 s5, $0x1;
	s5 =	sadd.s32 s21, s3  }
0x9d: {  	[timem:s7], [sflag:s22] =	dma.local [hbm:s5], s20  }
0x9e: {  	_ =	swait.ge [sflag:s22], s20  }
0x9f: {  	s4 =	ssub.s32 $0x0, s20;
	[sflag:s22] =	ssyncset.done $0x0  }
0xa0: {  	[sflag:s22] =	ssyncadd.s32 s4;
	_ =	sdelay $0x1  }
0xa1: {  	s23 =	simm.s32 $0x1B8B  }
0xa2: {  	_ =	swait.ge [sflag:s23], $0x1  }
0xa3: {  	[sflag:s23] =	ssyncset.done $0x0  }
0xa4: {  	s25 =	simm.s32 $0x1B8E;
	s24 =	sld [smem:$0x3FFE];
	[sflag:s23] =	ssyncadd.s32 $0xFFFFFFFF  }
0xa5: {  	s26 =	simm.s32 $execute0_lowered;
	[smem:$0x3FD2] =	sst s25  }
0xa6: {  	s5 =	sshll.u32 s26, $0x1;
	_ =	strace $0x8000004C;
	[dreg:$0x1] =	wrdreg $0xFFFFFFFF  }
0xa7: {  	s28 =	simm.s32 $_size_execute0_lowered;
	s3 =	sadd.s32 s3, s5;
	[dreg:$0x0] =	wrdreg $0x0  }
0xa8: {  	s5 =	sshll.u32 s28, $0x1;
	[dreg:$0x2] =	wrdreg s3  }
0xa9: {  	[dreg:$0x3] =	wrdreg s5  }
0xaa: {  	[dreg:$0x4] =	wrdreg $0xC0  }
0xab: {  	_ =	task [dreg:s7], $0x5FFFF  }
0xac: {  	[dreg:$0x1] =	wrdreg $0xFFFFFFFF  }
0xad: {  	[dreg:$0x0] =	wrdreg $0x60  }
0xae: {  	[dreg:$0x2] =	wrdreg s24  }
0xaf: {  	[dreg:$0x3] =	wrdreg s2  }
0xb0: {  	[dreg:$0x4] =	wrdreg $0x9  }
0xb1: {  	_ =	task.clear_ibuf [dreg:s7], $0x5FFFF;
	_ =	strace $0x9000004C  }
0xb2: {  	s29 =	simm.s32 $0x9;
	_ =	strace $0x8000004E  }
0xb3: {  	_ =	swait.ge [sflag:s29], $0x1  }
0xb4: {  	[sflag:s29] =	ssyncadd.s32 $0xFFFFFFFF  }
0xb5: {  	_ =	strace $0x9000004E  }
0xb6: {  	_ =	sfence  }
0xb7: {  	s30 =	sld [smem:$0x0];
	_ =	sdelay $0x2  }
0xb8: {  	s31 =	sshll.u32 s1, $0xD;
	s1 =	sshrl.u32 s1, $0x2  }
0xb9: {  	s3 =	sand.u32 $0x4000, s31;
	s1 =	sadd.s32 s1, s30  }
0xba: {  	s0 =	sor.u32 s3, s0;
	s1 =	sshll.u32 s1, $0x11  }
0xbb: {  	s0 =	sor.u32 s1, s0  }
0xbc: {  	s0 =	sadd.s32 $0x8F2B, s0  }
0xbd: {  	[sflag:s0] =	ssyncadd.remote.s32 $0x1  }
0xbe: {  	_ =	sfence.sel $0xFFFF  }
0xbf: {  	[dreg:$0x0] =	wrdreg $0xFFFFFFFF;
	(pc) =	sbr.abs _section_cstart, $3  }
0xc0: {  	[dreg:$0x1] =	wrdreg $0xFFFFFFFF  }
0xc1: {  	_ =	task.clear_ibuf [dreg:s7], $0x2FFFF;
	_ =	strace $0x9FFFFFFF  }
0xc2: {  	(tm) =	ssettm $0x7FFFFFFF  }
0xc3: {  	_ =	shalt  }
tec
execute0_lowered:
.L_overlay_start_1:
0x0: {  	(tag) =	ssettag $0x1  }
0x1: {  	s1 =	srdreg.scid;
	s3 =	rddreg [dreg:$0x0]  }
0x2: {  	s0 =	stileid.u32;
	s4 =	rddreg [dreg:$0x1];
	s2 =	simm.s32 $0x0  }
0x3: {  	s20 =	simm.s32 $0xC00;
	s21 =	simm.s32 $0x100;
	s23 =	simm.s32 $0x1000  }
0x4: {  	s24 =	simm.s32 $0x180;
	s25 =	simm.s32 $0x1400;
	s26 =	simm.s32 $0x200  }
0x5: {  	s7 =	simm.s32 $0x80;
	s11 =	simm.s32 $0x300;
	s12 =	simm.s32 $0x2000  }
0x6: {  	s13 =	simm.s32 $0x380;
	s14 =	simm.s32 $0x2400;
	s15 =	simm.s32 $0x400  }
0x7: {  	s16 =	simm.s32 $0x2800;
	s17 =	simm.s32 $0x480;
	[smem:$0x7FF] =	sst s2  }
0x8: {  	s18 =	simm.s32 $0x2C00;
	_ =	strace $0x8000004D;
	[dreg:$0x5] =	wrdreg s20  }
0x9: {  	p0 =	por $0x0, $0x0;
	s28 =	simm.s32 $0x700;
	[dreg:$0x6] =	wrdreg s21  }
0xa: {  	s29 =	simm.s32 $0x4000;
	s30 =	simm.s32 $0x780;
	[dreg:$0x7] =	wrdreg s23  }
0xb: {  	s31 =	simm.s32 $0x4400;
	s1 =	sand.u32 $0x1, s1;
	[dreg:$0x8] =	wrdreg s24  }
0xc: {  	s6 =	sshll.u32 s1, $0xB;
	s1 =	ssub.s32 $0x2, s1;
	[dreg:$0x9] =	wrdreg s25  }
0xd: {  	s5 =	sshll.u32 s0, $0xC;
	[dreg:$0xa] =	wrdreg s26;
	s22 =	sshrl.u32 s1, $0x1  }
0xe: {  	s20 =	simm.s32 $0x3000;
	s21 =	simm.s32 $0x580;
	s1 =	ssub.s32 s1, s22  }
0xf: {  	s23 =	simm.s32 $0x600;
	s24 =	simm.s32 $0x3800;
	s1 =	smax.u32 s1, $0x1  }
0x10: {  	s25 =	simm.s32 $0x680;
	s5 =	sor.u32 s6, s5;
	p1 =	sne.s32 s1, $0x1  }
.Ltmp0:
0x11: {  	s26 =	simm.s32 $0x3C00;
	s6 =	sshrl.u32 s5, $0x3;
	(pc) =	sbr.rel @!p1 .LBB2_3-.Ltmp0, $4  }
0x12: {  	s5 =	sadd.s32 s5, s3;
	s22 =	simm.s32 $0x3400;
	s4 =	sadd.s32 s4, s6  }
0x13: {  	s19 =	sadd.s32 $0x1892000, s5;
	s6 =	sadd.s32 $0x12000, s3;
	[dreg:$0x3] =	wrdreg s4  }
0x14: {  	s3 =	simm.s32 $0x2;
	s5 =	simm.s32 $0x1;
	[dreg:$0x4] =	wrdreg s19  }
0x15: {  	s4 =	simm.s32 $0x800;
	s19 =	simm.s32 $0x500;
	s8 =	sadd.s32 $0xFFFFFFFF, s1  }
0x16: {  	s0 =	rddreg [dreg:$0x3]  }
0x17: {  	[tilespmem:s2], [sflag:$0x2] =	stream.linear.gather [hbm4b:s0+s2], $0x800, $0x38;
	[tilespmem:$0x4800] =	vst v63  }
0x18: {  	_ =	swait.ge [sflag:s3], $0x800  }
0x19: {  	s10 =	rddreg [dreg:$0x6]  }
0x1a: {  	s1 =	rddreg [dreg:$0x5]  }
0x1b: {  	s0 =	rddreg [dreg:$0x7]  }
0x1c: {  	[sflag:s3] =	ssyncset.done $0x0;
	[dreg:$0xb] =	wrdreg s10  }
0x1d: {  	[sflag:s3] =	ssyncadd.s32 $0xFFFFF800;
	s10 =	rddreg [dreg:$0x9]  }
0x1e: {  	[tilespmem:s4], [sflag:$0x1] =	stream.indirect.gather [hbm4b:s6+s7], $0x1, s2, s7, $0xb8;
	[tilespmem:$0x4800] =	vst v63  }
0x1f: {  	[dreg:$0xc] =	wrdreg s10  }
0x20: {  	s10 =	rddreg [dreg:$0xb]  }
0x21: {  	[tilespmem:s1], [sflag:$0x1] =	stream.indirect.gather [hbm4b:s6+s7], $0x1, s7, s7, $0xb8;
	[tilespmem:$0x4800] =	vst v63  }
0x22: {  	s1 =	rddreg [dreg:$0x8]  }
0x23: {  	[tilespmem:s0], [sflag:$0x1] =	stream.indirect.gather [hbm4b:s6+s7], $0x1, s10, s7, $0xb8;
	[tilespmem:$0x4800] =	vst v63  }
0x24: {  	s10 =	rddreg [dreg:$0xc]  }
0x25: {  	[tilespmem:s10], [sflag:$0x1] =	stream.indirect.gather [hbm4b:s6+s7], $0x1, s1, s7, $0xb8;
	[tilespmem:$0x4800] =	vst v63  }
0x26: {  	s9 =	simm.s32 $0x1800;
	s0 =	rddreg [dreg:$0xa]  }
0x27: {  	[tilespmem:s9], [sflag:$0x1] =	stream.indirect.gather [hbm4b:s6+s7], $0x1, s0, s7, $0xb8;
	[tilespmem:$0x4800] =	vst v63  }
0x28: {  	s1 =	simm.s32 $0x280;
	s9 =	simm.s32 $0x1C00  }
0x29: {  	[tilespmem:s9], [sflag:$0x1] =	stream.indirect.gather [hbm4b:s6+s7], $0x1, s1, s7, $0xb8;
	[tilespmem:$0x4800] =	vst v63  }
0x2a: {  	_ = 	snop  }
0x2b: {  	[tilespmem:s12], [sflag:$0x1] =	stream.indirect.gather [hbm4b:s6+s7], $0x1, s11, s7, $0xb8;
	[tilespmem:$0x4800] =	vst v63  }
0x2c: {  	_ = 	snop  }
0x2d: {  	[tilespmem:s14], [sflag:$0x1] =	stream.indirect.gather [hbm4b:s6+s7], $0x1, s13, s7, $0xb8;
	[tilespmem:$0x4800] =	vst v63  }
0x2e: {  	_ = 	snop  }
0x2f: {  	[tilespmem:s16], [sflag:$0x1] =	stream.indirect.gather [hbm4b:s6+s7], $0x1, s15, s7, $0xb8;
	[tilespmem:$0x4800] =	vst v63  }
0x30: {  	_ = 	snop  }
0x31: {  	[tilespmem:s18], [sflag:$0x1] =	stream.indirect.gather [hbm4b:s6+s7], $0x1, s17, s7, $0xb8;
	[tilespmem:$0x4800] =	vst v63  }
0x32: {  	_ = 	snop  }
0x33: {  	[tilespmem:s20], [sflag:$0x1] =	stream.indirect.gather [hbm4b:s6+s7], $0x1, s19, s7, $0xb8;
	[tilespmem:$0x4800] =	vst v63  }
0x34: {  	_ = 	snop  }
0x35: {  	[tilespmem:s22], [sflag:$0x1] =	stream.indirect.gather [hbm4b:s6+s7], $0x1, s21, s7, $0xb8;
	[tilespmem:$0x4800] =	vst v63  }
0x36: {  	_ = 	snop  }
0x37: {  	[tilespmem:s24], [sflag:$0x1] =	stream.indirect.gather [hbm4b:s6+s7], $0x1, s23, s7, $0xb8;
	[tilespmem:$0x4800] =	vst v63  }
0x38: {  	_ = 	snop  }
0x39: {  	[tilespmem:s26], [sflag:$0x1] =	stream.indirect.gather [hbm4b:s6+s7], $0x1, s25, s7, $0xb8;
	[tilespmem:$0x4800] =	vst v63  }
0x3a: {  	_ = 	snop  }
0x3b: {  	[tilespmem:s29], [sflag:$0x1] =	stream.indirect.gather [hbm4b:s6+s7], $0x1, s28, s7, $0xb8;
	[tilespmem:$0x4800] =	vst v63  }
0x3c: {  	_ = 	snop  }
0x3d: {  	[tilespmem:s31], [sflag:$0x1] =	stream.indirect.gather [hbm4b:s6+s7], $0x1, s30, s7, $0xb8;
	[tilespmem:$0x4800] =	vst v63  }
0x3e: {  	_ =	swait.ge [sflag:s5], $0x80  }
0x3f: {  	[sflag:s5] =	ssyncset.done $0x0  }
0x40: {  	[sflag:s5] =	ssyncadd.s32 $0xFFFFFF80  }
0x41: {  	_ =	swait.ge [sflag:s5], $0x80  }
0x42: {  	[sflag:s5] =	ssyncset.done $0x0  }
0x43: {  	[sflag:s5] =	ssyncadd.s32 $0xFFFFFF80  }
0x44: {  	_ =	swait.ge [sflag:s5], $0x80  }
0x45: {  	[sflag:s5] =	ssyncset.done $0x0  }
0x46: {  	[sflag:s5] =	ssyncadd.s32 $0xFFFFFF80  }
0x47: {  	_ =	swait.ge [sflag:s5], $0x80  }
0x48: {  	[sflag:s5] =	ssyncset.done $0x0  }
0x49: {  	[sflag:s5] =	ssyncadd.s32 $0xFFFFFF80  }
0x4a: {  	_ =	swait.ge [sflag:s5], $0x80  }
0x4b: {  	[sflag:s5] =	ssyncset.done $0x0  }
0x4c: {  	[sflag:s5] =	ssyncadd.s32 $0xFFFFFF80  }
0x4d: {  	_ =	swait.ge [sflag:s5], $0x80  }
0x4e: {  	[sflag:s5] =	ssyncset.done $0x0  }
0x4f: {  	[sflag:s5] =	ssyncadd.s32 $0xFFFFFF80  }
0x50: {  	_ =	swait.ge [sflag:s5], $0x80  }
0x51: {  	[sflag:s5] =	ssyncset.done $0x0  }
0x52: {  	[sflag:s5] =	ssyncadd.s32 $0xFFFFFF80  }
0x53: {  	_ =	swait.ge [sflag:s5], $0x80  }
0x54: {  	[sflag:s5] =	ssyncset.done $0x0  }
0x55: {  	[sflag:s5] =	ssyncadd.s32 $0xFFFFFF80  }
0x56: {  	_ =	swait.ge [sflag:s5], $0x80  }
0x57: {  	[sflag:s5] =	ssyncset.done $0x0  }
0x58: {  	[sflag:s5] =	ssyncadd.s32 $0xFFFFFF80  }
0x59: {  	_ =	swait.ge [sflag:s5], $0x80  }
0x5a: {  	[sflag:s5] =	ssyncset.done $0x0  }
0x5b: {  	[sflag:s5] =	ssyncadd.s32 $0xFFFFFF80  }
0x5c: {  	_ =	swait.ge [sflag:s5], $0x80  }
0x5d: {  	[sflag:s5] =	ssyncset.done $0x0  }
0x5e: {  	[sflag:s5] =	ssyncadd.s32 $0xFFFFFF80  }
0x5f: {  	_ =	swait.ge [sflag:s5], $0x80  }
0x60: {  	[sflag:s5] =	ssyncset.done $0x0  }
0x61: {  	[sflag:s5] =	ssyncadd.s32 $0xFFFFFF80  }
0x62: {  	_ =	swait.ge [sflag:s5], $0x80  }
0x63: {  	[sflag:s5] =	ssyncset.done $0x0  }
0x64: {  	[sflag:s5] =	ssyncadd.s32 $0xFFFFFF80  }
0x65: {  	_ =	swait.ge [sflag:s5], $0x80  }
0x66: {  	[sflag:s5] =	ssyncset.done $0x0  }
0x67: {  	[sflag:s5] =	ssyncadd.s32 $0xFFFFFF80  }
0x68: {  	_ =	swait.ge [sflag:s5], $0x80  }
0x69: {  	p1 =	sne.s32 s8, $0x1;
	[sflag:s5] =	ssyncset.done $0x0  }
.Ltmp1:
0x6a: {  	[sflag:s5] =	ssyncadd.s32 $0xFFFFFF80;
	(pc) =	sbr.rel @!p1 .LBB2_3-.Ltmp1, $4  }
0x6b: {  	_ =	swait.ge [sflag:s5], $0x80  }
0x6c: {  	p0 =	por $0x1, $0x1;
	[sflag:s5] =	ssyncset.done $0x0  }
0x6d: {  	s1 =	sadd.s32 $0xFFFFFFFF, s8;
	s10 =	rddreg [dreg:$0x4];
	[sflag:s5] =	ssyncadd.s32 $0xFFFFFF80  }
0x6e: {  	[hbm4b:s10+s2] =	stream.linear.scatter [tilespmem:s4], [sflag:$0x2], $0x4000, $0x38;
	[tilespmem:$0x4800] =	vst v63  }
.LBB2_2:
0x6f: {  	_ =	swait.ge [sflag:s3], $0x4000  }
0x70: {  	[sflag:s3] =	ssyncset.done $0x0  }
0x71: {  	s0 =	rddreg [dreg:$0x3];
	[sflag:s3] =	ssyncadd.s32 $0xFFFFC000  }
0x72: {  	[tilespmem:s2], [sflag:$0x2] =	stream.linear.gather [hbm4b:s0+s2], $0x800, $0x38;
	[tilespmem:$0x4800] =	vst v63  }
0x73: {  	_ =	swait.ge [sflag:s3], $0x800  }
0x74: {  	s0 =	rddreg [dreg:$0x6];
	[sflag:s3] =	ssyncset.done $0x0  }
0x75: {  	s8 =	rddreg [dreg:$0x5];
	[sflag:s3] =	ssyncadd.s32 $0xFFFFF800  }
0x76: {  	[tilespmem:s4], [sflag:$0x1] =	stream.indirect.gather [hbm4b:s6+s7], $0x1, s2, s7, $0xb8;
	[tilespmem:$0x4800] =	vst v63  }
0x77: {  	s9 =	rddreg [dreg:$0x7]  }
0x78: {  	[tilespmem:s8], [sflag:$0x1] =	stream.indirect.gather [hbm4b:s6+s7], $0x1, s7, s7, $0xb8;
	[tilespmem:$0x4800] =	vst v63  }
0x79: {  	s10 =	rddreg [dreg:$0x9]  }
0x7a: {  	[tilespmem:s9], [sflag:$0x1] =	stream.indirect.gather [hbm4b:s6+s7], $0x1, s0, s7, $0xb8;
	[tilespmem:$0x4800] =	vst v63  }
0x7b: {  	s8 =	rddreg [dreg:$0x8]  }
0x7c: {  	[tilespmem:s10], [sflag:$0x1] =	stream.indirect.gather [hbm4b:s6+s7], $0x1, s8, s7, $0xb8;
	[tilespmem:$0x4800] =	vst v63  }
0x7d: {  	s0 =	rddreg [dreg:$0xa];
	s8 =	simm.s32 $0x1800  }
0x7e: {  	[tilespmem:s8], [sflag:$0x1] =	stream.indirect.gather [hbm4b:s6+s7], $0x1, s0, s7, $0xb8;
	[tilespmem:$0x4800] =	vst v63  }
0x7f: {  	s9 =	simm.s32 $0x280;
	s10 =	simm.s32 $0x1C00  }
0x80: {  	[tilespmem:s10], [sflag:$0x1] =	stream.indirect.gather [hbm4b:s6+s7], $0x1, s9, s7, $0xb8;
	[tilespmem:$0x4800] =	vst v63  }
0x81: {  	_ = 	snop  }
0x82: {  	[tilespmem:s12], [sflag:$0x1] =	stream.indirect.gather [hbm4b:s6+s7], $0x1, s11, s7, $0xb8;
	[tilespmem:$0x4800] =	vst v63  }
0x83: {  	_ = 	snop  }
0x84: {  	[tilespmem:s14], [sflag:$0x1] =	stream.indirect.gather [hbm4b:s6+s7], $0x1, s13, s7, $0xb8;
	[tilespmem:$0x4800] =	vst v63  }
0x85: {  	_ = 	snop  }
0x86: {  	[tilespmem:s16], [sflag:$0x1] =	stream.indirect.gather [hbm4b:s6+s7], $0x1, s15, s7, $0xb8;
	[tilespmem:$0x4800] =	vst v63  }
0x87: {  	_ = 	snop  }
0x88: {  	[tilespmem:s18], [sflag:$0x1] =	stream.indirect.gather [hbm4b:s6+s7], $0x1, s17, s7, $0xb8;
	[tilespmem:$0x4800] =	vst v63  }
0x89: {  	_ = 	snop  }
0x8a: {  	[tilespmem:s20], [sflag:$0x1] =	stream.indirect.gather [hbm4b:s6+s7], $0x1, s19, s7, $0xb8;
	[tilespmem:$0x4800] =	vst v63  }
0x8b: {  	_ = 	snop  }
0x8c: {  	[tilespmem:s22], [sflag:$0x1] =	stream.indirect.gather [hbm4b:s6+s7], $0x1, s21, s7, $0xb8;
	[tilespmem:$0x4800] =	vst v63  }
0x8d: {  	_ = 	snop  }
0x8e: {  	[tilespmem:s24], [sflag:$0x1] =	stream.indirect.gather [hbm4b:s6+s7], $0x1, s23, s7, $0xb8;
	[tilespmem:$0x4800] =	vst v63  }
0x8f: {  	_ = 	snop  }
0x90: {  	[tilespmem:s26], [sflag:$0x1] =	stream.indirect.gather [hbm4b:s6+s7], $0x1, s25, s7, $0xb8;
	[tilespmem:$0x4800] =	vst v63  }
0x91: {  	_ = 	snop  }
0x92: {  	[tilespmem:s29], [sflag:$0x1] =	stream.indirect.gather [hbm4b:s6+s7], $0x1, s28, s7, $0xb8;
	[tilespmem:$0x4800] =	vst v63  }
0x93: {  	_ = 	snop  }
0x94: {  	[tilespmem:s31], [sflag:$0x1] =	stream.indirect.gather [hbm4b:s6+s7], $0x1, s30, s7, $0xb8;
	[tilespmem:$0x4800] =	vst v63  }
0x95: {  	_ =	swait.ge [sflag:s5], $0x80  }
0x96: {  	[sflag:s5] =	ssyncset.done $0x0  }
0x97: {  	[sflag:s5] =	ssyncadd.s32 $0xFFFFFF80  }
0x98: {  	_ =	swait.ge [sflag:s5], $0x80  }
0x99: {  	[sflag:s5] =	ssyncset.done $0x0  }
0x9a: {  	[sflag:s5] =	ssyncadd.s32 $0xFFFFFF80  }
0x9b: {  	_ =	swait.ge [sflag:s5], $0x80  }
0x9c: {  	[sflag:s5] =	ssyncset.done $0x0  }
0x9d: {  	[sflag:s5] =	ssyncadd.s32 $0xFFFFFF80  }
0x9e: {  	_ =	swait.ge [sflag:s5], $0x80  }
0x9f: {  	[sflag:s5] =	ssyncset.done $0x0  }
0xa0: {  	[sflag:s5] =	ssyncadd.s32 $0xFFFFFF80  }
0xa1: {  	_ =	swait.ge [sflag:s5], $0x80  }
0xa2: {  	[sflag:s5] =	ssyncset.done $0x0  }
0xa3: {  	[sflag:s5] =	ssyncadd.s32 $0xFFFFFF80  }
0xa4: {  	_ =	swait.ge [sflag:s5], $0x80  }
0xa5: {  	[sflag:s5] =	ssyncset.done $0x0  }
0xa6: {  	[sflag:s5] =	ssyncadd.s32 $0xFFFFFF80  }
0xa7: {  	_ =	swait.ge [sflag:s5], $0x80  }
0xa8: {  	[sflag:s5] =	ssyncset.done $0x0  }
0xa9: {  	[sflag:s5] =	ssyncadd.s32 $0xFFFFFF80  }
0xaa: {  	_ =	swait.ge [sflag:s5], $0x80  }
0xab: {  	[sflag:s5] =	ssyncset.done $0x0  }
0xac: {  	[sflag:s5] =	ssyncadd.s32 $0xFFFFFF80  }
0xad: {  	_ =	swait.ge [sflag:s5], $0x80  }
0xae: {  	[sflag:s5] =	ssyncset.done $0x0  }
0xaf: {  	[sflag:s5] =	ssyncadd.s32 $0xFFFFFF80  }
0xb0: {  	_ =	swait.ge [sflag:s5], $0x80  }
0xb1: {  	[sflag:s5] =	ssyncset.done $0x0  }
0xb2: {  	[sflag:s5] =	ssyncadd.s32 $0xFFFFFF80  }
0xb3: {  	_ =	swait.ge [sflag:s5], $0x80  }
0xb4: {  	[sflag:s5] =	ssyncset.done $0x0  }
0xb5: {  	[sflag:s5] =	ssyncadd.s32 $0xFFFFFF80  }
0xb6: {  	_ =	swait.ge [sflag:s5], $0x80  }
0xb7: {  	[sflag:s5] =	ssyncset.done $0x0  }
0xb8: {  	[sflag:s5] =	ssyncadd.s32 $0xFFFFFF80  }
0xb9: {  	_ =	swait.ge [sflag:s5], $0x80  }
0xba: {  	[sflag:s5] =	ssyncset.done $0x0  }
0xbb: {  	[sflag:s5] =	ssyncadd.s32 $0xFFFFFF80  }
0xbc: {  	_ =	swait.ge [sflag:s5], $0x80  }
0xbd: {  	[sflag:s5] =	ssyncset.done $0x0  }
0xbe: {  	[sflag:s5] =	ssyncadd.s32 $0xFFFFFF80  }
0xbf: {  	_ =	swait.ge [sflag:s5], $0x80  }
0xc0: {  	p1 =	sne.s32 s1, $0x1;
	[sflag:s5] =	ssyncset.done $0x0  }
.Ltmp2:
0xc1: {  	[sflag:s5] =	ssyncadd.s32 $0xFFFFFF80;
	(pc) =	sbr.rel @p1 .LBB2_2-.Ltmp2, $4  }
0xc2: {  	_ =	swait.ge [sflag:s5], $0x80  }
0xc3: {  	[sflag:s5] =	ssyncset.done $0x0  }
0xc4: {  	s1 =	sadd.s32 $0xFFFFFFFF, s1;
	s10 =	rddreg [dreg:$0x4];
	[sflag:s5] =	ssyncadd.s32 $0xFFFFFF80  }
0xc5: {  	[hbm4b:s10+s2] =	stream.linear.scatter [tilespmem:s4], [sflag:$0x2], $0x4000, $0x38;
	[tilespmem:$0x4800] =	vst v63  }
.LBB2_3:
0xc6: {  	_ =	swait.ge @p0 [sflag:s3], $0x4000  }
0xc7: {  	[sflag:s3] =	ssyncset.done @p0 $0x0  }
0xc8: {  	s0 =	rddreg [dreg:$0x3];
	[sflag:s3] =	ssyncadd.s32 @p0 $0xFFFFC000  }
0xc9: {  	[tilespmem:s2], [sflag:$0x2] =	stream.linear.gather [hbm4b:s0+s2], $0x800, $0x38;
	[tilespmem:$0x4800] =	vst v63  }
0xca: {  	_ =	swait.ge [sflag:s3], $0x800  }
0xcb: {  	[sflag:s3] =	ssyncset.done $0x0;
	s10 =	rddreg [dreg:$0x5]  }
0xcc: {  	s0 =	rddreg [dreg:$0x6];
	[sflag:s3] =	ssyncadd.s32 $0xFFFFF800  }
0xcd: {  	[tilespmem:s4], [sflag:$0x1] =	stream.indirect.gather [hbm4b:s6+s7], $0x1, s2, s7, $0xb8;
	[tilespmem:$0x4800] =	vst v63  }
0xce: {  	s1 =	rddreg [dreg:$0x7]  }
0xcf: {  	[tilespmem:s10], [sflag:$0x1] =	stream.indirect.gather [hbm4b:s6+s7], $0x1, s7, s7, $0xb8;
	[tilespmem:$0x4800] =	vst v63  }
0xd0: {  	s8 =	rddreg [dreg:$0x9]  }
0xd1: {  	[tilespmem:s1], [sflag:$0x1] =	stream.indirect.gather [hbm4b:s6+s7], $0x1, s0, s7, $0xb8;
	[tilespmem:$0x4800] =	vst v63  }
0xd2: {  	s9 =	rddreg [dreg:$0x8]  }
0xd3: {  	[tilespmem:s8], [sflag:$0x1] =	stream.indirect.gather [hbm4b:s6+s7], $0x1, s9, s7, $0xb8;
	[tilespmem:$0x4800] =	vst v63  }
0xd4: {  	s10 =	simm.s32 $0x1800;
	s1 =	rddreg [dreg:$0xa]  }
0xd5: {  	[tilespmem:s10], [sflag:$0x1] =	stream.indirect.gather [hbm4b:s6+s7], $0x1, s1, s7, $0xb8;
	[tilespmem:$0x4800] =	vst v63  }
0xd6: {  	s9 =	simm.s32 $0x1C00;
	s10 =	simm.s32 $0x280  }
0xd7: {  	[tilespmem:s9], [sflag:$0x1] =	stream.indirect.gather [hbm4b:s6+s7], $0x1, s10, s7, $0xb8;
	[tilespmem:$0x4800] =	vst v63  }
0xd8: {  	_ = 	snop  }
0xd9: {  	[tilespmem:s12], [sflag:$0x1] =	stream.indirect.gather [hbm4b:s6+s7], $0x1, s11, s7, $0xb8;
	[tilespmem:$0x4800] =	vst v63  }
0xda: {  	_ = 	snop  }
0xdb: {  	[tilespmem:s14], [sflag:$0x1] =	stream.indirect.gather [hbm4b:s6+s7], $0x1, s13, s7, $0xb8;
	[tilespmem:$0x4800] =	vst v63  }
0xdc: {  	_ = 	snop  }
0xdd: {  	[tilespmem:s16], [sflag:$0x1] =	stream.indirect.gather [hbm4b:s6+s7], $0x1, s15, s7, $0xb8;
	[tilespmem:$0x4800] =	vst v63  }
0xde: {  	_ = 	snop  }
0xdf: {  	[tilespmem:s18], [sflag:$0x1] =	stream.indirect.gather [hbm4b:s6+s7], $0x1, s17, s7, $0xb8;
	[tilespmem:$0x4800] =	vst v63  }
0xe0: {  	_ = 	snop  }
0xe1: {  	[tilespmem:s20], [sflag:$0x1] =	stream.indirect.gather [hbm4b:s6+s7], $0x1, s19, s7, $0xb8;
	[tilespmem:$0x4800] =	vst v63  }
0xe2: {  	_ = 	snop  }
0xe3: {  	[tilespmem:s22], [sflag:$0x1] =	stream.indirect.gather [hbm4b:s6+s7], $0x1, s21, s7, $0xb8;
	[tilespmem:$0x4800] =	vst v63  }
0xe4: {  	_ = 	snop  }
0xe5: {  	[tilespmem:s24], [sflag:$0x1] =	stream.indirect.gather [hbm4b:s6+s7], $0x1, s23, s7, $0xb8;
	[tilespmem:$0x4800] =	vst v63  }
0xe6: {  	_ = 	snop  }
0xe7: {  	[tilespmem:s26], [sflag:$0x1] =	stream.indirect.gather [hbm4b:s6+s7], $0x1, s25, s7, $0xb8;
	[tilespmem:$0x4800] =	vst v63  }
0xe8: {  	_ = 	snop  }
0xe9: {  	[tilespmem:s29], [sflag:$0x1] =	stream.indirect.gather [hbm4b:s6+s7], $0x1, s28, s7, $0xb8;
	[tilespmem:$0x4800] =	vst v63  }
0xea: {  	_ = 	snop  }
0xeb: {  	[tilespmem:s31], [sflag:$0x1] =	stream.indirect.gather [hbm4b:s6+s7], $0x1, s30, s7, $0xb8;
	[tilespmem:$0x4800] =	vst v63  }
0xec: {  	_ =	swait.ge [sflag:s5], $0x80  }
0xed: {  	[sflag:s5] =	ssyncset.done $0x0  }
0xee: {  	[sflag:s5] =	ssyncadd.s32 $0xFFFFFF80  }
0xef: {  	_ =	swait.ge [sflag:s5], $0x80  }
0xf0: {  	[sflag:s5] =	ssyncset.done $0x0  }
0xf1: {  	[sflag:s5] =	ssyncadd.s32 $0xFFFFFF80  }
0xf2: {  	_ =	swait.ge [sflag:s5], $0x80  }
0xf3: {  	[sflag:s5] =	ssyncset.done $0x0  }
0xf4: {  	[sflag:s5] =	ssyncadd.s32 $0xFFFFFF80  }
0xf5: {  	_ =	swait.ge [sflag:s5], $0x80  }
0xf6: {  	[sflag:s5] =	ssyncset.done $0x0  }
0xf7: {  	[sflag:s5] =	ssyncadd.s32 $0xFFFFFF80  }
0xf8: {  	_ =	swait.ge [sflag:s5], $0x80  }
0xf9: {  	[sflag:s5] =	ssyncset.done $0x0  }
0xfa: {  	[sflag:s5] =	ssyncadd.s32 $0xFFFFFF80  }
0xfb: {  	_ =	swait.ge [sflag:s5], $0x80  }
0xfc: {  	[sflag:s5] =	ssyncset.done $0x0  }
0xfd: {  	[sflag:s5] =	ssyncadd.s32 $0xFFFFFF80  }
0xfe: {  	_ =	swait.ge [sflag:s5], $0x80  }
0xff: {  	[sflag:s5] =	ssyncset.done $0x0  }
0x100: {  	[sflag:s5] =	ssyncadd.s32 $0xFFFFFF80  }
0x101: {  	_ =	swait.ge [sflag:s5], $0x80  }
0x102: {  	[sflag:s5] =	ssyncset.done $0x0  }
0x103: {  	[sflag:s5] =	ssyncadd.s32 $0xFFFFFF80  }
0x104: {  	_ =	swait.ge [sflag:s5], $0x80  }
0x105: {  	[sflag:s5] =	ssyncset.done $0x0  }
0x106: {  	[sflag:s5] =	ssyncadd.s32 $0xFFFFFF80  }
0x107: {  	_ =	swait.ge [sflag:s5], $0x80  }
0x108: {  	[sflag:s5] =	ssyncset.done $0x0  }
0x109: {  	[sflag:s5] =	ssyncadd.s32 $0xFFFFFF80  }
0x10a: {  	_ =	swait.ge [sflag:s5], $0x80  }
0x10b: {  	[sflag:s5] =	ssyncset.done $0x0  }
0x10c: {  	[sflag:s5] =	ssyncadd.s32 $0xFFFFFF80  }
0x10d: {  	_ =	swait.ge [sflag:s5], $0x80  }
0x10e: {  	[sflag:s5] =	ssyncset.done $0x0  }
0x10f: {  	[sflag:s5] =	ssyncadd.s32 $0xFFFFFF80  }
0x110: {  	_ =	swait.ge [sflag:s5], $0x80  }
0x111: {  	[sflag:s5] =	ssyncset.done $0x0  }
0x112: {  	[sflag:s5] =	ssyncadd.s32 $0xFFFFFF80  }
0x113: {  	_ =	swait.ge [sflag:s5], $0x80  }
0x114: {  	[sflag:s5] =	ssyncset.done $0x0  }
0x115: {  	[sflag:s5] =	ssyncadd.s32 $0xFFFFFF80  }
0x116: {  	_ =	swait.ge [sflag:s5], $0x80  }
0x117: {  	[sflag:s5] =	ssyncset.done $0x0  }
0x118: {  	[sflag:s5] =	ssyncadd.s32 $0xFFFFFF80  }
0x119: {  	_ =	swait.ge [sflag:s5], $0x80  }
0x11a: {  	[sflag:s5] =	ssyncset.done $0x0  }
0x11b: {  	s30 =	rddreg [dreg:$0x4];
	[sflag:s5] =	ssyncadd.s32 $0xFFFFFF80  }
0x11c: {  	[hbm4b:s30+s2] =	stream.linear.scatter [tilespmem:s4], [sflag:$0x2], $0x4000, $0x38;
	[tilespmem:$0x4800] =	vst v63  }
0x11d: {  	_ =	swait.ge [sflag:s3], $0x4000  }
0x11e: {  	[sflag:s3] =	ssyncset.done $0x0  }
0x11f: {  	[sflag:s3] =	ssyncadd.s32 $0xFFFFC000  }
0x120: {  	_ =	sfence.sel $0x180000  }
0x121: {  	[bflag:$0x0] =	sbarrier.arrive $0xFFFF  }
0x122: {  	_ =	strace $0x9000004D  }
0x123: {  	s31 =	stileid.u32;
	[bflag:$0x2] =	sbarrier.arrive $0xFFFF  }
0x124: {  	p0 =	sne.s32 s31, $0x0;
	s0 =	rddreg [dreg:$0x2]  }
0x125: {  	s0 =	sadd.s32 @!p0 $0x100000, s0  }
0x126: {  	[sflag:s0] =	ssyncadd.tile.s32 @!p0 $0x1;
	_ =	shalt  }
.Lfunc_end2:
_tile_overlayer_lowered:
.L_overlay_start_2:
0x127: {  	(tag) =	ssettag $0x2  }
0x128: {  	s0 =	rddreg [dreg:$0x0];
	s2 =	stileid.u32  }
0x129: {  	s1 =	rddreg [dreg:$0x1];
	p0 =	sne.s32 s2, $0x0  }
0x12a: {  	s3 =	rddreg [dreg:$0x2];
	[bflag:$0x3] =	sbarrier.arrive $0xFFFF;
	s2 =	simm.s32 @!p0 $0x1C02  }
0x12b: {  	[timem:s3], [sflag:s2] =	dma.local @!p0 [hbm:s0], s1  }
0x12c: {  	s0 =	simm.s32 @!p0 $0x2  }
0x12d: {  	_ =	swait.ge @!p0 [sflag:s0], s1  }
0x12e: {  	s1 =	ssub.s32 @!p0 $0x0, s1;
	[sflag:s0] =	ssyncset.done @!p0 $0x0  }
0x12f: {  	[sflag:s0] =	ssyncadd.s32 @!p0 s1  }
0x130: {  	[bflag:$0x3] =	sbarrier.arrive $0xFFFF  }
0x131: {  	_ =	shalt  }

// kernel: sparse-core-data-format-call.1.cloned.1.call-start
scs
called_computation.1_lowered:
.L_overlay_start_0:
0x0: {  	s1 =	sld [smem:$0x3FD9]  }
0x1: {  	s2 =	sld [smem:$0x3FFE];
	_ =	sdelay $0x1  }
0x2: {  	s3 =	srdreg.scid  }
0x3: {  	s0 =	sand.u32 $0x1, s3  }
0x4: {  	s17 =	sshll.u32 s0, $0xA;
	s1 =	sadd.s32 s2, s1  }
0x5: {  	s1 =	sadd.s32 s1, s17  }
0x6: {  	[smem:$0x3FC5] =	sst s1  }
0x7: {  	_ = 	snop  }
0x8: {  	(tm) =	ssettm $0x1  }
0x9: {  	s18 =	sld [smem:$0x3FFB];
	_ =	sdelay $0x3  }
0xa: {  	_ =	strace s18  }
0xb: {  	s1 =	sld [smem:$0x3FFC];
	_ =	sdelay $0x3  }
0xc: {  	_ =	strace s1  }
0xd: {  	s1 =	sld [smem:$0x3FFD];
	_ =	sdelay $0x3  }
0xe: {  	_ =	strace s1  }
0xf: {  	_ =	strace $0x8FFFFFFF  }
0x10: {  	s19 =	sld [smem:$0x3FDB];
	_ =	sdelay $0x1  }
0x11: {  	s20 =	simm.s32 $_scs_section_size  }
0x12: {  	s4 =	simm.s32 $_size__tile_overlayer_lowered;
	s5 =	simm.s32 $_tile_overlayer_lowered  }
0x13: {  	s23 =	simm.s32 $0x1BFF;
	s22 =	sshll.u32 s5, $0x1;
	s1 =	sadd.s32 s20, s19  }
0x14: {  	s6 =	simm.s32 $0x0;
	s21 =	sshll.u32 s4, $0x1;
	s4 =	sadd.s32 s22, s1  }
0x15: {  	[timem:s6], [sflag:s23] =	dma.local [hbm:s4], s21  }
0x16: {  	_ =	swait.ge [sflag:s23], s21  }
0x17: {  	s2 =	ssub.s32 $0x0, s21;
	[sflag:s23] =	ssyncset.done $0x0  }
0x18: {  	[sflag:s23] =	ssyncadd.s32 s2;
	_ =	sdelay $0x1  }
0x19: {  	s24 =	simm.s32 $0x1B8B  }
0x1a: {  	_ =	swait.ge [sflag:s24], $0x1  }
0x1b: {  	[sflag:s24] =	ssyncset.done $0x0  }
0x1c: {  	s26 =	simm.s32 $0x1B8E;
	s25 =	sld [smem:$0x3FFE];
	[sflag:s24] =	ssyncadd.s32 $0xFFFFFFFF  }
0x1d: {  	s27 =	simm.s32 $execute0_lowered;
	[smem:$0x3FD2] =	sst s26  }
0x1e: {  	s4 =	sshll.u32 s27, $0x1;
	_ =	strace $0x80000046;
	[dreg:$0x1] =	wrdreg $0xFFFFFFFF  }
0x1f: {  	s28 =	simm.s32 $_size_execute0_lowered;
	s1 =	sadd.s32 s1, s4;
	[dreg:$0x0] =	wrdreg $0x0  }
0x20: {  	s4 =	sshll.u32 s28, $0x1;
	[dreg:$0x2] =	wrdreg s1  }
0x21: {  	[dreg:$0x3] =	wrdreg s4  }
0x22: {  	[dreg:$0x4] =	wrdreg $0xC0  }
0x23: {  	_ =	task [dreg:s6], $0x5FFFF  }
0x24: {  	[dreg:$0x1] =	wrdreg $0xFFFFFFFF  }
0x25: {  	[dreg:$0x0] =	wrdreg $0x60  }
0x26: {  	[dreg:$0x2] =	wrdreg s25  }
0x27: {  	[dreg:$0x3] =	wrdreg $0x9  }
0x28: {  	_ =	task.clear_ibuf [dreg:s6], $0x4FFFF;
	_ =	strace $0x90000046  }
0x29: {  	s29 =	simm.s32 $0x9;
	_ =	strace $0x80000048  }
0x2a: {  	_ =	swait.ge [sflag:s29], $0x1  }
0x2b: {  	[sflag:s29] =	ssyncadd.s32 $0xFFFFFFFF  }
0x2c: {  	_ =	strace $0x90000048  }
0x2d: {  	_ =	sfence  }
0x2e: {  	s30 =	sld [smem:$0x0];
	_ =	sdelay $0x2  }
0x2f: {  	s31 =	sshll.u32 s3, $0xD;
	s3 =	sshrl.u32 s3, $0x2  }
0x30: {  	s2 =	sand.u32 $0x4000, s31;
	s1 =	sadd.s32 s3, s30  }
0x31: {  	s0 =	sor.u32 s2, s0;
	s1 =	sshll.u32 s1, $0x11  }
0x32: {  	s0 =	sor.u32 s1, s0  }
0x33: {  	s0 =	sadd.s32 $0x8F2B, s0  }
0x34: {  	[sflag:s0] =	ssyncadd.remote.s32 $0x1  }
0x35: {  	_ =	sfence.sel $0xFFFF  }
0x36: {  	[dreg:$0x0] =	wrdreg $0xFFFFFFFF;
	(pc) =	sbr.abs _section_cstart, $3  }
0x37: {  	[dreg:$0x1] =	wrdreg $0xFFFFFFFF  }
0x38: {  	_ =	task.clear_ibuf [dreg:s6], $0x2FFFF;
	_ =	strace $0x9FFFFFFF  }
0x39: {  	(tm) =	ssettm $0x7FFFFFFF  }
tec
execute0_lowered:
.L_overlay_start_1:
0x0: {  	(tag) =	ssettag $0x1  }
0x1: {  	s0 =	srdreg.scid  }
0x2: {  	s1 =	sshll.u32 s0, $0x4  }
0x3: {  	s0 =	stileid.u32;
	s1 =	sand.u32 $0x10, s1  }
0x4: {  	s1 =	sor.u32 s0, s1  }
0x5: {  	s6 =	rddreg [dreg:$0x0];
	s7 =	simm.s32 $0x2;
	s2 =	sshll.u32 s1, $0x3  }
0x6: {  	s13 =	simm.s32 $0x0;
	s8 =	simm.s32 $0x18800;
	s1 =	ssub.s32 $0x100, s2  }
0x7: {  	s9 =	simm.s32 $0x0;
	s14 =	simm.s32 $0x0;
	s3 =	sand.u32 $0xF8, s1  }
0x8: {  	s10 =	simm.s32 $0x0;
	p0 =	sne.s32 s3, $0x0;
	s3 =	simm.s32 $0x1  }
.Ltmp0:
0x9: {  	s4 =	sshrl.u32 s1, $0x8;
	s3 =	simm.s32 @!p0 $0x0;
	(pc) =	sbr.rel .LBB1_1-.Ltmp0, $4  }
0xa: {  	s12 =	simm.s32 $0x0;
	s1 =	rddreg [dreg:$0x1];
	s4 =	sadd.s32 s3, s4  }
0xb: {  	_ =	strace $0x80000047;
	s3 =	simm.s32 $0x1;
	s4 =	smul.u32 $0x31, s4  }
0xc: {  	s5 =	sadd.s32 $0x2000, s6;
	s6 =	sadd.s32 $0x343000, s6;
	[sflag:s3] =	ssyncpa.u1 $0x0  }
0xd: {  	s11 =	smov.u32 s2;
	[sflag:s7] =	ssyncpa.u1 $0x0;
	s7 =	sadd.s32 $0x1, s4  }
.LBB1_7:
0xe: {  	s15 =	sadd.s32 $0x800, s10  }
0xf: {  	s13 =	sadd.s32 $0x100, s11;
	s17 =	smov.u32 s11;
	p1 =	sgt.s32 s15, $0x187FF  }
0x10: {  	s17 =	smov.u32 @p1 s13  }
0x11: {  	s15 =	simm.s32 @p1 $0x0;
	p1 =	sgt.s32 s17, $0xFF  }
0x12: {  	s17 =	smov.u32 @p1 s2;
	p1 =	sne.s32 s12, s7  }
.Ltmp1:
0x13: {  	p0 =	slt.u32 s12, $0x2;
	(pc) =	sbr.rel @!p1 .LBB1_8-.Ltmp1, $4  }
0x14: {  	s16 =	simm.s32 @!p0 $0x2  }
0x15: {  	s14 =	smov.u32 s11;
	s9 =	sadd.s32 $0x4000, s9;
	_ =	swait.ge @!p0 [sflag:s16], $0x4000  }
0x16: {  	s13 =	smov.u32 s10;
	[sflag:s16] =	ssyncset.done @!p0 $0x0;
	s10 =	smov.u32 s15  }
0x17: {  	s12 =	sadd.s32 $0x1, s12;
	[sflag:s16] =	ssyncadd.s32 @!p0 $0xFFFFC000;
	s11 =	smov.u32 s17  }
.LBB1_1:
0x18: {  	p0 =	sge.u32 s12, s4  }
0x19: {  	s15 =	sshrl.u32 @!p0 s11, $0x3  }
0x1a: {  	s16 =	sshll.u32 @!p0 s10, $0x3;
	s17 =	sshll.u32 @!p0 s11, $0x7;
	s15 =	smul.u32 @!p0 $0xC4000, s15  }
0x1b: {  	s18 =	sand.u32 @!p0 $0x7F, s10;
	s16 =	sand.u32 @!p0 $0xFFFFFC00, s16;
	s17 =	sand.u32 @!p0 $0x380, s17  }
0x1c: {  	s15 =	sadd.s32 @!p0 s15, s16;
	s16 =	sor.u32 @!p0 s18, s17  }
0x1d: {  	s16 =	sor.u32 @!p0 s15, s16  }
0x1e: {  	s17 =	smulhi.u32 @!p0 $0x5397829D, s16;
	_ =	sdelay $0x1  }
0x1f: {  	s15 =	smulhi.u32 @!p0 $0x5397829D, s15;
	s17 =	sshrl.u32 @!p0 s17, $0xF  }
0x20: {  	s17 =	smul.u32 @!p0 $0x18800, s17  }
0x21: {  	s15 =	sshrl.u32 @!p0 s15, $0xF  }
0x22: {  	s15 =	sand.u32 @!p0 $0xFF, s15;
	s16 =	ssub.s32 @!p0 s16, s17  }
0x23: {  	s15 =	smul.u32 @!p0 $0x3100, s15;
	s17 =	sxor.u32 @!p0 $0xFFFFFFFF, s12;
	s18 =	sshrl.u32 @!p0 s16, $0x3  }
0x24: {  	s31 =	sadd.s32 $0xFFFFFFFF, s12;
	s17 =	sshll.u32 @!p0 s17, $0xE;
	s18 =	sadd.s32 @!p0 s5, s18  }
0x25: {  	s16 =	sand.u32 @!p0 $0x7, s16;
	s17 =	sand.u32 @!p0 $0x4000, s17;
	s15 =	sadd.s32 @!p0 s15, s18  }
0x26: {  	[tilespmem:s17], [sflag:$0x1] =	stream.linear.gather @!p0 [hbm4b:s15+s16], $0x4000, $0x38;
	[tilespmem:$0x10000] =	vst v63  }
0x27: {  	p0 =	sge.u32 s31, s4  }
.Ltmp2:
0x28: {  	_ = 	snop;
	(pc) =	sbr.rel @p0 .LBB1_7-.Ltmp2, $1  }
0x29: {  	_ =	sdelay $0x3  }
0x2a: {  	s15 =	sand.u32 $0x4000, s9  }
0x2b: {  	_ =	swait.ge [sflag:s3], $0x4000;
	s18 =	sshll.u32 s12, $0xE;
	s16 =	sor.u32 $0x8100, s15  }
0x2c: {  	s17 =	sor.u32 $0x800, s15;
	[sflag:s3] =	ssyncset.done $0x0;
	s31 =	sand.u32 $0x4000, s18  }
0x2d: {  	s18 =	simm.s32 $0x0;
	[sflag:s3] =	ssyncadd.s32 $0xFFFFC000;
	s15 =	sor.u32 $0x8000, s31  }
.LBB1_3:
0x2e: {  	v0 =	vld [tilespmem:s17+$0x470]  }
0x2f: {  	v1 =	vld [tilespmem:s17+$0xFFFFF810]  }
0x30: {  	v2 =	vld [tilespmem:s17+$0xFFFFF820]  }
0x31: {  	v3 =	vld [tilespmem:s17+$0xFFFFF830]  }
0x32: {  	v4 =	vld [tilespmem:s17+$0xFFFFF840]  }
0x33: {  	v5 =	vld [tilespmem:s17+$0xFFFFF850];
	[tilespmem:s16+$0xF0] =	vst v0  }
0x34: {  	[tilespmem:s16+$0xFFFFFF10] =	vst v1;
	v0 =	vld [tilespmem:s17+$0xFFFFF860]  }
0x35: {  	[tilespmem:s16+$0xFFFFFF20] =	vst v2;
	v1 =	vld [tilespmem:s17+$0xFFFFF870]  }
0x36: {  	[tilespmem:s16+$0xFFFFFF30] =	vst v3;
	v2 =	vld [tilespmem:s17+$0xFFFFFC00]  }
0x37: {  	[tilespmem:s16+$0xFFFFFF40] =	vst v4;
	v3 =	vld [tilespmem:s17+$0xFFFFFC10]  }
0x38: {  	[tilespmem:s16+$0xFFFFFF50] =	vst v5;
	v4 =	vld [tilespmem:s17+$0xFFFFFC20]  }
0x39: {  	v5 =	vld [tilespmem:s17+$0x420];
	[tilespmem:s16+$0xFFFFFF60] =	vst v0  }
0x3a: {  	v0 =	vld [tilespmem:s17+$0xFFFFFC30];
	[tilespmem:s16+$0xFFFFFF70] =	vst v1  }
0x3b: {  	v1 =	vld [tilespmem:s17+$0xFFFFFC40];
	[tilespmem:s16+$0xFFFFFF80] =	vst v2  }
0x3c: {  	[tilespmem:s16+$0xFFFFFF90] =	vst v3;
	v3 =	vld [tilespmem:s17+$0xFFFFFC60]  }
0x3d: {  	[tilespmem:s16+$0xFFFFFFA0] =	vst v4;
	v4 =	vld [tilespmem:s17+$0xFFFFFC70]  }
0x3e: {  	v2 =	vld [tilespmem:s17+$0xFFFFFC50];
	[tilespmem:s16+$0xA0] =	vst v5  }
0x3f: {  	[tilespmem:s16+$0xFFFFFFB0] =	vst v0;
	v0 =	vld [tilespmem:s17+$0x0]  }
0x40: {  	[tilespmem:s16+$0xFFFFFFC0] =	vst v1;
	v1 =	vld [tilespmem:s17+$0x10]  }
0x41: {  	[tilespmem:s16+$0xFFFFFFE0] =	vst v3;
	v3 =	vld [tilespmem:s17+$0x30]  }
0x42: {  	[tilespmem:s16+$0xFFFFFFF0] =	vst v4;
	v4 =	vld [tilespmem:s17+$0x40]  }
0x43: {  	[tilespmem:s16+$0xFFFFFFD0] =	vst v2;
	v2 =	vld [tilespmem:s17+$0x20]  }
0x44: {  	[tilespmem:s16+$0x0] =	vst v0;
	v0 =	vld [tilespmem:s17+$0x50]  }
0x45: {  	[tilespmem:s16+$0x10] =	vst v1;
	v1 =	vld [tilespmem:s17+$0x60]  }
0x46: {  	[tilespmem:s16+$0x30] =	vst v3;
	v3 =	vld [tilespmem:s17+$0x400]  }
0x47: {  	[tilespmem:s16+$0x40] =	vst v4;
	v4 =	vld [tilespmem:s17+$0x410]  }
0x48: {  	[tilespmem:s16+$0x20] =	vst v2;
	v2 =	vld [tilespmem:s17+$0x70]  }
0x49: {  	[tilespmem:s16+$0x50] =	vst v0;
	v0 =	vld [tilespmem:s17+$0x430]  }
0x4a: {  	[tilespmem:s16+$0x60] =	vst v1;
	v1 =	vld [tilespmem:s17+$0x440]  }
0x4b: {  	[tilespmem:s16+$0x80] =	vst v3;
	v3 =	vld [tilespmem:s17+$0x450]  }
0x4c: {  	[tilespmem:s16+$0x90] =	vst v4;
	v4 =	vld [tilespmem:s17+$0x460]  }
0x4d: {  	s20 =	simm.s32 $0x0;
	s21 =	sadd.s32 $0x1000, s17;
	s19 =	smov.u32 s16;
	[tilespmem:s16+$0x70] =	vst v2;
	v2 =	vld [tilespmem:s17+$0xFFFFF800]  }
.LBB1_4:
0x4e: {  	v5 =	vld [tilespmem:s21+$0x470];
	s20 =	sadd.s32 $0x200, s20;
	[tilespmem:s19+$0xB0] =	vst v0  }
0x4f: {  	v0 =	vld [tilespmem:s21+$0xFFFFF810];
	p0 =	slt.u32 s20, $0x600;
	[tilespmem:s19+$0xC0] =	vst v1  }
0x50: {  	v1 =	vld [tilespmem:s21+$0xFFFFF820];
	[tilespmem:s19+$0xD0] =	vst v3  }
0x51: {  	v3 =	vld [tilespmem:s21+$0xFFFFF830];
	[tilespmem:s19+$0xE0] =	vst v4  }
0x52: {  	v4 =	vld [tilespmem:s21+$0xFFFFF840];
	[tilespmem:s19+$0xFFFFFF00] =	vst v2;
	s19 =	sadd.s32 $0x200, s19  }
0x53: {  	v2 =	vld [tilespmem:s21+$0xFFFFF850];
	[tilespmem:s19+$0xF0] =	vst v5  }
0x54: {  	[tilespmem:s19+$0xFFFFFF10] =	vst v0;
	v0 =	vld [tilespmem:s21+$0xFFFFF860]  }
0x55: {  	[tilespmem:s19+$0xFFFFFF20] =	vst v1;
	v1 =	vld [tilespmem:s21+$0xFFFFF870]  }
0x56: {  	[tilespmem:s19+$0xFFFFFF30] =	vst v3;
	v3 =	vld [tilespmem:s21+$0xFFFFFC00]  }
0x57: {  	[tilespmem:s19+$0xFFFFFF40] =	vst v4;
	v4 =	vld [tilespmem:s21+$0xFFFFFC10]  }
0x58: {  	[tilespmem:s19+$0xFFFFFF50] =	vst v2;
	v2 =	vld [tilespmem:s21+$0xFFFFFC20]  }
0x59: {  	[tilespmem:s19+$0xFFFFFF60] =	vst v0;
	v0 =	vld [tilespmem:s21+$0xFFFFFC30]  }
0x5a: {  	[tilespmem:s19+$0xFFFFFF70] =	vst v1;
	v1 =	vld [tilespmem:s21+$0xFFFFFC40]  }
0x5b: {  	[tilespmem:s19+$0xFFFFFF80] =	vst v3;
	v3 =	vld [tilespmem:s21+$0xFFFFFC50]  }
0x5c: {  	[tilespmem:s19+$0xFFFFFF90] =	vst v4;
	v4 =	vld [tilespmem:s21+$0xFFFFFC60]  }
0x5d: {  	[tilespmem:s19+$0xFFFFFFA0] =	vst v2;
	v2 =	vld [tilespmem:s21+$0xFFFFFC70]  }
0x5e: {  	[tilespmem:s19+$0xFFFFFFB0] =	vst v0;
	v0 =	vld [tilespmem:s21+$0x0]  }
0x5f: {  	[tilespmem:s19+$0xFFFFFFC0] =	vst v1;
	v1 =	vld [tilespmem:s21+$0x10]  }
0x60: {  	[tilespmem:s19+$0xFFFFFFD0] =	vst v3;
	v3 =	vld [tilespmem:s21+$0x20]  }
0x61: {  	[tilespmem:s19+$0xFFFFFFE0] =	vst v4;
	v4 =	vld [tilespmem:s21+$0x30]  }
0x62: {  	[tilespmem:s19+$0xFFFFFFF0] =	vst v2;
	v2 =	vld [tilespmem:s21+$0x40]  }
0x63: {  	[tilespmem:s19+$0x0] =	vst v0;
	v0 =	vld [tilespmem:s21+$0x50]  }
0x64: {  	[tilespmem:s19+$0x10] =	vst v1;
	v1 =	vld [tilespmem:s21+$0x60]  }
0x65: {  	[tilespmem:s19+$0x20] =	vst v3;
	v3 =	vld [tilespmem:s21+$0x70]  }
0x66: {  	[tilespmem:s19+$0x30] =	vst v4;
	v4 =	vld [tilespmem:s21+$0x400]  }
0x67: {  	[tilespmem:s19+$0x40] =	vst v2;
	v2 =	vld [tilespmem:s21+$0x410]  }
0x68: {  	[tilespmem:s19+$0x50] =	vst v0;
	v5 =	vld [tilespmem:s21+$0x420]  }
.Ltmp3:
0x69: {  	[tilespmem:s19+$0x60] =	vst v1;
	v0 =	vld [tilespmem:s21+$0x430];
	(pc) =	sbr.rel @p0 .LBB1_4-.Ltmp3, $4  }
0x6a: {  	[tilespmem:s19+$0x70] =	vst v3;
	v1 =	vld [tilespmem:s21+$0x440]  }
0x6b: {  	[tilespmem:s19+$0x80] =	vst v4;
	v3 =	vld [tilespmem:s21+$0x450]  }
0x6c: {  	[tilespmem:s19+$0x90] =	vst v2;
	v4 =	vld [tilespmem:s21+$0x460]  }
0x6d: {  	v2 =	vld [tilespmem:s21+$0xFFFFF800];
	[tilespmem:s19+$0xA0] =	vst v5;
	s21 =	sadd.s32 $0x1000, s21  }
0x6e: {  	s18 =	sadd.s32 $0x1, s18  }
0x6f: {  	p0 =	sne.s32 s18, $0x8  }
.Ltmp4:
0x70: {  	[tilespmem:s19+$0xB0] =	vst v0;
	(pc) =	sbr.rel @p0 .LBB1_3-.Ltmp4, $4  }
0x71: {  	[tilespmem:s19+$0xC0] =	vst v1  }
0x72: {  	[tilespmem:s19+$0xD0] =	vst v3  }
0x73: {  	[tilespmem:s19+$0xE0] =	vst v4  }
0x74: {  	s16 =	sadd.s32 $0x800, s16;
	s17 =	sadd.s32 $0x80, s17;
	[tilespmem:s19+$0xFFFFFF00] =	vst v2  }
0x75: {  	s16 =	smulhi.u32 $0x5397829D, s13;
	_ =	sdelay $0x1  }
0x76: {  	s16 =	sshrl.u32 s16, $0xF  }
0x77: {  	s16 =	smul.u32 $0x18800, s16  }
0x78: {  	s14 =	smul.u32 $0x3100, s14  }
.Ltmp5:
0x79: {  	s30 =	ssub.s32 s13, s16;
	(pc) =	sbr.rel .LBB1_7-.Ltmp5, $4  }
0x7a: {  	s16 =	sand.u32 $0x7, s30  }
0x7b: {  	s14 =	sadd.s32 s6, s14;
	s13 =	sshrl.u32 s30, $0x3;
	s16 =	sshll.u32 s16, $0x12  }
0x7c: {  	s13 =	sadd.s32 s13, s14;
	s31 =	sor.u32 $0x800, s16  }
0x7d: {  	[hbm4b:s13+s31] =	stream.strided.scatter [tilespmem:s15], [sflag:$0x2], $0x4000, s8, s31, $0x38;
	[tilespmem:$0x10000] =	vst v63  }
.LBB1_8:
0x7e: {  	_ =	sfence.sel $0x180000  }
0x7f: {  	s2 =	simm.s32 $0x1;
	[bflag:$0x0] =	sbarrier.arrive $0xFFFF  }
0x80: {  	s31 =	simm.s32 $0x2;
	[sflag:s2] =	ssyncpa.u1 $0x1  }
0x81: {  	[sflag:s31] =	ssyncpa.u1 $0x1  }
0x82: {  	p0 =	sne.s32 s0, $0x0;
	_ =	strace $0x90000047  }
0x83: {  	s0 =	sadd.s32 @!p0 $0x100000, s1;
	[bflag:$0x2] =	sbarrier.arrive $0xFFFF  }
0x84: {  	[sflag:s0] =	ssyncadd.tile.s32 @!p0 $0x1;
	_ =	shalt  }
.Lfunc_end1:
_tile_overlayer_lowered:
.L_overlay_start_2:
0x85: {  	(tag) =	ssettag $0x2  }
0x86: {  	s0 =	rddreg [dreg:$0x0];
	s2 =	stileid.u32  }
0x87: {  	s1 =	rddreg [dreg:$0x1];
	p0 =	sne.s32 s2, $0x0  }
0x88: {  	s3 =	rddreg [dreg:$0x2];
	[bflag:$0x3] =	sbarrier.arrive $0xFFFF;
	s2 =	simm.s32 @!p0 $0x1C01  }
0x89: {  	[timem:s3], [sflag:s2] =	dma.local @!p0 [hbm:s0], s1  }
0x8a: {  	s0 =	simm.s32 @!p0 $0x1  }
0x8b: {  	_ =	swait.ge @!p0 [sflag:s0], s1  }
0x8c: {  	s1 =	ssub.s32 @!p0 $0x0, s1;
	[sflag:s0] =	ssyncset.done @!p0 $0x0  }
0x8d: {  	[sflag:s0] =	ssyncadd.s32 @!p0 s1  }
0x8e: {  	[bflag:$0x3] =	sbarrier.arrive $0xFFFF  }
0x8f: {  	_ =	shalt  }

// kernel: sparse-core-data-format-call.cloned.1.call-start
scs
called_computation_lowered:
.L_overlay_start_0:
0x0: {  	s1 =	sld [smem:$0x3FD9]  }
0x1: {  	s2 =	sld [smem:$0x3FFE];
	_ =	sdelay $0x1  }
0x2: {  	s3 =	srdreg.scid  }
0x3: {  	s0 =	sand.u32 $0x1, s3  }
0x4: {  	s17 =	sshll.u32 s0, $0xA;
	s1 =	sadd.s32 s2, s1  }
0x5: {  	s1 =	sadd.s32 s1, s17  }
0x6: {  	[smem:$0x3FC5] =	sst s1  }
0x7: {  	_ = 	snop  }
0x8: {  	(tm) =	ssettm $0x1  }
0x9: {  	s18 =	sld [smem:$0x3FFB];
	_ =	sdelay $0x3  }
0xa: {  	_ =	strace s18  }
0xb: {  	s1 =	sld [smem:$0x3FFC];
	_ =	sdelay $0x3  }
0xc: {  	_ =	strace s1  }
0xd: {  	s1 =	sld [smem:$0x3FFD];
	_ =	sdelay $0x3  }
0xe: {  	_ =	strace s1  }
0xf: {  	_ =	strace $0x8FFFFFFF  }
0x10: {  	s19 =	sld [smem:$0x3FDB];
	_ =	sdelay $0x1  }
0x11: {  	s20 =	simm.s32 $_scs_section_size  }
0x12: {  	s4 =	simm.s32 $_size__tile_overlayer_lowered;
	s5 =	simm.s32 $_tile_overlayer_lowered  }
0x13: {  	s23 =	simm.s32 $0x1BFF;
	s22 =	sshll.u32 s5, $0x1;
	s1 =	sadd.s32 s20, s19  }
0x14: {  	s6 =	simm.s32 $0x0;
	s21 =	sshll.u32 s4, $0x1;
	s4 =	sadd.s32 s22, s1  }
0x15: {  	[timem:s6], [sflag:s23] =	dma.local [hbm:s4], s21  }
0x16: {  	_ =	swait.ge [sflag:s23], s21  }
0x17: {  	s2 =	ssub.s32 $0x0, s21;
	[sflag:s23] =	ssyncset.done $0x0  }
0x18: {  	[sflag:s23] =	ssyncadd.s32 s2;
	_ =	sdelay $0x1  }
0x19: {  	s24 =	simm.s32 $0x1B8B  }
0x1a: {  	_ =	swait.ge [sflag:s24], $0x1  }
0x1b: {  	[sflag:s24] =	ssyncset.done $0x0  }
0x1c: {  	s26 =	simm.s32 $0x1B8E;
	s25 =	sld [smem:$0x3FFE];
	[sflag:s24] =	ssyncadd.s32 $0xFFFFFFFF  }
0x1d: {  	s27 =	simm.s32 $execute0_lowered;
	[smem:$0x3FD2] =	sst s26  }
0x1e: {  	s4 =	sshll.u32 s27, $0x1;
	_ =	strace $0x80000049;
	[dreg:$0x1] =	wrdreg $0xFFFFFFFF  }
0x1f: {  	s28 =	simm.s32 $_size_execute0_lowered;
	s1 =	sadd.s32 s1, s4;
	[dreg:$0x0] =	wrdreg $0x0  }
0x20: {  	s4 =	sshll.u32 s28, $0x1;
	[dreg:$0x2] =	wrdreg s1  }
0x21: {  	[dreg:$0x3] =	wrdreg s4  }
0x22: {  	[dreg:$0x4] =	wrdreg $0xC0  }
0x23: {  	_ =	task [dreg:s6], $0x5FFFF  }
0x24: {  	[dreg:$0x1] =	wrdreg $0xFFFFFFFF  }
0x25: {  	[dreg:$0x0] =	wrdreg $0x60  }
0x26: {  	[dreg:$0x2] =	wrdreg s25  }
0x27: {  	[dreg:$0x3] =	wrdreg $0x9  }
0x28: {  	_ =	task.clear_ibuf [dreg:s6], $0x4FFFF;
	_ =	strace $0x90000049  }
0x29: {  	s29 =	simm.s32 $0x9;
	_ =	strace $0x8000004B  }
0x2a: {  	_ =	swait.ge [sflag:s29], $0x1  }
0x2b: {  	[sflag:s29] =	ssyncadd.s32 $0xFFFFFFFF  }
0x2c: {  	_ =	strace $0x9000004B  }
0x2d: {  	_ =	sfence  }
0x2e: {  	s30 =	sld [smem:$0x0];
	_ =	sdelay $0x2  }
0x2f: {  	s31 =	sshll.u32 s3, $0xD;
	s3 =	sshrl.u32 s3, $0x2  }
0x30: {  	s2 =	sand.u32 $0x4000, s31;
	s1 =	sadd.s32 s3, s30  }
0x31: {  	s0 =	sor.u32 s2, s0;
	s1 =	sshll.u32 s1, $0x11  }
0x32: {  	s0 =	sor.u32 s1, s0  }
0x33: {  	s0 =	sadd.s32 $0x8F2B, s0  }
0x34: {  	[sflag:s0] =	ssyncadd.remote.s32 $0x1  }
0x35: {  	_ =	sfence.sel $0xFFFF  }
0x36: {  	[dreg:$0x0] =	wrdreg $0xFFFFFFFF;
	(pc) =	sbr.abs _section_cstart, $3  }
0x37: {  	[dreg:$0x1] =	wrdreg $0xFFFFFFFF  }
0x38: {  	_ =	task.clear_ibuf [dreg:s6], $0x2FFFF;
	_ =	strace $0x9FFFFFFF  }
0x39: {  	(tm) =	ssettm $0x7FFFFFFF  }
tec
execute0_lowered:
.L_overlay_start_1:
0x0: {  	(tag) =	ssettag $0x1  }
0x1: {  	s0 =	srdreg.scid  }
0x2: {  	s1 =	sshll.u32 s0, $0x4  }
0x3: {  	s4 =	rddreg [dreg:$0x0];
	s0 =	stileid.u32;
	s1 =	sand.u32 $0x10, s1  }
0x4: {  	s7 =	simm.s32 $0x1;
	s8 =	simm.s32 $0x2;
	s1 =	sor.u32 s0, s1  }
0x5: {  	s11 =	simm.s32 $0x0;
	s10 =	simm.s32 $0x0;
	s2 =	sshll.u32 s1, $0xD  }
0x6: {  	s3 =	sadd.s32 $0x343000, s4;
	s4 =	sadd.s32 $0x653000, s4;
	s6 =	ssub.s32 $0x1880000, s2  }
.Ltmp0:
0x7: {  	s1 =	rddreg [dreg:$0x1];
	s5 =	sand.u32 $0x3E000, s6;
	(pc) =	sbr.rel .LBB1_1-.Ltmp0, $4  }
0x8: {  	_ =	strace $0x8000004A;
	s9 =	smov.u32 s2;
	p0 =	sne.s32 s5, $0x0  }
0x9: {  	s6 =	sshrl.u32 s6, $0x12;
	s5 =	simm.s32 $0x1;
	s7 =	simm.s32 @!p0 $0x0  }
0xa: {  	[sflag:s5] =	ssyncpa.u1 $0x0;
	p0 =	por $0x0, $0x0;
	s6 =	sadd.s32 s7, s6  }
0xb: {  	[sflag:s8] =	ssyncpa.u1 $0x0;
	s8 =	simm.s32 $0x80;
	s7 =	sadd.s32 $0x1, s6  }
.LBB1_4:
0xc: {  	[tilespmem:s12+$0xB0] =	vst v1;
	s11 =	sand.u32 $0x1FFFFFF, s11  }
0xd: {  	[tilespmem:s12+$0xC0] =	vst v0;
	s14 =	sshll.u32 s11, $0x4  }
0xe: {  	[tilespmem:s12+$0xD0] =	vst v2;
	p1 =	slt.u32 s11, $0x1880000;
	s11 =	sadd.s32 $0xE7800000, s14  }
0xf: {  	[tilespmem:s12+$0xE0] =	vst v3;
	s11 =	smov.u32 @p1 s14  }
0x10: {  	[tilespmem:s12+$0xFFFFFF00] =	vst v4;
	s11 =	sadd.s32 s4, s11  }
0x11: {  	[hbm4b:s11+s5] =	stream.strided.scatter [tilespmem:s13], [sflag:$0x2], $0x2000, s8, s5, $0x38;
	[tilespmem:$0x8000] =	vst v63  }
.LBB1_5:
0x12: {  	s13 =	sadd.s32 $0x40000, s9  }
0x13: {  	p2 =	sgt.s32 s13, $0x187FFFF  }
0x14: {  	s13 =	smov.u32 @p2 s2;
	p2 =	sne.s32 s10, s7  }
.Ltmp1:
0x15: {  	p1 =	slt.u32 s10, $0x2;
	(pc) =	sbr.rel @!p2 .LBB1_6-.Ltmp1, $4  }
0x16: {  	s12 =	simm.s32 @!p1 $0x2  }
0x17: {  	s14 =	sadd.s32 $0x1, s10;
	_ =	swait.ge @!p1 [sflag:s12], $0x2000  }
0x18: {  	s11 =	smov.u32 s9;
	p0 =	por !p0, !p0;
	[sflag:s12] =	ssyncset.done @!p1 $0x0  }
0x19: {  	s10 =	smov.u32 s14;
	s9 =	smov.u32 s13;
	[sflag:s12] =	ssyncadd.s32 @!p1 $0xFFFFE000  }
.LBB1_1:
0x1a: {  	p1 =	sge.u32 s10, s6  }
0x1b: {  	s12 =	smulhi.u32 @!p1 $0x5397829D, s9;
	_ =	sdelay $0x1  }
0x1c: {  	s12 =	sshrl.u32 @!p1 s12, $0x17  }
0x1d: {  	s12 =	smul.u32 @!p1 $0x1880000, s12;
	_ =	sdelay $0x1  }
0x1e: {  	s13 =	sxor.u32 @!p1 $0xFFFFFFFF, s10;
	s12 =	ssub.s32 @!p1 s9, s12  }
0x1f: {  	s31 =	sadd.s32 $0xFFFFFFFF, s10;
	s13 =	sshll.u32 @!p1 s13, $0xD;
	s14 =	sshrl.u32 @!p1 s12, $0x3  }
0x20: {  	s13 =	sand.u32 @!p1 $0x2000, s13;
	s12 =	sand.u32 @!p1 $0x7, s12;
	s14 =	sadd.s32 @!p1 s3, s14  }
0x21: {  	[tilespmem:s13], [sflag:$0x1] =	stream.linear.gather @!p1 [hbm4b:s14+s12], $0x2000, $0x38;
	[tilespmem:$0x8000] =	vst v63  }
0x22: {  	p1 =	sge.u32 s31, s6  }
.Ltmp2:
0x23: {  	_ = 	snop;
	(pc) =	sbr.rel @p1 .LBB1_5-.Ltmp2, $1  }
0x24: {  	_ =	sdelay $0x3  }
0x25: {  	s12 =	simm.s32 $0x1  }
0x26: {  	_ =	swait.ge [sflag:s5], $0x2000;
	s12 =	simm.s32 @!p0 $0x0  }
0x27: {  	[sflag:s5] =	ssyncset.done $0x0;
	s12 =	sshll.u32 s12, $0xD  }
0x28: {  	[sflag:s5] =	ssyncadd.s32 $0xFFFFE000;
	s15 =	sor.u32 $0x100, s12  }
0x29: {  	v0 =	vld [tilespmem:s15+$0xF0]  }
0x2a: {  	v1 =	vld [tilespmem:s15+$0xFFFFFF10]  }
0x2b: {  	v2 =	vld [tilespmem:s15+$0xFFFFFF20]  }
0x2c: {  	v3 =	vld [tilespmem:s15+$0xFFFFFF30]  }
0x2d: {  	s12 =	sor.u32 $0x4100, s12;
	v4 =	vld [tilespmem:s15+$0xFFFFFF40]  }
0x2e: {  	v5 =	vld [tilespmem:s15+$0xFFFFFF50];
	[tilespmem:s12+$0xF0] =	vst v0  }
0x2f: {  	[tilespmem:s12+$0xFFFFFF10] =	vst v1;
	v0 =	vld [tilespmem:s15+$0xFFFFFF60]  }
0x30: {  	[tilespmem:s12+$0xFFFFFF20] =	vst v2;
	v1 =	vld [tilespmem:s15+$0xFFFFFF70]  }
0x31: {  	[tilespmem:s12+$0xFFFFFF30] =	vst v3;
	v2 =	vld [tilespmem:s15+$0xFFFFFF80]  }
0x32: {  	[tilespmem:s12+$0xFFFFFF40] =	vst v4;
	v3 =	vld [tilespmem:s15+$0xFFFFFF90]  }
0x33: {  	[tilespmem:s12+$0xFFFFFF50] =	vst v5;
	v4 =	vld [tilespmem:s15+$0xFFFFFFA0]  }
0x34: {  	v5 =	vld [tilespmem:s15+$0xA0];
	[tilespmem:s12+$0xFFFFFF60] =	vst v0  }
0x35: {  	[tilespmem:s12+$0xFFFFFF70] =	vst v1;
	v1 =	vld [tilespmem:s15+$0xFFFFFFC0]  }
0x36: {  	v0 =	vld [tilespmem:s15+$0xFFFFFFB0];
	[tilespmem:s12+$0xFFFFFF80] =	vst v2  }
0x37: {  	v2 =	vld [tilespmem:s15+$0xFFFFFFD0];
	[tilespmem:s12+$0xFFFFFF90] =	vst v3  }
0x38: {  	v3 =	vld [tilespmem:s15+$0xFFFFFFE0];
	[tilespmem:s12+$0xFFFFFFA0] =	vst v4  }
0x39: {  	v4 =	vld [tilespmem:s15+$0xFFFFFFF0];
	[tilespmem:s12+$0xA0] =	vst v5  }
0x3a: {  	[tilespmem:s12+$0xFFFFFFC0] =	vst v1;
	v1 =	vld [tilespmem:s15+$0x10]  }
0x3b: {  	[tilespmem:s12+$0xFFFFFFB0] =	vst v0;
	v0 =	vld [tilespmem:s15+$0x0]  }
0x3c: {  	[tilespmem:s12+$0xFFFFFFD0] =	vst v2;
	v2 =	vld [tilespmem:s15+$0x20]  }
0x3d: {  	[tilespmem:s12+$0xFFFFFFE0] =	vst v3;
	v3 =	vld [tilespmem:s15+$0x30]  }
0x3e: {  	[tilespmem:s12+$0xFFFFFFF0] =	vst v4;
	v4 =	vld [tilespmem:s15+$0x40]  }
0x3f: {  	[tilespmem:s12+$0x10] =	vst v1;
	v1 =	vld [tilespmem:s15+$0x60]  }
0x40: {  	[tilespmem:s12+$0x0] =	vst v0;
	v0 =	vld [tilespmem:s15+$0x50]  }
0x41: {  	[tilespmem:s12+$0x20] =	vst v2;
	v2 =	vld [tilespmem:s15+$0x70]  }
0x42: {  	[tilespmem:s12+$0x30] =	vst v3;
	v3 =	vld [tilespmem:s15+$0x80]  }
0x43: {  	[tilespmem:s12+$0x40] =	vst v4;
	v4 =	vld [tilespmem:s15+$0x90]  }
0x44: {  	[tilespmem:s12+$0x60] =	vst v1;
	v1 =	vld [tilespmem:s15+$0xB0]  }
0x45: {  	[tilespmem:s12+$0x50] =	vst v0;
	v0 =	vld [tilespmem:s15+$0xC0]  }
0x46: {  	s13 =	sshll.u32 s10, $0xD;
	[tilespmem:s12+$0x70] =	vst v2;
	v2 =	vld [tilespmem:s15+$0xD0]  }
0x47: {  	s13 =	sand.u32 $0x2000, s13;
	[tilespmem:s12+$0x80] =	vst v3;
	v3 =	vld [tilespmem:s15+$0xE0]  }
0x48: {  	s14 =	simm.s32 $0x0;
	s13 =	sor.u32 $0x4000, s13;
	[tilespmem:s12+$0x90] =	vst v4;
	v4 =	vld [tilespmem:s15+$0xFFFFFF00];
	s15 =	sadd.s32 $0x200, s15  }
.LBB1_3:
0x49: {  	v5 =	vld [tilespmem:s15+$0xF0];
	s14 =	sadd.s32 $0x200, s14;
	[tilespmem:s12+$0xB0] =	vst v1  }
0x4a: {  	v1 =	vld [tilespmem:s15+$0xFFFFFF10];
	p1 =	slt.u32 s14, $0x1E00;
	[tilespmem:s12+$0xC0] =	vst v0  }
0x4b: {  	v0 =	vld [tilespmem:s15+$0xFFFFFF20];
	[tilespmem:s12+$0xD0] =	vst v2  }
0x4c: {  	v2 =	vld [tilespmem:s15+$0xFFFFFF30];
	[tilespmem:s12+$0xE0] =	vst v3  }
0x4d: {  	v3 =	vld [tilespmem:s15+$0xFFFFFF40];
	[tilespmem:s12+$0xFFFFFF00] =	vst v4;
	s12 =	sadd.s32 $0x200, s12  }
0x4e: {  	v4 =	vld [tilespmem:s15+$0xFFFFFF50];
	[tilespmem:s12+$0xF0] =	vst v5  }
0x4f: {  	[tilespmem:s12+$0xFFFFFF10] =	vst v1;
	v1 =	vld [tilespmem:s15+$0xFFFFFF60]  }
0x50: {  	[tilespmem:s12+$0xFFFFFF20] =	vst v0;
	v0 =	vld [tilespmem:s15+$0xFFFFFF70]  }
0x51: {  	[tilespmem:s12+$0xFFFFFF30] =	vst v2;
	v2 =	vld [tilespmem:s15+$0xFFFFFF80]  }
0x52: {  	[tilespmem:s12+$0xFFFFFF40] =	vst v3;
	v3 =	vld [tilespmem:s15+$0xFFFFFF90]  }
0x53: {  	[tilespmem:s12+$0xFFFFFF50] =	vst v4;
	v4 =	vld [tilespmem:s15+$0xFFFFFFA0]  }
0x54: {  	[tilespmem:s12+$0xFFFFFF60] =	vst v1;
	v1 =	vld [tilespmem:s15+$0xFFFFFFB0]  }
0x55: {  	[tilespmem:s12+$0xFFFFFF70] =	vst v0;
	v0 =	vld [tilespmem:s15+$0xFFFFFFC0]  }
0x56: {  	[tilespmem:s12+$0xFFFFFF80] =	vst v2;
	v2 =	vld [tilespmem:s15+$0xFFFFFFD0]  }
0x57: {  	[tilespmem:s12+$0xFFFFFF90] =	vst v3;
	v3 =	vld [tilespmem:s15+$0xFFFFFFE0]  }
0x58: {  	[tilespmem:s12+$0xFFFFFFA0] =	vst v4;
	v4 =	vld [tilespmem:s15+$0xFFFFFFF0]  }
0x59: {  	[tilespmem:s12+$0xFFFFFFB0] =	vst v1;
	v1 =	vld [tilespmem:s15+$0x0]  }
0x5a: {  	[tilespmem:s12+$0xFFFFFFC0] =	vst v0;
	v0 =	vld [tilespmem:s15+$0x10]  }
0x5b: {  	[tilespmem:s12+$0xFFFFFFD0] =	vst v2;
	v2 =	vld [tilespmem:s15+$0x20]  }
0x5c: {  	[tilespmem:s12+$0xFFFFFFE0] =	vst v3;
	v3 =	vld [tilespmem:s15+$0x30]  }
0x5d: {  	[tilespmem:s12+$0xFFFFFFF0] =	vst v4;
	v4 =	vld [tilespmem:s15+$0x40]  }
0x5e: {  	[tilespmem:s12+$0x0] =	vst v1;
	v1 =	vld [tilespmem:s15+$0x50]  }
0x5f: {  	[tilespmem:s12+$0x10] =	vst v0;
	v0 =	vld [tilespmem:s15+$0x60]  }
0x60: {  	[tilespmem:s12+$0x20] =	vst v2;
	v2 =	vld [tilespmem:s15+$0x70]  }
0x61: {  	[tilespmem:s12+$0x30] =	vst v3;
	v3 =	vld [tilespmem:s15+$0x80]  }
0x62: {  	[tilespmem:s12+$0x40] =	vst v4;
	v4 =	vld [tilespmem:s15+$0x90]  }
0x63: {  	[tilespmem:s12+$0x50] =	vst v1;
	v5 =	vld [tilespmem:s15+$0xA0]  }
.Ltmp3:
0x64: {  	[tilespmem:s12+$0x60] =	vst v0;
	v1 =	vld [tilespmem:s15+$0xB0];
	(pc) =	sbr.rel @p1 .LBB1_3-.Ltmp3, $4  }
0x65: {  	[tilespmem:s12+$0x70] =	vst v2;
	v0 =	vld [tilespmem:s15+$0xC0]  }
0x66: {  	[tilespmem:s12+$0x80] =	vst v3;
	v2 =	vld [tilespmem:s15+$0xD0]  }
0x67: {  	[tilespmem:s12+$0x90] =	vst v4;
	v3 =	vld [tilespmem:s15+$0xE0]  }
0x68: {  	v4 =	vld [tilespmem:s15+$0xFFFFFF00];
	[tilespmem:s12+$0xA0] =	vst v5;
	s15 =	sadd.s32 $0x200, s15  }
.Ltmp4:
0x69: {  	_ = 	snop;
	(pc) =	sbr.rel .LBB1_4-.Ltmp4, $1  }
0x6a: {  	_ =	sdelay $0x3  }
.LBB1_6:
0x6b: {  	_ =	sfence.sel $0x180000  }
0x6c: {  	s2 =	simm.s32 $0x1;
	[bflag:$0x0] =	sbarrier.arrive $0xFFFF  }
0x6d: {  	s31 =	simm.s32 $0x2;
	[sflag:s2] =	ssyncpa.u1 $0x1  }
0x6e: {  	[sflag:s31] =	ssyncpa.u1 $0x1  }
0x6f: {  	p0 =	sne.s32 s0, $0x0;
	_ =	strace $0x9000004A  }
0x70: {  	s0 =	sadd.s32 @!p0 $0x100000, s1;
	[bflag:$0x2] =	sbarrier.arrive $0xFFFF  }
0x71: {  	[sflag:s0] =	ssyncadd.tile.s32 @!p0 $0x1;
	_ =	shalt  }
.Lfunc_end1:
_tile_overlayer_lowered:
.L_overlay_start_2:
0x72: {  	(tag) =	ssettag $0x2  }
0x73: {  	s0 =	rddreg [dreg:$0x0];
	s2 =	stileid.u32  }
0x74: {  	s1 =	rddreg [dreg:$0x1];
	p0 =	sne.s32 s2, $0x0  }
0x75: {  	s3 =	rddreg [dreg:$0x2];
	[bflag:$0x3] =	sbarrier.arrive $0xFFFF;
	s2 =	simm.s32 @!p0 $0x1C01  }
0x76: {  	[timem:s3], [sflag:s2] =	dma.local @!p0 [hbm:s0], s1  }
0x77: {  	s0 =	simm.s32 @!p0 $0x1  }
0x78: {  	_ =	swait.ge @!p0 [sflag:s0], s1  }
0x79: {  	s1 =	ssub.s32 @!p0 $0x0, s1;
	[sflag:s0] =	ssyncset.done @!p0 $0x0  }
0x7a: {  	[sflag:s0] =	ssyncadd.s32 @!p0 s1  }
0x7b: {  	[bflag:$0x3] =	sbarrier.arrive $0xFFFF  }
0x7c: {  	_ =	shalt  }

</sc_bundles>
